<compile_context>
chip_gen: v7x
topology: tpu7x:2x2x1
jax: 0.10.2.dev20260603
libtpu: 0.0.44.dev20260713+nightly
codegen_flags: <defaults>
</compile_context>

<pallas_src>
import functools

import jax
import jax.numpy as jnp
import numpy as np
from jax import lax
from jax.experimental import pallas as pl
from jax.experimental.pallas import tpu as pltpu
from jax.experimental.pallas import tpu_sc as plsc

_STRIDES = 2
_H = 112
_W = 112
_C = 96
_B = 4
_HD = _H * _STRIDES
_WD = _W * _STRIDES
_NW = 32
_ROWS_PER_W = (_B * _HD) // _NW
_WPB = _HD // _ROWS_PER_W
_WG = _W // 16
_WDG = _WD // 16


def _interp_tables(src_size):
    s = float(src_size - 1)
    d = np.arange(2 * src_size, dtype=np.float64)
    low = (d - 1.0) / 1.5
    high = (d - 1.0 + 0.5 - (s - 1.0) * 2.0) / 1.5 + (s - 1.0)
    mid = (d - 1.0 + 0.5) / 2.0
    src = np.where(d < 2.5, low, np.where(d > 1.0 + (s - 1.0) * 2.0 - 0.5, high, mid))
    r0 = np.floor(src).astype(np.int64)
    fr = src - r0
    w0 = (1.0 - fr) * ((r0 >= 0) & (r0 < src_size))
    w1 = fr * ((r0 + 1 >= 0) & (r0 + 1 < src_size))
    base = np.clip(r0, 0, src_size - 2)
    tap0 = np.select([r0 < 0, r0 > src_size - 2], [w1, 0.0], w0)
    tap1 = np.select([r0 < 0, r0 > src_size - 2], [0.0, w0], w1)
    return (base.astype(np.int32), tap0.astype(np.float32),
            tap1.astype(np.float32))


_R0_NP, _W0_NP, _W1_NP = _interp_tables(_H)
_C0_NP, _V0_NP, _V1_NP = _interp_tables(_W)

_ROW_SPECIALS = [(i, int(_R0_NP[i]), float(_W0_NP[i]), float(_W1_NP[i]))
                 for i in (0, 1, 2, _HD - 3, _HD - 2, _HD - 1)]
_COL_SPECIALS = [(j, int(_C0_NP[j]), float(_V0_NP[j]), float(_V1_NP[j]))
                 for j in (0, 1, 2, _WD - 3, _WD - 2, _WD - 1)]

_PAIRS = _ROWS_PER_W // 2


@functools.partial(
    pl.kernel,
    mesh=plsc.VectorSubcoreMesh(core_axis_name="c", subcore_axis_name="s"),
    out_type=jax.ShapeDtypeStruct((_B, _HD, _C, _WD), jnp.float32),
    compiler_params=pltpu.CompilerParams(
        needs_layout_passes=False, skip_device_barrier=True),
    scratch_types=[
        pltpu.VMEM((_C, _W), jnp.float32),
        pltpu.VMEM((_C, _W), jnp.float32),
        pltpu.VMEM((_C, _W), jnp.float32),
        pltpu.VMEM((_C, _W), jnp.float32),
        pltpu.VMEM((_C * _W,), jnp.float32),
        pltpu.VMEM((_C, _WD), jnp.float32),
        pltpu.VMEM((_C, _WD), jnp.float32),
        pltpu.SemaphoreType.DMA,
        pltpu.SemaphoreType.DMA,
        pltpu.SemaphoreType.DMA,
        pltpu.SemaphoreType.DMA,
    ],
)
def _upsample_sc(x_hbm, out_hbm, a0, b0, a1, b1, row_t, o0, o1,
                 in_sem0, in_sem1, out_sem0, out_sem1):
    cid = lax.axis_index("c")
    sid = lax.axis_index("s")
    wid = sid * 2 + cid
    batch = wid // _WPB
    i_base = (wid % _WPB) * _ROWS_PER_W

    def row_params(i):
        odd = i & 1
        k = i >> 1
        r0 = k - 1 + odd
        w0 = jnp.where(odd == 1, jnp.float32(0.75), jnp.float32(0.25))
        w1 = jnp.where(odd == 1, jnp.float32(0.25), jnp.float32(0.75))
        for si, sr0, sw0, sw1 in _ROW_SPECIALS:
            hit = i == si
            r0 = jnp.where(hit, sr0, r0)
            w0 = jnp.where(hit, jnp.float32(sw0), w0)
            w1 = jnp.where(hit, jnp.float32(sw1), w1)
        return r0, w0, w1

    def fetch(i, a, b, sem):
        r0, _, _ = row_params(i)
        pltpu.async_copy(x_hbm.at[batch, r0], a, sem)
        pltpu.async_copy(x_hbm.at[batch, r0 + 1], b, sem)

    fetch(i_base, a0, b0, in_sem0)
    fetch(i_base + 1, a1, b1, in_sem1)

    jl = lax.iota(jnp.int32, 16)
    zero_v = jl & 0
    fifteen_v = zero_v + 15
    lane0 = jl == 0
    lane15 = jl == 15
    rel_e0 = jnp.maximum((jl - 1) >> 1, 0)
    rel_e1 = (jl + 1) >> 1
    rel_o0 = ((jl + 1) >> 1) + 7
    rel_o1c = jnp.minimum(rel_o0 + 1, 15)
    odd_l = (jl & 1) == 1
    v0_int = jnp.where(odd_l, jnp.float32(0.75), jnp.float32(0.25))
    v1_int = jnp.where(odd_l, jnp.float32(0.25), jnp.float32(0.75))
    v0_b0, v1_b0 = v0_int, v1_int
    v0_b13, v1_b13 = v0_int, v1_int
    idx0_b13 = rel_o0
    for sj, sc0, sv0, sv1 in _COL_SPECIALS:
        if sj < 16:
            hit = jl == sj
            v0_b0 = jnp.where(hit, jnp.float32(sv0), v0_b0)
            v1_b0 = jnp.where(hit, jnp.float32(sv1), v1_b0)
        else:
            hit = jl == (sj - (_WD - 16))
            v0_b13 = jnp.where(hit, jnp.float32(sv0), v0_b13)
            v1_b13 = jnp.where(hit, jnp.float32(sv1), v1_b13)
            idx0_b13 = jnp.where(hit, sc0 - 16 * (_WG - 1), idx0_b13)

    def _dg(vec, idx):
        return jnp.take_along_axis(vec, idx, axis=0)

    _MEM_BLOCKS = (1, 3, 5, 7, 9)

    def do_row(i, m, a, b, o, in_sem, out_sem):
        pltpu.make_async_copy(x_hbm.at[0, 0], a, in_sem).wait()
        pltpu.make_async_copy(x_hbm.at[0, 0], b, in_sem).wait()
        _, w0, w1 = row_params(i)

        @pl.when(m >= 1)
        def _():
            pltpu.make_async_copy(o, out_hbm.at[0, 0], out_sem).wait()

        @plsc.parallel_loop(0, _C, unroll=2)
        def fused(c):
            base = c * _W
            t = []
            for g in range(_WG):
                sl = pl.ds(g * 16, 16)
                tg = w0 * a[c, sl] + w1 * b[c, sl]
                t.append(tg)
                if g < _WG - 1:
                    row_t[pl.ds(base + g * 16, 16)] = tg
            s0 = rel_o0 + base
            for blk in range(_WDG):
                g = blk // 2
                if blk == 0:
                    t0 = _dg(t[0], rel_e0)
                    t1 = _dg(t[0], rel_e1)
                    v0, v1 = v0_b0, v1_b0
                elif blk == _WDG - 1:
                    t0 = _dg(t[_WG - 1], idx0_b13)
                    t1 = _dg(t[_WG - 1], rel_o1c)
                    v0, v1 = v0_b13, v1_b13
                elif blk in _MEM_BLOCKS:
                    t0 = plsc.load_gather(row_t, [s0 + 16 * g])
                    t1 = plsc.load_gather(row_t, [s0 + (16 * g + 1)])
                    v0, v1 = v0_int, v1_int
                elif blk % 2 == 0:
                    t0 = jnp.where(lane0, _dg(t[g - 1], fifteen_v),
                                   _dg(t[g], rel_e0))
                    t1 = _dg(t[g], rel_e1)
                    v0, v1 = v0_int, v1_int
                else:
                    t0 = _dg(t[g], rel_o0)
                    t1 = jnp.where(lane15, _dg(t[g + 1], zero_v),
                                   _dg(t[g], rel_o1c))
                    v0, v1 = v0_int, v1_int
                o[c, pl.ds(blk * 16, 16)] = v0 * t0 + v1 * t1

        pltpu.async_copy(o, out_hbm.at[batch, i], out_sem)

        @pl.when(m < _PAIRS - 1)
        def _():
            fetch(i + 2, a, b, in_sem)

    def per_pair(m, carry):
        i0 = i_base + 2 * m
        do_row(i0, m, a0, b0, o0, in_sem0, out_sem0)
        do_row(i0 + 1, m, a1, b1, o1, in_sem1, out_sem1)
        return carry

    lax.fori_loop(0, _PAIRS, per_pair, 0)
    pltpu.make_async_copy(o0, out_hbm.at[0, 0], out_sem0).wait()
    pltpu.make_async_copy(o1, out_hbm.at[0, 1], out_sem1).wait()


def kernel(inputs):
    x_t = jnp.transpose(inputs, (0, 1, 3, 2))
    out_t = _upsample_sc(x_t)
    return jnp.transpose(out_t, (0, 1, 3, 2))

# --- scband reference (transcript-rebuilt; emitter-appended) ---
"""Pipeline reference for scband-un-average-pooling2-d-11879879541213 (READ-ONLY COPY).

The authoritative reference and input builder live on the scoring server;
editing this copy changes nothing except your own understanding.
"""

import jax, jax.numpy as jnp
import numpy as np

STRIDES = 2


def _dest_to_source(dest, stride, dsi, max_source):
    # Vectorized version of UnAveragePooling2D._dest_to_rource
    dest = dest.astype(jnp.float32)
    low = (dest - dsi) / (stride - 0.5)
    high = (dest - dsi + 0.5 - (max_source - 1.0) * stride) / (stride - 0.5) + (max_source - 1.0)
    mid = (dest - dsi + 0.5) / stride
    return jnp.where(
        dest < dsi + stride - 0.5,
        low,
        jnp.where(dest > dsi + (max_source - 1.0) * stride - 0.5, high, mid),
    )


def _unaverage_pool(inputs, strides):
    B, H, W, C = inputs.shape
    Hd, Wd = H * strides, W * strides
    dsi = float(strides // 2)
    src_r = _dest_to_source(jnp.arange(Hd), float(strides), dsi, float(H - 1))
    src_c = _dest_to_source(jnp.arange(Wd), float(strides), dsi, float(W - 1))
    r0 = jnp.floor(src_r).astype(jnp.int32)
    c0 = jnp.floor(src_c).astype(jnp.int32)
    fr = (src_r - r0.astype(jnp.float32))[None, :, None, None]
    fc = (src_c - c0.astype(jnp.float32))[None, None, :, None]

    def safe_lookup(r, c):
        # _safe_lookup_pixel: out-of-range -> zeros (fade to black)
        valid = ((r >= 0) & (r < H))[:, None] & ((c >= 0) & (c < W))[None, :]
        rc = jnp.clip(r, 0, H - 1)
        cc = jnp.clip(c, 0, W - 1)
        vals = inputs[:, rc[:, None], cc[None, :], :]  # gather -> [B, Hd, Wd, C]
        return vals * valid[None, :, :, None].astype(inputs.dtype)

    p00 = safe_lookup(r0, c0)
    p01 = safe_lookup(r0, c0 + 1)
    p10 = safe_lookup(r0 + 1, c0)
    p11 = safe_lookup(r0 + 1, c0 + 1)
    return (p00 * (1 - fr) * (1 - fc)
            + p01 * (1 - fr) * fc
            + p10 * fr * (1 - fc)
            + p11 * fr * fc)


def setup_inputs(seed: int = 0) -> dict:
    key = jax.random.key(seed)
    inputs = jax.random.normal(key, (4, 112, 112, 96), dtype=jnp.float32)
    return {"inputs": inputs}


def reference(inputs):
    return _unaverage_pool(inputs, STRIDES)

if __name__ == "__main__":
    import jax
    _d = setup_inputs()
    print(jax.jit(kernel)(*tuple(_d.values())))

</pallas_src>

<mosaic_0001>
#map = affine_map<(d0, d1) -> (0, 0, 0, 0)>
module attributes {stable_mosaic.version = 14 : i64} {
  func.func @_upsample_sc(%arg0: i32, %arg1: i32, %arg2: memref<4x112x96x112xf32, #tpu.memory_space<hbm>>, %arg3: memref<4x224x96x224xf32, #tpu.memory_space<hbm>>, %arg4: memref<96x112xf32, #tpu.memory_space<vmem>>, %arg5: memref<96x112xf32, #tpu.memory_space<vmem>>, %arg6: memref<96x112xf32, #tpu.memory_space<vmem>>, %arg7: memref<96x112xf32, #tpu.memory_space<vmem>>, %arg8: memref<10752xf32, #tpu.memory_space<vmem>>, %arg9: memref<96x224xf32, #tpu.memory_space<vmem>>, %arg10: memref<96x224xf32, #tpu.memory_space<vmem>>, %arg11: memref<!tpu.dma_semaphore, #tpu.memory_space<semaphore_mem>>, %arg12: memref<!tpu.dma_semaphore, #tpu.memory_space<semaphore_mem>>, %arg13: memref<!tpu.dma_semaphore, #tpu.memory_space<semaphore_mem>>, %arg14: memref<!tpu.dma_semaphore, #tpu.memory_space<semaphore_mem>>) attributes {dimension_semantics = [#tpu.dimension_semantics<core_parallel>, #tpu.dimension_semantics<subcore_parallel>], iteration_bounds = array<i64: 2, 16>, scalar_prefetch = 0 : i64, scratch_operands = 11 : i64, tpu.core_type = #tpu.core_type<sc_vector_subcore>, window_params = [{transform_indices = #map}, {transform_indices = #map}]} {
    %mul3A = arith.constant 2 : i32
    %mul3A_0 = arith.muli %arg1, %mul3A : i32
    %add3A = arith.addi %mul3A_0, %arg0 : i32
    %jit3A = arith.constant 8 : i32
    %div3A = arith.divsi %add3A, %jit3A : i32
    %sign3A = arith.constant 0 : i32
    %sign3A_1 = arith.cmpi sgt, %add3A, %sign3A : i32
    %sign3A_2 = arith.extui %sign3A_1 : i1 to i32
    %sign3A_3 = arith.constant 0 : i32
    %sign3A_4 = arith.cmpi slt, %add3A, %sign3A_3 : i32
    %sign3A_5 = arith.extui %sign3A_4 : i1 to i32
    %sign3A_6 = arith.subi %sign3A_2, %sign3A_5 : i32
    %sign3A_7 = arith.constant 0 : i32
    %sign3A_8 = arith.cmpi sgt, %jit3A, %sign3A_7 : i32
    %sign3A_9 = arith.extui %sign3A_8 : i1 to i32
    %sign3A_10 = arith.constant 0 : i32
    %sign3A_11 = arith.cmpi slt, %jit3A, %sign3A_10 : i32
    %sign3A_12 = arith.extui %sign3A_11 : i1 to i32
    %sign3A_13 = arith.subi %sign3A_9, %sign3A_12 : i32
    %ne3A = arith.cmpi ne, %sign3A_6, %sign3A_13 : i32
    %rem3A = arith.remsi %add3A, %jit3A : i32
    %ne3A_14 = arith.constant 0 : i32
    %ne3A_15 = arith.cmpi ne, %rem3A, %ne3A_14 : i32
    %and3A = arith.andi %ne3A, %ne3A_15 : i1
    %sub3A = arith.constant 1 : i32
    %sub3A_16 = arith.subi %div3A, %sub3A : i32
    %select_n3A = arith.select %and3A, %sub3A_16, %div3A : i32
    %jit3A_17 = arith.constant 8 : i32
    %eq3A = arith.constant 0 : i32
    %eq3A_18 = arith.cmpi eq, %jit3A_17, %eq3A : i32
    %jit3A_19 = arith.constant 1 : i32
    %select_n3A_20 = arith.select %eq3A_18, %jit3A_19, %jit3A_17 : i32
    %rem3A_21 = arith.remsi %add3A, %select_n3A_20 : i32
    %ne3A_22 = arith.constant 0 : i32
    %ne3A_23 = arith.cmpi ne, %rem3A_21, %ne3A_22 : i32
    %lt3A = arith.constant 0 : i32
    %lt3A_24 = arith.cmpi slt, %rem3A_21, %lt3A : i32
    %lt3A_25 = arith.constant 0 : i32
    %lt3A_26 = arith.cmpi slt, %select_n3A_20, %lt3A_25 : i32
    %ne3A_27 = arith.xori %lt3A_24, %lt3A_26 : i1
    %and3A_28 = arith.andi %ne3A_27, %ne3A_23 : i1
    %add3A_29 = arith.addi %rem3A_21, %select_n3A_20 : i32
    %select_n3A_30 = arith.select %and3A_28, %add3A_29, %rem3A_21 : i32
    %mul3A_31 = arith.constant 28 : i32
    %mul3A_32 = arith.muli %select_n3A_30, %mul3A_31 : i32
    %and3A_33 = arith.constant 1 : i32
    %and3A_34 = arith.andi %mul3A_32, %and3A_33 : i32
    %shift_right_arithmetic3A = arith.constant 1 : i32
    %shift_right_arithmetic3A_35 = arith.shrsi %mul3A_32, %shift_right_arithmetic3A : i32
    %sub3A_36 = arith.constant 1 : i32
    %sub3A_37 = arith.subi %shift_right_arithmetic3A_35, %sub3A_36 : i32
    %add3A_38 = arith.addi %sub3A_37, %and3A_34 : i32
    %eq3A_39 = arith.constant 1 : i32
    %eq3A_40 = arith.cmpi eq, %and3A_34, %eq3A_39 : i32
    %jit3A_41 = arith.constant 7.500000e-01 : f32
    %jit3A_42 = arith.constant 2.500000e-01 : f32
    %select_n3A_43 = arith.select %eq3A_40, %jit3A_41, %jit3A_42 : f32
    %eq3A_44 = arith.constant 1 : i32
    %eq3A_45 = arith.cmpi eq, %and3A_34, %eq3A_44 : i32
    %jit3A_46 = arith.constant 2.500000e-01 : f32
    %jit3A_47 = arith.constant 7.500000e-01 : f32
    %select_n3A_48 = arith.select %eq3A_45, %jit3A_46, %jit3A_47 : f32
    %eq3A_49 = arith.constant 0 : i32
    %eq3A_50 = arith.cmpi eq, %mul3A_32, %eq3A_49 : i32
    %jit3A_51 = arith.constant 0 : i32
    %select_n3A_52 = arith.select %eq3A_50, %jit3A_51, %add3A_38 : i32
    %jit3A_53 = arith.constant 0.333333343 : f32
    %select_n3A_54 = arith.select %eq3A_50, %jit3A_53, %select_n3A_43 : f32
    %jit3A_55 = arith.constant 0.000000e+00 : f32
    %select_n3A_56 = arith.select %eq3A_50, %jit3A_55, %select_n3A_48 : f32
    %eq3A_57 = arith.constant 1 : i32
    %eq3A_58 = arith.cmpi eq, %mul3A_32, %eq3A_57 : i32
    %jit3A_59 = arith.constant 0 : i32
    %select_n3A_60 = arith.select %eq3A_58, %jit3A_59, %select_n3A_52 : i32
    %jit3A_61 = arith.constant 1.000000e+00 : f32
    %select_n3A_62 = arith.select %eq3A_58, %jit3A_61, %select_n3A_54 : f32
    %jit3A_63 = arith.constant 0.000000e+00 : f32
    %select_n3A_64 = arith.select %eq3A_58, %jit3A_63, %select_n3A_56 : f32
    %eq3A_65 = arith.constant 2 : i32
    %eq3A_66 = arith.cmpi eq, %mul3A_32, %eq3A_65 : i32
    %jit3A_67 = arith.constant 0 : i32
    %select_n3A_68 = arith.select %eq3A_66, %jit3A_67, %select_n3A_60 : i32
    %jit3A_69 = arith.constant 0.333333343 : f32
    %select_n3A_70 = arith.select %eq3A_66, %jit3A_69, %select_n3A_62 : f32
    %jit3A_71 = arith.constant 0.666666686 : f32
    %select_n3A_72 = arith.select %eq3A_66, %jit3A_71, %select_n3A_64 : f32
    %eq3A_73 = arith.constant 221 : i32
    %eq3A_74 = arith.cmpi eq, %mul3A_32, %eq3A_73 : i32
    %jit3A_75 = arith.constant 110 : i32
    %select_n3A_76 = arith.select %eq3A_74, %jit3A_75, %select_n3A_68 : i32
    %jit3A_77 = arith.constant 0.666666686 : f32
    %select_n3A_78 = arith.select %eq3A_74, %jit3A_77, %select_n3A_70 : f32
    %jit3A_79 = arith.constant 0.333333343 : f32
    %select_n3A_80 = arith.select %eq3A_74, %jit3A_79, %select_n3A_72 : f32
    %eq3A_81 = arith.constant 222 : i32
    %eq3A_82 = arith.cmpi eq, %mul3A_32, %eq3A_81 : i32
    %jit3A_83 = arith.constant 110 : i32
    %select_n3A_84 = arith.select %eq3A_82, %jit3A_83, %select_n3A_76 : i32
    %jit3A_85 = arith.constant 0.000000e+00 : f32
    %select_n3A_86 = arith.select %eq3A_82, %jit3A_85, %select_n3A_78 : f32
    %jit3A_87 = arith.constant 1.000000e+00 : f32
    %select_n3A_88 = arith.select %eq3A_82, %jit3A_87, %select_n3A_80 : f32
    %eq3A_89 = arith.constant 223 : i32
    %eq3A_90 = arith.cmpi eq, %mul3A_32, %eq3A_89 : i32
    %jit3A_91 = arith.constant 110 : i32
    %select_n3A_92 = arith.select %eq3A_90, %jit3A_91, %select_n3A_84 : i32
    %jit3A_93 = arith.constant 0.000000e+00 : f32
    %select_n3A_94 = arith.select %eq3A_90, %jit3A_93, %select_n3A_86 : f32
    %jit3A_95 = arith.constant 0.333333343 : f32
    %select_n3A_96 = arith.select %eq3A_90, %jit3A_95, %select_n3A_88 : f32
    %dma_start3A = arith.constant 0 : i32
    %dma_start3A_97 = arith.constant 0 : i32
    %dma_start3A_98 = tpu.memref_slice %arg2[%select_n3A, %select_n3A_92, %dma_start3A, %dma_start3A_97] : memref<4x112x96x112xf32, #tpu.memory_space<hbm>> -> memref<1x1x96x112xf32, #tpu.memory_space<hbm>>
    %dma_start3A_99 = tpu.memref_squeeze %dma_start3A_98 : memref<1x1x96x112xf32, #tpu.memory_space<hbm>> -> memref<96x112xf32, #tpu.memory_space<hbm>>
    %dma_start3A_100 = arith.constant 0 : i32
    %dma_start3A_101 = arith.constant 0 : i32
    %dma_start3A_102 = tpu.memref_slice %arg2[%select_n3A, %select_n3A_92, %dma_start3A_100, %dma_start3A_101] : memref<4x112x96x112xf32, #tpu.memory_space<hbm>> -> memref<1x1x96x112xf32, #tpu.memory_space<hbm>>
    %dma_start3A_103 = tpu.memref_squeeze %dma_start3A_102 : memref<1x1x96x112xf32, #tpu.memory_space<hbm>> -> memref<96x112xf32, #tpu.memory_space<hbm>>
    tpu.enqueue_dma source(%dma_start3A_103 : memref<96x112xf32, #tpu.memory_space<hbm>>) target(%arg4 : memref<96x112xf32, #tpu.memory_space<vmem>>) target_semaphore(%arg11 : memref<!tpu.dma_semaphore, #tpu.memory_space<semaphore_mem>>)
    %add3A_104 = arith.constant 1 : i32
    %add3A_105 = arith.addi %select_n3A_92, %add3A_104 : i32
    %dma_start3A_106 = arith.constant 0 : i32
    %dma_start3A_107 = arith.constant 0 : i32
    %dma_start3A_108 = tpu.memref_slice %arg2[%select_n3A, %add3A_105, %dma_start3A_106, %dma_start3A_107] : memref<4x112x96x112xf32, #tpu.memory_space<hbm>> -> memref<1x1x96x112xf32, #tpu.memory_space<hbm>>
    %dma_start3A_109 = tpu.memref_squeeze %dma_start3A_108 : memref<1x1x96x112xf32, #tpu.memory_space<hbm>> -> memref<96x112xf32, #tpu.memory_space<hbm>>
    %dma_start3A_110 = arith.constant 0 : i32
    %dma_start3A_111 = arith.constant 0 : i32
    %dma_start3A_112 = tpu.memref_slice %arg2[%select_n3A, %add3A_105, %dma_start3A_110, %dma_start3A_111] : memref<4x112x96x112xf32, #tpu.memory_space<hbm>> -> memref<1x1x96x112xf32, #tpu.memory_space<hbm>>
    %dma_start3A_113 = tpu.memref_squeeze %dma_start3A_112 : memref<1x1x96x112xf32, #tpu.memory_space<hbm>> -> memref<96x112xf32, #tpu.memory_space<hbm>>
    tpu.enqueue_dma source(%dma_start3A_113 : memref<96x112xf32, #tpu.memory_space<hbm>>) target(%arg5 : memref<96x112xf32, #tpu.memory_space<vmem>>) target_semaphore(%arg11 : memref<!tpu.dma_semaphore, #tpu.memory_space<semaphore_mem>>)
    %add3A_114 = arith.constant 1 : i32
    %add3A_115 = arith.addi %mul3A_32, %add3A_114 : i32
    %and3A_116 = arith.constant 1 : i32
    %and3A_117 = arith.andi %add3A_115, %and3A_116 : i32
    %shift_right_arithmetic3A_118 = arith.constant 1 : i32
    %shift_right_arithmetic3A_119 = arith.shrsi %add3A_115, %shift_right_arithmetic3A_118 : i32
    %sub3A_120 = arith.constant 1 : i32
    %sub3A_121 = arith.subi %shift_right_arithmetic3A_119, %sub3A_120 : i32
    %add3A_122 = arith.addi %sub3A_121, %and3A_117 : i32
    %eq3A_123 = arith.constant 1 : i32
    %eq3A_124 = arith.cmpi eq, %and3A_117, %eq3A_123 : i32
    %jit3A_125 = arith.constant 7.500000e-01 : f32
    %jit3A_126 = arith.constant 2.500000e-01 : f32
    %select_n3A_127 = arith.select %eq3A_124, %jit3A_125, %jit3A_126 : f32
    %eq3A_128 = arith.constant 1 : i32
    %eq3A_129 = arith.cmpi eq, %and3A_117, %eq3A_128 : i32
    %jit3A_130 = arith.constant 2.500000e-01 : f32
    %jit3A_131 = arith.constant 7.500000e-01 : f32
    %select_n3A_132 = arith.select %eq3A_129, %jit3A_130, %jit3A_131 : f32
    %eq3A_133 = arith.constant 0 : i32
    %eq3A_134 = arith.cmpi eq, %add3A_115, %eq3A_133 : i32
    %jit3A_135 = arith.constant 0 : i32
    %select_n3A_136 = arith.select %eq3A_134, %jit3A_135, %add3A_122 : i32
    %jit3A_137 = arith.constant 0.333333343 : f32
    %select_n3A_138 = arith.select %eq3A_134, %jit3A_137, %select_n3A_127 : f32
    %jit3A_139 = arith.constant 0.000000e+00 : f32
    %select_n3A_140 = arith.select %eq3A_134, %jit3A_139, %select_n3A_132 : f32
    %eq3A_141 = arith.constant 1 : i32
    %eq3A_142 = arith.cmpi eq, %add3A_115, %eq3A_141 : i32
    %jit3A_143 = arith.constant 0 : i32
    %select_n3A_144 = arith.select %eq3A_142, %jit3A_143, %select_n3A_136 : i32
    %jit3A_145 = arith.constant 1.000000e+00 : f32
    %select_n3A_146 = arith.select %eq3A_142, %jit3A_145, %select_n3A_138 : f32
    %jit3A_147 = arith.constant 0.000000e+00 : f32
    %select_n3A_148 = arith.select %eq3A_142, %jit3A_147, %select_n3A_140 : f32
    %eq3A_149 = arith.constant 2 : i32
    %eq3A_150 = arith.cmpi eq, %add3A_115, %eq3A_149 : i32
    %jit3A_151 = arith.constant 0 : i32
    %select_n3A_152 = arith.select %eq3A_150, %jit3A_151, %select_n3A_144 : i32
    %jit3A_153 = arith.constant 0.333333343 : f32
    %select_n3A_154 = arith.select %eq3A_150, %jit3A_153, %select_n3A_146 : f32
    %jit3A_155 = arith.constant 0.666666686 : f32
    %select_n3A_156 = arith.select %eq3A_150, %jit3A_155, %select_n3A_148 : f32
    %eq3A_157 = arith.constant 221 : i32
    %eq3A_158 = arith.cmpi eq, %add3A_115, %eq3A_157 : i32
    %jit3A_159 = arith.constant 110 : i32
    %select_n3A_160 = arith.select %eq3A_158, %jit3A_159, %select_n3A_152 : i32
    %jit3A_161 = arith.constant 0.666666686 : f32
    %select_n3A_162 = arith.select %eq3A_158, %jit3A_161, %select_n3A_154 : f32
    %jit3A_163 = arith.constant 0.333333343 : f32
    %select_n3A_164 = arith.select %eq3A_158, %jit3A_163, %select_n3A_156 : f32
    %eq3A_165 = arith.constant 222 : i32
    %eq3A_166 = arith.cmpi eq, %add3A_115, %eq3A_165 : i32
    %jit3A_167 = arith.constant 110 : i32
    %select_n3A_168 = arith.select %eq3A_166, %jit3A_167, %select_n3A_160 : i32
    %jit3A_169 = arith.constant 0.000000e+00 : f32
    %select_n3A_170 = arith.select %eq3A_166, %jit3A_169, %select_n3A_162 : f32
    %jit3A_171 = arith.constant 1.000000e+00 : f32
    %select_n3A_172 = arith.select %eq3A_166, %jit3A_171, %select_n3A_164 : f32
    %eq3A_173 = arith.constant 223 : i32
    %eq3A_174 = arith.cmpi eq, %add3A_115, %eq3A_173 : i32
    %jit3A_175 = arith.constant 110 : i32
    %select_n3A_176 = arith.select %eq3A_174, %jit3A_175, %select_n3A_168 : i32
    %jit3A_177 = arith.constant 0.000000e+00 : f32
    %select_n3A_178 = arith.select %eq3A_174, %jit3A_177, %select_n3A_170 : f32
    %jit3A_179 = arith.constant 0.333333343 : f32
    %select_n3A_180 = arith.select %eq3A_174, %jit3A_179, %select_n3A_172 : f32
    %dma_start3A_181 = arith.constant 0 : i32
    %dma_start3A_182 = arith.constant 0 : i32
    %dma_start3A_183 = tpu.memref_slice %arg2[%select_n3A, %select_n3A_176, %dma_start3A_181, %dma_start3A_182] : memref<4x112x96x112xf32, #tpu.memory_space<hbm>> -> memref<1x1x96x112xf32, #tpu.memory_space<hbm>>
    %dma_start3A_184 = tpu.memref_squeeze %dma_start3A_183 : memref<1x1x96x112xf32, #tpu.memory_space<hbm>> -> memref<96x112xf32, #tpu.memory_space<hbm>>
    %dma_start3A_185 = arith.constant 0 : i32
    %dma_start3A_186 = arith.constant 0 : i32
    %dma_start3A_187 = tpu.memref_slice %arg2[%select_n3A, %select_n3A_176, %dma_start3A_185, %dma_start3A_186] : memref<4x112x96x112xf32, #tpu.memory_space<hbm>> -> memref<1x1x96x112xf32, #tpu.memory_space<hbm>>
    %dma_start3A_188 = tpu.memref_squeeze %dma_start3A_187 : memref<1x1x96x112xf32, #tpu.memory_space<hbm>> -> memref<96x112xf32, #tpu.memory_space<hbm>>
    tpu.enqueue_dma source(%dma_start3A_188 : memref<96x112xf32, #tpu.memory_space<hbm>>) target(%arg6 : memref<96x112xf32, #tpu.memory_space<vmem>>) target_semaphore(%arg12 : memref<!tpu.dma_semaphore, #tpu.memory_space<semaphore_mem>>)
    %add3A_189 = arith.constant 1 : i32
    %add3A_190 = arith.addi %select_n3A_176, %add3A_189 : i32
    %dma_start3A_191 = arith.constant 0 : i32
    %dma_start3A_192 = arith.constant 0 : i32
    %dma_start3A_193 = tpu.memref_slice %arg2[%select_n3A, %add3A_190, %dma_start3A_191, %dma_start3A_192] : memref<4x112x96x112xf32, #tpu.memory_space<hbm>> -> memref<1x1x96x112xf32, #tpu.memory_space<hbm>>
    %dma_start3A_194 = tpu.memref_squeeze %dma_start3A_193 : memref<1x1x96x112xf32, #tpu.memory_space<hbm>> -> memref<96x112xf32, #tpu.memory_space<hbm>>
    %dma_start3A_195 = arith.constant 0 : i32
    %dma_start3A_196 = arith.constant 0 : i32
    %dma_start3A_197 = tpu.memref_slice %arg2[%select_n3A, %add3A_190, %dma_start3A_195, %dma_start3A_196] : memref<4x112x96x112xf32, #tpu.memory_space<hbm>> -> memref<1x1x96x112xf32, #tpu.memory_space<hbm>>
    %dma_start3A_198 = tpu.memref_squeeze %dma_start3A_197 : memref<1x1x96x112xf32, #tpu.memory_space<hbm>> -> memref<96x112xf32, #tpu.memory_space<hbm>>
    tpu.enqueue_dma source(%dma_start3A_198 : memref<96x112xf32, #tpu.memory_space<hbm>>) target(%arg7 : memref<96x112xf32, #tpu.memory_space<vmem>>) target_semaphore(%arg12 : memref<!tpu.dma_semaphore, #tpu.memory_space<semaphore_mem>>)
    %iota3A = tpu.iota {dimensions = array<i32: 0>} : vector<16xi32>
    %and3A_199 = arith.constant 0 : i32
    %and3A_200 = vector.broadcast %and3A_199 : i32 to vector<16xi32>
    %and3A_201 = arith.andi %iota3A, %and3A_200 : vector<16xi32>
    %add3A_202 = arith.constant 15 : i32
    %add3A_203 = vector.broadcast %add3A_202 : i32 to vector<16xi32>
    %add3A_204 = arith.addi %and3A_201, %add3A_203 : vector<16xi32>
    %eq3A_205 = arith.constant 0 : i32
    %eq3A_206 = vector.broadcast %eq3A_205 : i32 to vector<16xi32>
    %eq3A_207 = arith.cmpi eq, %iota3A, %eq3A_206 : vector<16xi32>
    %eq3A_208 = arith.constant 15 : i32
    %eq3A_209 = vector.broadcast %eq3A_208 : i32 to vector<16xi32>
    %eq3A_210 = arith.cmpi eq, %iota3A, %eq3A_209 : vector<16xi32>
    %sub3A_211 = arith.constant 1 : i32
    %sub3A_212 = vector.broadcast %sub3A_211 : i32 to vector<16xi32>
    %sub3A_213 = arith.subi %iota3A, %sub3A_212 : vector<16xi32>
    %shift_right_arithmetic3A_214 = arith.constant 1 : i32
    %shift_right_arithmetic3A_215 = vector.broadcast %shift_right_arithmetic3A_214 : i32 to vector<16xi32>
    %shift_right_arithmetic3A_216 = arith.shrsi %sub3A_213, %shift_right_arithmetic3A_215 : vector<16xi32>
    %max3A = arith.constant 0 : i32
    %max3A_217 = vector.broadcast %max3A : i32 to vector<16xi32>
    %max3A_218 = arith.maxsi %shift_right_arithmetic3A_216, %max3A_217 : vector<16xi32>
    %add3A_219 = arith.constant 1 : i32
    %add3A_220 = vector.broadcast %add3A_219 : i32 to vector<16xi32>
    %add3A_221 = arith.addi %iota3A, %add3A_220 : vector<16xi32>
    %shift_right_arithmetic3A_222 = arith.constant 1 : i32
    %shift_right_arithmetic3A_223 = vector.broadcast %shift_right_arithmetic3A_222 : i32 to vector<16xi32>
    %shift_right_arithmetic3A_224 = arith.shrsi %add3A_221, %shift_right_arithmetic3A_223 : vector<16xi32>
    %add3A_225 = arith.constant 1 : i32
    %add3A_226 = vector.broadcast %add3A_225 : i32 to vector<16xi32>
    %add3A_227 = arith.addi %iota3A, %add3A_226 : vector<16xi32>
    %shift_right_arithmetic3A_228 = arith.constant 1 : i32
    %shift_right_arithmetic3A_229 = vector.broadcast %shift_right_arithmetic3A_228 : i32 to vector<16xi32>
    %shift_right_arithmetic3A_230 = arith.shrsi %add3A_227, %shift_right_arithmetic3A_229 : vector<16xi32>
    %add3A_231 = arith.constant 7 : i32
    %add3A_232 = vector.broadcast %add3A_231 : i32 to vector<16xi32>
    %add3A_233 = arith.addi %shift_right_arithmetic3A_230, %add3A_232 : vector<16xi32>
    %add3A_234 = arith.constant 1 : i32
    %add3A_235 = vector.broadcast %add3A_234 : i32 to vector<16xi32>
    %add3A_236 = arith.addi %add3A_233, %add3A_235 : vector<16xi32>
    %min3A = arith.constant 15 : i32
    %min3A_237 = vector.broadcast %min3A : i32 to vector<16xi32>
    %min3A_238 = arith.minsi %add3A_236, %min3A_237 : vector<16xi32>
    %and3A_239 = arith.constant 1 : i32
    %and3A_240 = vector.broadcast %and3A_239 : i32 to vector<16xi32>
    %and3A_241 = arith.andi %iota3A, %and3A_240 : vector<16xi32>
    %eq3A_242 = arith.constant 1 : i32
    %eq3A_243 = vector.broadcast %eq3A_242 : i32 to vector<16xi32>
    %eq3A_244 = arith.cmpi eq, %and3A_241, %eq3A_243 : vector<16xi32>
    %jit3A_245 = arith.constant 7.500000e-01 : f32
    %jit3A_246 = arith.constant 2.500000e-01 : f32
    %broadcast_in_dim3A = vector.broadcast %jit3A_245 : f32 to vector<16xf32>
    %broadcast_in_dim3A_247 = vector.broadcast %jit3A_246 : f32 to vector<16xf32>
    %select_n3A_248 = arith.select %eq3A_244, %broadcast_in_dim3A, %broadcast_in_dim3A_247 : vector<16xi1>, vector<16xf32>
    %jit3A_249 = arith.constant 2.500000e-01 : f32
    %jit3A_250 = arith.constant 7.500000e-01 : f32
    %broadcast_in_dim3A_251 = vector.broadcast %jit3A_249 : f32 to vector<16xf32>
    %broadcast_in_dim3A_252 = vector.broadcast %jit3A_250 : f32 to vector<16xf32>
    %select_n3A_253 = arith.select %eq3A_244, %broadcast_in_dim3A_251, %broadcast_in_dim3A_252 : vector<16xi1>, vector<16xf32>
    %eq3A_254 = arith.constant 0 : i32
    %eq3A_255 = vector.broadcast %eq3A_254 : i32 to vector<16xi32>
    %eq3A_256 = arith.cmpi eq, %iota3A, %eq3A_255 : vector<16xi32>
    %jit3A_257 = arith.constant 0.333333343 : f32
    %broadcast_in_dim3A_258 = vector.broadcast %jit3A_257 : f32 to vector<16xf32>
    %select_n3A_259 = arith.select %eq3A_256, %broadcast_in_dim3A_258, %select_n3A_248 : vector<16xi1>, vector<16xf32>
    %jit3A_260 = arith.constant 0.000000e+00 : f32
    %broadcast_in_dim3A_261 = vector.broadcast %jit3A_260 : f32 to vector<16xf32>
    %select_n3A_262 = arith.select %eq3A_256, %broadcast_in_dim3A_261, %select_n3A_253 : vector<16xi1>, vector<16xf32>
    %eq3A_263 = arith.constant 1 : i32
    %eq3A_264 = vector.broadcast %eq3A_263 : i32 to vector<16xi32>
    %eq3A_265 = arith.cmpi eq, %iota3A, %eq3A_264 : vector<16xi32>
    %jit3A_266 = arith.constant 1.000000e+00 : f32
    %broadcast_in_dim3A_267 = vector.broadcast %jit3A_266 : f32 to vector<16xf32>
    %select_n3A_268 = arith.select %eq3A_265, %broadcast_in_dim3A_267, %select_n3A_259 : vector<16xi1>, vector<16xf32>
    %jit3A_269 = arith.constant 0.000000e+00 : f32
    %broadcast_in_dim3A_270 = vector.broadcast %jit3A_269 : f32 to vector<16xf32>
    %select_n3A_271 = arith.select %eq3A_265, %broadcast_in_dim3A_270, %select_n3A_262 : vector<16xi1>, vector<16xf32>
    %eq3A_272 = arith.constant 2 : i32
    %eq3A_273 = vector.broadcast %eq3A_272 : i32 to vector<16xi32>
    %eq3A_274 = arith.cmpi eq, %iota3A, %eq3A_273 : vector<16xi32>
    %jit3A_275 = arith.constant 0.333333343 : f32
    %broadcast_in_dim3A_276 = vector.broadcast %jit3A_275 : f32 to vector<16xf32>
    %select_n3A_277 = arith.select %eq3A_274, %broadcast_in_dim3A_276, %select_n3A_268 : vector<16xi1>, vector<16xf32>
    %jit3A_278 = arith.constant 0.666666686 : f32
    %broadcast_in_dim3A_279 = vector.broadcast %jit3A_278 : f32 to vector<16xf32>
    %select_n3A_280 = arith.select %eq3A_274, %broadcast_in_dim3A_279, %select_n3A_271 : vector<16xi1>, vector<16xf32>
    %eq3A_281 = arith.constant 13 : i32
    %eq3A_282 = vector.broadcast %eq3A_281 : i32 to vector<16xi32>
    %eq3A_283 = arith.cmpi eq, %iota3A, %eq3A_282 : vector<16xi32>
    %jit3A_284 = arith.constant 0.666666686 : f32
    %broadcast_in_dim3A_285 = vector.broadcast %jit3A_284 : f32 to vector<16xf32>
    %select_n3A_286 = arith.select %eq3A_283, %broadcast_in_dim3A_285, %select_n3A_248 : vector<16xi1>, vector<16xf32>
    %jit3A_287 = arith.constant 0.333333343 : f32
    %broadcast_in_dim3A_288 = vector.broadcast %jit3A_287 : f32 to vector<16xf32>
    %select_n3A_289 = arith.select %eq3A_283, %broadcast_in_dim3A_288, %select_n3A_253 : vector<16xi1>, vector<16xf32>
    %jit3A_290 = arith.constant 14 : i32
    %broadcast_in_dim3A_291 = vector.broadcast %jit3A_290 : i32 to vector<16xi32>
    %select_n3A_292 = arith.select %eq3A_283, %broadcast_in_dim3A_291, %add3A_233 : vector<16xi1>, vector<16xi32>
    %eq3A_293 = arith.constant 14 : i32
    %eq3A_294 = vector.broadcast %eq3A_293 : i32 to vector<16xi32>
    %eq3A_295 = arith.cmpi eq, %iota3A, %eq3A_294 : vector<16xi32>
    %jit3A_296 = arith.constant 0.000000e+00 : f32
    %broadcast_in_dim3A_297 = vector.broadcast %jit3A_296 : f32 to vector<16xf32>
    %select_n3A_298 = arith.select %eq3A_295, %broadcast_in_dim3A_297, %select_n3A_286 : vector<16xi1>, vector<16xf32>
    %jit3A_299 = arith.constant 1.000000e+00 : f32
    %broadcast_in_dim3A_300 = vector.broadcast %jit3A_299 : f32 to vector<16xf32>
    %select_n3A_301 = arith.select %eq3A_295, %broadcast_in_dim3A_300, %select_n3A_289 : vector<16xi1>, vector<16xf32>
    %jit3A_302 = arith.constant 14 : i32
    %broadcast_in_dim3A_303 = vector.broadcast %jit3A_302 : i32 to vector<16xi32>
    %select_n3A_304 = arith.select %eq3A_295, %broadcast_in_dim3A_303, %select_n3A_292 : vector<16xi1>, vector<16xi32>
    %eq3A_305 = arith.constant 15 : i32
    %eq3A_306 = vector.broadcast %eq3A_305 : i32 to vector<16xi32>
    %eq3A_307 = arith.cmpi eq, %iota3A, %eq3A_306 : vector<16xi32>
    %jit3A_308 = arith.constant 0.000000e+00 : f32
    %broadcast_in_dim3A_309 = vector.broadcast %jit3A_308 : f32 to vector<16xf32>
    %select_n3A_310 = arith.select %eq3A_307, %broadcast_in_dim3A_309, %select_n3A_298 : vector<16xi1>, vector<16xf32>
    %jit3A_311 = arith.constant 0.333333343 : f32
    %broadcast_in_dim3A_312 = vector.broadcast %jit3A_311 : f32 to vector<16xf32>
    %select_n3A_313 = arith.select %eq3A_307, %broadcast_in_dim3A_312, %select_n3A_301 : vector<16xi1>, vector<16xf32>
    %jit3A_314 = arith.constant 14 : i32
    %broadcast_in_dim3A_315 = vector.broadcast %jit3A_314 : i32 to vector<16xi32>
    %select_n3A_316 = arith.select %eq3A_307, %broadcast_in_dim3A_315, %select_n3A_304 : vector<16xi1>, vector<16xi32>
    %scan3A = arith.constant 0 : i32
    %scan3A_317 = arith.constant 0 : i32
    %scan3A_318 = arith.constant 14 : i32
    %scan3A_319 = arith.addi %scan3A_317, %scan3A_318 : i32
    %scan3A_320 = arith.constant 1 : i32
    scf.for %scan3A_341 = %scan3A_317 to %scan3A_319 step %scan3A_320  : i32 {
      %mul3A_342 = arith.constant 2 : i32
      %mul3A_343 = arith.muli %mul3A_342, %scan3A_341 : i32
      %add3A_344 = arith.addi %mul3A_32, %mul3A_343 : i32
      %dma_wait3A_345 = arith.constant 0 : i32
      %dma_wait3A_346 = arith.constant 0 : i32
      %dma_wait3A_347 = arith.constant 0 : i32
      %dma_wait3A_348 = arith.constant 0 : i32
      %dma_wait3A_349 = tpu.memref_slice %arg2[%dma_wait3A_345, %dma_wait3A_346, %dma_wait3A_347, %dma_wait3A_348] : memref<4x112x96x112xf32, #tpu.memory_space<hbm>> -> memref<1x1x96x112xf32, #tpu.memory_space<hbm>>
      %dma_wait3A_350 = tpu.memref_squeeze %dma_wait3A_349 : memref<1x1x96x112xf32, #tpu.memory_space<hbm>> -> memref<96x112xf32, #tpu.memory_space<hbm>>
      %dma_wait3A_351 = arith.constant 0 : i32
      %dma_wait3A_352 = arith.constant 0 : i32
      %dma_wait3A_353 = tpu.memref_slice %arg2[%dma_wait3A_345, %dma_wait3A_346, %dma_wait3A_351, %dma_wait3A_352] : memref<4x112x96x112xf32, #tpu.memory_space<hbm>> -> memref<1x1x96x112xf32, #tpu.memory_space<hbm>>
      %dma_wait3A_354 = tpu.memref_squeeze %dma_wait3A_353 : memref<1x1x96x112xf32, #tpu.memory_space<hbm>> -> memref<96x112xf32, #tpu.memory_space<hbm>>
      tpu.wait_dma2 semaphore(%arg11 : memref<!tpu.dma_semaphore, #tpu.memory_space<semaphore_mem>>) src(%dma_wait3A_354 : memref<96x112xf32, #tpu.memory_space<hbm>>) dst(%arg4 : memref<96x112xf32, #tpu.memory_space<vmem>>)
      %dma_wait3A_355 = arith.constant 0 : i32
      %dma_wait3A_356 = arith.constant 0 : i32
      %dma_wait3A_357 = arith.constant 0 : i32
      %dma_wait3A_358 = arith.constant 0 : i32
      %dma_wait3A_359 = tpu.memref_slice %arg2[%dma_wait3A_355, %dma_wait3A_356, %dma_wait3A_357, %dma_wait3A_358] : memref<4x112x96x112xf32, #tpu.memory_space<hbm>> -> memref<1x1x96x112xf32, #tpu.memory_space<hbm>>
      %dma_wait3A_360 = tpu.memref_squeeze %dma_wait3A_359 : memref<1x1x96x112xf32, #tpu.memory_space<hbm>> -> memref<96x112xf32, #tpu.memory_space<hbm>>
      %dma_wait3A_361 = arith.constant 0 : i32
      %dma_wait3A_362 = arith.constant 0 : i32
      %dma_wait3A_363 = tpu.memref_slice %arg2[%dma_wait3A_355, %dma_wait3A_356, %dma_wait3A_361, %dma_wait3A_362] : memref<4x112x96x112xf32, #tpu.memory_space<hbm>> -> memref<1x1x96x112xf32, #tpu.memory_space<hbm>>
      %dma_wait3A_364 = tpu.memref_squeeze %dma_wait3A_363 : memref<1x1x96x112xf32, #tpu.memory_space<hbm>> -> memref<96x112xf32, #tpu.memory_space<hbm>>
      tpu.wait_dma2 semaphore(%arg11 : memref<!tpu.dma_semaphore, #tpu.memory_space<semaphore_mem>>) src(%dma_wait3A_364 : memref<96x112xf32, #tpu.memory_space<hbm>>) dst(%arg5 : memref<96x112xf32, #tpu.memory_space<vmem>>)
      %and3A_365 = arith.constant 1 : i32
      %and3A_366 = arith.andi %add3A_344, %and3A_365 : i32
      %shift_right_arithmetic3A_367 = arith.constant 1 : i32
      %shift_right_arithmetic3A_368 = arith.shrsi %add3A_344, %shift_right_arithmetic3A_367 : i32
      %sub3A_369 = arith.constant 1 : i32
      %sub3A_370 = arith.subi %shift_right_arithmetic3A_368, %sub3A_369 : i32
      %add3A_371 = arith.addi %sub3A_370, %and3A_366 : i32
      %eq3A_372 = arith.constant 1 : i32
      %eq3A_373 = arith.cmpi eq, %and3A_366, %eq3A_372 : i32
      %jit3A_374 = arith.constant 7.500000e-01 : f32
      %jit3A_375 = arith.constant 2.500000e-01 : f32
      %select_n3A_376 = arith.select %eq3A_373, %jit3A_374, %jit3A_375 : f32
      %eq3A_377 = arith.constant 1 : i32
      %eq3A_378 = arith.cmpi eq, %and3A_366, %eq3A_377 : i32
      %jit3A_379 = arith.constant 2.500000e-01 : f32
      %jit3A_380 = arith.constant 7.500000e-01 : f32
      %select_n3A_381 = arith.select %eq3A_378, %jit3A_379, %jit3A_380 : f32
      %eq3A_382 = arith.constant 0 : i32
      %eq3A_383 = arith.cmpi eq, %add3A_344, %eq3A_382 : i32
      %jit3A_384 = arith.constant 0 : i32
      %select_n3A_385 = arith.select %eq3A_383, %jit3A_384, %add3A_371 : i32
      %jit3A_386 = arith.constant 0.333333343 : f32
      %select_n3A_387 = arith.select %eq3A_383, %jit3A_386, %select_n3A_376 : f32
      %jit3A_388 = arith.constant 0.000000e+00 : f32
      %select_n3A_389 = arith.select %eq3A_383, %jit3A_388, %select_n3A_381 : f32
      %eq3A_390 = arith.constant 1 : i32
      %eq3A_391 = arith.cmpi eq, %add3A_344, %eq3A_390 : i32
      %jit3A_392 = arith.constant 0 : i32
      %select_n3A_393 = arith.select %eq3A_391, %jit3A_392, %select_n3A_385 : i32
      %jit3A_394 = arith.constant 1.000000e+00 : f32
      %select_n3A_395 = arith.select %eq3A_391, %jit3A_394, %select_n3A_387 : f32
      %jit3A_396 = arith.constant 0.000000e+00 : f32
      %select_n3A_397 = arith.select %eq3A_391, %jit3A_396, %select_n3A_389 : f32
      %eq3A_398 = arith.constant 2 : i32
      %eq3A_399 = arith.cmpi eq, %add3A_344, %eq3A_398 : i32
      %jit3A_400 = arith.constant 0 : i32
      %select_n3A_401 = arith.select %eq3A_399, %jit3A_400, %select_n3A_393 : i32
      %jit3A_402 = arith.constant 0.333333343 : f32
      %select_n3A_403 = arith.select %eq3A_399, %jit3A_402, %select_n3A_395 : f32
      %jit3A_404 = arith.constant 0.666666686 : f32
      %select_n3A_405 = arith.select %eq3A_399, %jit3A_404, %select_n3A_397 : f32
      %eq3A_406 = arith.constant 221 : i32
      %eq3A_407 = arith.cmpi eq, %add3A_344, %eq3A_406 : i32
      %jit3A_408 = arith.constant 110 : i32
      %select_n3A_409 = arith.select %eq3A_407, %jit3A_408, %select_n3A_401 : i32
      %jit3A_410 = arith.constant 0.666666686 : f32
      %select_n3A_411 = arith.select %eq3A_407, %jit3A_410, %select_n3A_403 : f32
      %jit3A_412 = arith.constant 0.333333343 : f32
      %select_n3A_413 = arith.select %eq3A_407, %jit3A_412, %select_n3A_405 : f32
      %eq3A_414 = arith.constant 222 : i32
      %eq3A_415 = arith.cmpi eq, %add3A_344, %eq3A_414 : i32
      %jit3A_416 = arith.constant 110 : i32
      %select_n3A_417 = arith.select %eq3A_415, %jit3A_416, %select_n3A_409 : i32
      %jit3A_418 = arith.constant 0.000000e+00 : f32
      %select_n3A_419 = arith.select %eq3A_415, %jit3A_418, %select_n3A_411 : f32
      %jit3A_420 = arith.constant 1.000000e+00 : f32
      %select_n3A_421 = arith.select %eq3A_415, %jit3A_420, %select_n3A_413 : f32
      %eq3A_422 = arith.constant 223 : i32
      %eq3A_423 = arith.cmpi eq, %add3A_344, %eq3A_422 : i32
      %jit3A_424 = arith.constant 110 : i32
      %select_n3A_425 = arith.select %eq3A_423, %jit3A_424, %select_n3A_417 : i32
      %jit3A_426 = arith.constant 0.000000e+00 : f32
      %select_n3A_427 = arith.select %eq3A_423, %jit3A_426, %select_n3A_419 : f32
      %jit3A_428 = arith.constant 0.333333343 : f32
      %select_n3A_429 = arith.select %eq3A_423, %jit3A_428, %select_n3A_421 : f32
      %ge3A = arith.constant 1 : i32
      %ge3A_430 = arith.cmpi sge, %scan3A_341, %ge3A : i32
      %convert_element_type3A = arith.extui %ge3A_430 : i1 to i32
      %cond3A = arith.constant 0 : i32
      %cond3A_431 = arith.cmpi ne, %convert_element_type3A, %cond3A : i32
      scf.if %cond3A_431 {
        %dma_wait3A_555 = arith.constant 0 : i32
        %dma_wait3A_556 = arith.constant 0 : i32
        %dma_wait3A_557 = arith.constant 0 : i32
        %dma_wait3A_558 = arith.constant 0 : i32
        %dma_wait3A_559 = tpu.memref_slice %arg3[%dma_wait3A_555, %dma_wait3A_556, %dma_wait3A_557, %dma_wait3A_558] : memref<4x224x96x224xf32, #tpu.memory_space<hbm>> -> memref<1x1x96x224xf32, #tpu.memory_space<hbm>>
        %dma_wait3A_560 = tpu.memref_squeeze %dma_wait3A_559 : memref<1x1x96x224xf32, #tpu.memory_space<hbm>> -> memref<96x224xf32, #tpu.memory_space<hbm>>
        %dma_wait3A_561 = arith.constant 0 : i32
        %dma_wait3A_562 = arith.constant 0 : i32
        %dma_wait3A_563 = tpu.memref_slice %arg3[%dma_wait3A_555, %dma_wait3A_556, %dma_wait3A_561, %dma_wait3A_562] : memref<4x224x96x224xf32, #tpu.memory_space<hbm>> -> memref<1x1x96x224xf32, #tpu.memory_space<hbm>>
        %dma_wait3A_564 = tpu.memref_squeeze %dma_wait3A_563 : memref<1x1x96x224xf32, #tpu.memory_space<hbm>> -> memref<96x224xf32, #tpu.memory_space<hbm>>
        tpu.wait_dma2 semaphore(%arg13 : memref<!tpu.dma_semaphore, #tpu.memory_space<semaphore_mem>>) src(%arg9 : memref<96x224xf32, #tpu.memory_space<vmem>>) dst(%dma_wait3A_564 : memref<96x224xf32, #tpu.memory_space<hbm>>)
      } else {
      }
      %parallel_loop3A = arith.constant 0 : i32
      %parallel_loop3A_432 = arith.constant 96 : i32
      %parallel_loop3A_433 = arith.constant 1 : i32
      scf.for %parallel_loop3A_555 = %parallel_loop3A to %parallel_loop3A_432 step %parallel_loop3A_433  : i32 {
        %parallel_loop3A_556 = arith.constant 112 : i32
        %parallel_loop3A_557 = arith.muli %parallel_loop3A_555, %parallel_loop3A_556 : i32
        %parallel_loop3A_558 = arith.index_cast %parallel_loop3A_555 : i32 to index
        %parallel_loop3A_559 = arith.constant 0 : index
        %parallel_loop3A_560 = tpu.vector_load %arg4[%parallel_loop3A_558, %parallel_loop3A_559] {strides = array<i32>} : memref<96x112xf32, #tpu.memory_space<vmem>>, vector<16xf32>,
        %parallel_loop3A_561 = vector.broadcast %select_n3A_427 : f32 to vector<16xf32>
        %parallel_loop3A_562 = arith.mulf %parallel_loop3A_561, %parallel_loop3A_560 : vector<16xf32>
        %parallel_loop3A_563 = arith.index_cast %parallel_loop3A_555 : i32 to index
        %parallel_loop3A_564 = arith.constant 0 : index
        %parallel_loop3A_565 = tpu.vector_load %arg5[%parallel_loop3A_563, %parallel_loop3A_564] {strides = array<i32>} : memref<96x112xf32, #tpu.memory_space<vmem>>, vector<16xf32>,
        %parallel_loop3A_566 = vector.broadcast %select_n3A_429 : f32 to vector<16xf32>
        %parallel_loop3A_567 = arith.mulf %parallel_loop3A_566, %parallel_loop3A_565 : vector<16xf32>
        %parallel_loop3A_568 = arith.addf %parallel_loop3A_562, %parallel_loop3A_567 : vector<16xf32>
        %parallel_loop3A_569 = arith.constant 0 : i32
        %parallel_loop3A_570 = arith.addi %parallel_loop3A_557, %parallel_loop3A_569 : i32
        %parallel_loop3A_571 = arith.index_cast %parallel_loop3A_570 : i32 to index
        %parallel_loop3A_572 = tpu.vector_load %arg8[%parallel_loop3A_571] {strides = array<i32>} : memref<10752xf32, #tpu.memory_space<vmem>>, vector<16xf32>,
        tpu.vector_store %arg8[%parallel_loop3A_571], %parallel_loop3A_568 {strides = array<i32>} : memref<10752xf32, #tpu.memory_space<vmem>>, vector<16xf32>,
        %parallel_loop3A_573 = arith.index_cast %parallel_loop3A_555 : i32 to index
        %parallel_loop3A_574 = arith.constant 16 : index
        %parallel_loop3A_575 = tpu.vector_load %arg4[%parallel_loop3A_573, %parallel_loop3A_574] {strides = array<i32>} : memref<96x112xf32, #tpu.memory_space<vmem>>, vector<16xf32>,
        %parallel_loop3A_576 = vector.broadcast %select_n3A_427 : f32 to vector<16xf32>
        %parallel_loop3A_577 = arith.mulf %parallel_loop3A_576, %parallel_loop3A_575 : vector<16xf32>
        %parallel_loop3A_578 = arith.index_cast %parallel_loop3A_555 : i32 to index
        %parallel_loop3A_579 = arith.constant 16 : index
        %parallel_loop3A_580 = tpu.vector_load %arg5[%parallel_loop3A_578, %parallel_loop3A_579] {strides = array<i32>} : memref<96x112xf32, #tpu.memory_space<vmem>>, vector<16xf32>,
        %parallel_loop3A_581 = vector.broadcast %select_n3A_429 : f32 to vector<16xf32>
        %parallel_loop3A_582 = arith.mulf %parallel_loop3A_581, %parallel_loop3A_580 : vector<16xf32>
        %parallel_loop3A_583 = arith.addf %parallel_loop3A_577, %parallel_loop3A_582 : vector<16xf32>
        %parallel_loop3A_584 = arith.constant 16 : i32
        %parallel_loop3A_585 = arith.addi %parallel_loop3A_557, %parallel_loop3A_584 : i32
        %parallel_loop3A_586 = arith.index_cast %parallel_loop3A_585 : i32 to index
        %parallel_loop3A_587 = tpu.vector_load %arg8[%parallel_loop3A_586] {strides = array<i32>} : memref<10752xf32, #tpu.memory_space<vmem>>, vector<16xf32>,
        tpu.vector_store %arg8[%parallel_loop3A_586], %parallel_loop3A_583 {strides = array<i32>} : memref<10752xf32, #tpu.memory_space<vmem>>, vector<16xf32>,
        %parallel_loop3A_588 = arith.index_cast %parallel_loop3A_555 : i32 to index
        %parallel_loop3A_589 = arith.constant 32 : index
        %parallel_loop3A_590 = tpu.vector_load %arg4[%parallel_loop3A_588, %parallel_loop3A_589] {strides = array<i32>} : memref<96x112xf32, #tpu.memory_space<vmem>>, vector<16xf32>,
        %parallel_loop3A_591 = vector.broadcast %select_n3A_427 : f32 to vector<16xf32>
        %parallel_loop3A_592 = arith.mulf %parallel_loop3A_591, %parallel_loop3A_590 : vector<16xf32>
        %parallel_loop3A_593 = arith.index_cast %parallel_loop3A_555 : i32 to index
        %parallel_loop3A_594 = arith.constant 32 : index
        %parallel_loop3A_595 = tpu.vector_load %arg5[%parallel_loop3A_593, %parallel_loop3A_594] {strides = array<i32>} : memref<96x112xf32, #tpu.memory_space<vmem>>, vector<16xf32>,
        %parallel_loop3A_596 = vector.broadcast %select_n3A_429 : f32 to vector<16xf32>
        %parallel_loop3A_597 = arith.mulf %parallel_loop3A_596, %parallel_loop3A_595 : vector<16xf32>
        %parallel_loop3A_598 = arith.addf %parallel_loop3A_592, %parallel_loop3A_597 : vector<16xf32>
        %parallel_loop3A_599 = arith.constant 32 : i32
        %parallel_loop3A_600 = arith.addi %parallel_loop3A_557, %parallel_loop3A_599 : i32
        %parallel_loop3A_601 = arith.index_cast %parallel_loop3A_600 : i32 to index
        %parallel_loop3A_602 = tpu.vector_load %arg8[%parallel_loop3A_601] {strides = array<i32>} : memref<10752xf32, #tpu.memory_space<vmem>>, vector<16xf32>,
        tpu.vector_store %arg8[%parallel_loop3A_601], %parallel_loop3A_598 {strides = array<i32>} : memref<10752xf32, #tpu.memory_space<vmem>>, vector<16xf32>,
        %parallel_loop3A_603 = arith.index_cast %parallel_loop3A_555 : i32 to index
        %parallel_loop3A_604 = arith.constant 48 : index
        %parallel_loop3A_605 = tpu.vector_load %arg4[%parallel_loop3A_603, %parallel_loop3A_604] {strides = array<i32>} : memref<96x112xf32, #tpu.memory_space<vmem>>, vector<16xf32>,
        %parallel_loop3A_606 = vector.broadcast %select_n3A_427 : f32 to vector<16xf32>
        %parallel_loop3A_607 = arith.mulf %parallel_loop3A_606, %parallel_loop3A_605 : vector<16xf32>
        %parallel_loop3A_608 = arith.index_cast %parallel_loop3A_555 : i32 to index
        %parallel_loop3A_609 = arith.constant 48 : index
        %parallel_loop3A_610 = tpu.vector_load %arg5[%parallel_loop3A_608, %parallel_loop3A_609] {strides = array<i32>} : memref<96x112xf32, #tpu.memory_space<vmem>>, vector<16xf32>,
        %parallel_loop3A_611 = vector.broadcast %select_n3A_429 : f32 to vector<16xf32>
        %parallel_loop3A_612 = arith.mulf %parallel_loop3A_611, %parallel_loop3A_610 : vector<16xf32>
        %parallel_loop3A_613 = arith.addf %parallel_loop3A_607, %parallel_loop3A_612 : vector<16xf32>
        %parallel_loop3A_614 = arith.constant 48 : i32
        %parallel_loop3A_615 = arith.addi %parallel_loop3A_557, %parallel_loop3A_614 : i32
        %parallel_loop3A_616 = arith.index_cast %parallel_loop3A_615 : i32 to index
        %parallel_loop3A_617 = tpu.vector_load %arg8[%parallel_loop3A_616] {strides = array<i32>} : memref<10752xf32, #tpu.memory_space<vmem>>, vector<16xf32>,
        tpu.vector_store %arg8[%parallel_loop3A_616], %parallel_loop3A_613 {strides = array<i32>} : memref<10752xf32, #tpu.memory_space<vmem>>, vector<16xf32>,
        %parallel_loop3A_618 = arith.index_cast %parallel_loop3A_555 : i32 to index
        %parallel_loop3A_619 = arith.constant 64 : index
        %parallel_loop3A_620 = tpu.vector_load %arg4[%parallel_loop3A_618, %parallel_loop3A_619] {strides = array<i32>} : memref<96x112xf32, #tpu.memory_space<vmem>>, vector<16xf32>,
        %parallel_loop3A_621 = vector.broadcast %select_n3A_427 : f32 to vector<16xf32>
        %parallel_loop3A_622 = arith.mulf %parallel_loop3A_621, %parallel_loop3A_620 : vector<16xf32>
        %parallel_loop3A_623 = arith.index_cast %parallel_loop3A_555 : i32 to index
        %parallel_loop3A_624 = arith.constant 64 : index
        %parallel_loop3A_625 = tpu.vector_load %arg5[%parallel_loop3A_623, %parallel_loop3A_624] {strides = array<i32>} : memref<96x112xf32, #tpu.memory_space<vmem>>, vector<16xf32>,
        %parallel_loop3A_626 = vector.broadcast %select_n3A_429 : f32 to vector<16xf32>
        %parallel_loop3A_627 = arith.mulf %parallel_loop3A_626, %parallel_loop3A_625 : vector<16xf32>
        %parallel_loop3A_628 = arith.addf %parallel_loop3A_622, %parallel_loop3A_627 : vector<16xf32>
        %parallel_loop3A_629 = arith.constant 64 : i32
        %parallel_loop3A_630 = arith.addi %parallel_loop3A_557, %parallel_loop3A_629 : i32
        %parallel_loop3A_631 = arith.index_cast %parallel_loop3A_630 : i32 to index
        %parallel_loop3A_632 = tpu.vector_load %arg8[%parallel_loop3A_631] {strides = array<i32>} : memref<10752xf32, #tpu.memory_space<vmem>>, vector<16xf32>,
        tpu.vector_store %arg8[%parallel_loop3A_631], %parallel_loop3A_628 {strides = array<i32>} : memref<10752xf32, #tpu.memory_space<vmem>>, vector<16xf32>,
        %parallel_loop3A_633 = arith.index_cast %parallel_loop3A_555 : i32 to index
        %parallel_loop3A_634 = arith.constant 80 : index
        %parallel_loop3A_635 = tpu.vector_load %arg4[%parallel_loop3A_633, %parallel_loop3A_634] {strides = array<i32>} : memref<96x112xf32, #tpu.memory_space<vmem>>, vector<16xf32>,
        %parallel_loop3A_636 = vector.broadcast %select_n3A_427 : f32 to vector<16xf32>
        %parallel_loop3A_637 = arith.mulf %parallel_loop3A_636, %parallel_loop3A_635 : vector<16xf32>
        %parallel_loop3A_638 = arith.index_cast %parallel_loop3A_555 : i32 to index
        %parallel_loop3A_639 = arith.constant 80 : index
        %parallel_loop3A_640 = tpu.vector_load %arg5[%parallel_loop3A_638, %parallel_loop3A_639] {strides = array<i32>} : memref<96x112xf32, #tpu.memory_space<vmem>>, vector<16xf32>,
        %parallel_loop3A_641 = vector.broadcast %select_n3A_429 : f32 to vector<16xf32>
        %parallel_loop3A_642 = arith.mulf %parallel_loop3A_641, %parallel_loop3A_640 : vector<16xf32>
        %parallel_loop3A_643 = arith.addf %parallel_loop3A_637, %parallel_loop3A_642 : vector<16xf32>
        %parallel_loop3A_644 = arith.constant 80 : i32
        %parallel_loop3A_645 = arith.addi %parallel_loop3A_557, %parallel_loop3A_644 : i32
        %parallel_loop3A_646 = arith.index_cast %parallel_loop3A_645 : i32 to index
        %parallel_loop3A_647 = tpu.vector_load %arg8[%parallel_loop3A_646] {strides = array<i32>} : memref<10752xf32, #tpu.memory_space<vmem>>, vector<16xf32>,
        tpu.vector_store %arg8[%parallel_loop3A_646], %parallel_loop3A_643 {strides = array<i32>} : memref<10752xf32, #tpu.memory_space<vmem>>, vector<16xf32>,
        %parallel_loop3A_648 = arith.index_cast %parallel_loop3A_555 : i32 to index
        %parallel_loop3A_649 = arith.constant 96 : index
        %parallel_loop3A_650 = tpu.vector_load %arg4[%parallel_loop3A_648, %parallel_loop3A_649] {strides = array<i32>} : memref<96x112xf32, #tpu.memory_space<vmem>>, vector<16xf32>,
        %parallel_loop3A_651 = vector.broadcast %select_n3A_427 : f32 to vector<16xf32>
        %parallel_loop3A_652 = arith.mulf %parallel_loop3A_651, %parallel_loop3A_650 : vector<16xf32>
        %parallel_loop3A_653 = arith.index_cast %parallel_loop3A_555 : i32 to index
        %parallel_loop3A_654 = arith.constant 96 : index
        %parallel_loop3A_655 = tpu.vector_load %arg5[%parallel_loop3A_653, %parallel_loop3A_654] {strides = array<i32>} : memref<96x112xf32, #tpu.memory_space<vmem>>, vector<16xf32>,
        %parallel_loop3A_656 = vector.broadcast %select_n3A_429 : f32 to vector<16xf32>
        %parallel_loop3A_657 = arith.mulf %parallel_loop3A_656, %parallel_loop3A_655 : vector<16xf32>
        %parallel_loop3A_658 = arith.addf %parallel_loop3A_652, %parallel_loop3A_657 : vector<16xf32>
        %parallel_loop3A_659 = vector.broadcast %parallel_loop3A_557 : i32 to vector<16xi32>
        %parallel_loop3A_660 = arith.addi %add3A_233, %parallel_loop3A_659 : vector<16xi32>
        %parallel_loop3A_661 = arith.constant 0 : i32
        %parallel_loop3A_662 = vector.broadcast %parallel_loop3A_661 : i32 to vector<16xi32>
        %parallel_loop3A_663 = arith.cmpi slt, %max3A_218, %parallel_loop3A_662 : vector<16xi32>
        %parallel_loop3A_664 = arith.constant 16 : i32
        %parallel_loop3A_665 = vector.broadcast %parallel_loop3A_664 : i32 to vector<16xi32>
        %parallel_loop3A_666 = arith.addi %max3A_218, %parallel_loop3A_665 : vector<16xi32>
        %parallel_loop3A_667 = arith.select %parallel_loop3A_663, %parallel_loop3A_666, %max3A_218 : vector<16xi1>, vector<16xi32>
        %parallel_loop3A_668 = vector.shape_cast %parallel_loop3A_667 : vector<16xi32> to vector<16x1xi32>
        %parallel_loop3A_669 = vector.shape_cast %parallel_loop3A_668 : vector<16x1xi32> to vector<16xi32>
        %parallel_loop3A_670 = tpu.dynamic_gather %parallel_loop3A_568[%parallel_loop3A_669] in [0] : vector<16xf32>, vector<16xi32> -> vector<16xf32>
        %parallel_loop3A_671 = arith.constant 0 : i32
        %parallel_loop3A_672 = vector.broadcast %parallel_loop3A_671 : i32 to vector<16xi32>
        %parallel_loop3A_673 = arith.cmpi slt, %shift_right_arithmetic3A_224, %parallel_loop3A_672 : vector<16xi32>
        %parallel_loop3A_674 = arith.constant 16 : i32
        %parallel_loop3A_675 = vector.broadcast %parallel_loop3A_674 : i32 to vector<16xi32>
        %parallel_loop3A_676 = arith.addi %shift_right_arithmetic3A_224, %parallel_loop3A_675 : vector<16xi32>
        %parallel_loop3A_677 = arith.select %parallel_loop3A_673, %parallel_loop3A_676, %shift_right_arithmetic3A_224 : vector<16xi1>, vector<16xi32>
        %parallel_loop3A_678 = vector.shape_cast %parallel_loop3A_677 : vector<16xi32> to vector<16x1xi32>
        %parallel_loop3A_679 = vector.shape_cast %parallel_loop3A_678 : vector<16x1xi32> to vector<16xi32>
        %parallel_loop3A_680 = tpu.dynamic_gather %parallel_loop3A_568[%parallel_loop3A_679] in [0] : vector<16xf32>, vector<16xi32> -> vector<16xf32>
        %parallel_loop3A_681 = arith.mulf %select_n3A_277, %parallel_loop3A_670 : vector<16xf32>
        %parallel_loop3A_682 = arith.mulf %select_n3A_280, %parallel_loop3A_680 : vector<16xf32>
        %parallel_loop3A_683 = arith.addf %parallel_loop3A_681, %parallel_loop3A_682 : vector<16xf32>
        %parallel_loop3A_684 = arith.index_cast %parallel_loop3A_555 : i32 to index
        %parallel_loop3A_685 = arith.constant 0 : index
        %parallel_loop3A_686 = tpu.vector_load %arg9[%parallel_loop3A_684, %parallel_loop3A_685] {strides = array<i32>} : memref<96x224xf32, #tpu.memory_space<vmem>>, vector<16xf32>,
        tpu.vector_store %arg9[%parallel_loop3A_684, %parallel_loop3A_685], %parallel_loop3A_683 {strides = array<i32>} : memref<96x224xf32, #tpu.memory_space<vmem>>, vector<16xf32>,
        %parallel_loop3A_687 = arith.constant 0 : i32
        %parallel_loop3A_688 = vector.broadcast %parallel_loop3A_687 : i32 to vector<16xi32>
        %parallel_loop3A_689 = arith.addi %parallel_loop3A_660, %parallel_loop3A_688 : vector<16xi32>
        %parallel_loop3A_690 = tpu.vector_load_idx %arg8[%parallel_loop3A_689] : memref<10752xf32, #tpu.memory_space<vmem>>[vector<16xi32>], vector<16xf32>,
        %parallel_loop3A_691 = arith.constant 1 : i32
        %parallel_loop3A_692 = vector.broadcast %parallel_loop3A_691 : i32 to vector<16xi32>
        %parallel_loop3A_693 = arith.addi %parallel_loop3A_660, %parallel_loop3A_692 : vector<16xi32>
        %parallel_loop3A_694 = tpu.vector_load_idx %arg8[%parallel_loop3A_693] : memref<10752xf32, #tpu.memory_space<vmem>>[vector<16xi32>], vector<16xf32>,
        %parallel_loop3A_695 = arith.mulf %select_n3A_248, %parallel_loop3A_690 : vector<16xf32>
        %parallel_loop3A_696 = arith.mulf %select_n3A_253, %parallel_loop3A_694 : vector<16xf32>
        %parallel_loop3A_697 = arith.addf %parallel_loop3A_695, %parallel_loop3A_696 : vector<16xf32>
        %parallel_loop3A_698 = arith.index_cast %parallel_loop3A_555 : i32 to index
        %parallel_loop3A_699 = arith.constant 16 : index
        %parallel_loop3A_700 = tpu.vector_load %arg9[%parallel_loop3A_698, %parallel_loop3A_699] {strides = array<i32>} : memref<96x224xf32, #tpu.memory_space<vmem>>, vector<16xf32>,
        tpu.vector_store %arg9[%parallel_loop3A_698, %parallel_loop3A_699], %parallel_loop3A_697 {strides = array<i32>} : memref<96x224xf32, #tpu.memory_space<vmem>>, vector<16xf32>,
        %parallel_loop3A_701 = arith.constant 0 : i32
        %parallel_loop3A_702 = vector.broadcast %parallel_loop3A_701 : i32 to vector<16xi32>
        %parallel_loop3A_703 = arith.cmpi slt, %add3A_204, %parallel_loop3A_702 : vector<16xi32>
        %parallel_loop3A_704 = arith.constant 16 : i32
        %parallel_loop3A_705 = vector.broadcast %parallel_loop3A_704 : i32 to vector<16xi32>
        %parallel_loop3A_706 = arith.addi %add3A_204, %parallel_loop3A_705 : vector<16xi32>
        %parallel_loop3A_707 = arith.select %parallel_loop3A_703, %parallel_loop3A_706, %add3A_204 : vector<16xi1>, vector<16xi32>
        %parallel_loop3A_708 = vector.shape_cast %parallel_loop3A_707 : vector<16xi32> to vector<16x1xi32>
        %parallel_loop3A_709 = vector.shape_cast %parallel_loop3A_708 : vector<16x1xi32> to vector<16xi32>
        %parallel_loop3A_710 = tpu.dynamic_gather %parallel_loop3A_568[%parallel_loop3A_709] in [0] : vector<16xf32>, vector<16xi32> -> vector<16xf32>
        %parallel_loop3A_711 = arith.constant 0 : i32
        %parallel_loop3A_712 = vector.broadcast %parallel_loop3A_711 : i32 to vector<16xi32>
        %parallel_loop3A_713 = arith.cmpi slt, %max3A_218, %parallel_loop3A_712 : vector<16xi32>
        %parallel_loop3A_714 = arith.constant 16 : i32
        %parallel_loop3A_715 = vector.broadcast %parallel_loop3A_714 : i32 to vector<16xi32>
        %parallel_loop3A_716 = arith.addi %max3A_218, %parallel_loop3A_715 : vector<16xi32>
        %parallel_loop3A_717 = arith.select %parallel_loop3A_713, %parallel_loop3A_716, %max3A_218 : vector<16xi1>, vector<16xi32>
        %parallel_loop3A_718 = vector.shape_cast %parallel_loop3A_717 : vector<16xi32> to vector<16x1xi32>
        %parallel_loop3A_719 = vector.shape_cast %parallel_loop3A_718 : vector<16x1xi32> to vector<16xi32>
        %parallel_loop3A_720 = tpu.dynamic_gather %parallel_loop3A_583[%parallel_loop3A_719] in [0] : vector<16xf32>, vector<16xi32> -> vector<16xf32>
        %parallel_loop3A_721 = arith.select %eq3A_207, %parallel_loop3A_710, %parallel_loop3A_720 : vector<16xi1>, vector<16xf32>
        %parallel_loop3A_722 = arith.constant 0 : i32
        %parallel_loop3A_723 = vector.broadcast %parallel_loop3A_722 : i32 to vector<16xi32>
        %parallel_loop3A_724 = arith.cmpi slt, %shift_right_arithmetic3A_224, %parallel_loop3A_723 : vector<16xi32>
        %parallel_loop3A_725 = arith.constant 16 : i32
        %parallel_loop3A_726 = vector.broadcast %parallel_loop3A_725 : i32 to vector<16xi32>
        %parallel_loop3A_727 = arith.addi %shift_right_arithmetic3A_224, %parallel_loop3A_726 : vector<16xi32>
        %parallel_loop3A_728 = arith.select %parallel_loop3A_724, %parallel_loop3A_727, %shift_right_arithmetic3A_224 : vector<16xi1>, vector<16xi32>
        %parallel_loop3A_729 = vector.shape_cast %parallel_loop3A_728 : vector<16xi32> to vector<16x1xi32>
        %parallel_loop3A_730 = vector.shape_cast %parallel_loop3A_729 : vector<16x1xi32> to vector<16xi32>
        %parallel_loop3A_731 = tpu.dynamic_gather %parallel_loop3A_583[%parallel_loop3A_730] in [0] : vector<16xf32>, vector<16xi32> -> vector<16xf32>
        %parallel_loop3A_732 = arith.mulf %select_n3A_248, %parallel_loop3A_721 : vector<16xf32>
        %parallel_loop3A_733 = arith.mulf %select_n3A_253, %parallel_loop3A_731 : vector<16xf32>
        %parallel_loop3A_734 = arith.addf %parallel_loop3A_732, %parallel_loop3A_733 : vector<16xf32>
        %parallel_loop3A_735 = arith.index_cast %parallel_loop3A_555 : i32 to index
        %parallel_loop3A_736 = arith.constant 32 : index
        %parallel_loop3A_737 = tpu.vector_load %arg9[%parallel_loop3A_735, %parallel_loop3A_736] {strides = array<i32>} : memref<96x224xf32, #tpu.memory_space<vmem>>, vector<16xf32>,
        tpu.vector_store %arg9[%parallel_loop3A_735, %parallel_loop3A_736], %parallel_loop3A_734 {strides = array<i32>} : memref<96x224xf32, #tpu.memory_space<vmem>>, vector<16xf32>,
        %parallel_loop3A_738 = arith.constant 16 : i32
        %parallel_loop3A_739 = vector.broadcast %parallel_loop3A_738 : i32 to vector<16xi32>
        %parallel_loop3A_740 = arith.addi %parallel_loop3A_660, %parallel_loop3A_739 : vector<16xi32>
        %parallel_loop3A_741 = tpu.vector_load_idx %arg8[%parallel_loop3A_740] : memref<10752xf32, #tpu.memory_space<vmem>>[vector<16xi32>], vector<16xf32>,
        %parallel_loop3A_742 = arith.constant 17 : i32
        %parallel_loop3A_743 = vector.broadcast %parallel_loop3A_742 : i32 to vector<16xi32>
        %parallel_loop3A_744 = arith.addi %parallel_loop3A_660, %parallel_loop3A_743 : vector<16xi32>
        %parallel_loop3A_745 = tpu.vector_load_idx %arg8[%parallel_loop3A_744] : memref<10752xf32, #tpu.memory_space<vmem>>[vector<16xi32>], vector<16xf32>,
        %parallel_loop3A_746 = arith.mulf %select_n3A_248, %parallel_loop3A_741 : vector<16xf32>
        %parallel_loop3A_747 = arith.mulf %select_n3A_253, %parallel_loop3A_745 : vector<16xf32>
        %parallel_loop3A_748 = arith.addf %parallel_loop3A_746, %parallel_loop3A_747 : vector<16xf32>
        %parallel_loop3A_749 = arith.index_cast %parallel_loop3A_555 : i32 to index
        %parallel_loop3A_750 = arith.constant 48 : index
        %parallel_loop3A_751 = tpu.vector_load %arg9[%parallel_loop3A_749, %parallel_loop3A_750] {strides = array<i32>} : memref<96x224xf32, #tpu.memory_space<vmem>>, vector<16xf32>,
        tpu.vector_store %arg9[%parallel_loop3A_749, %parallel_loop3A_750], %parallel_loop3A_748 {strides = array<i32>} : memref<96x224xf32, #tpu.memory_space<vmem>>, vector<16xf32>,
        %parallel_loop3A_752 = arith.constant 0 : i32
        %parallel_loop3A_753 = vector.broadcast %parallel_loop3A_752 : i32 to vector<16xi32>
        %parallel_loop3A_754 = arith.cmpi slt, %add3A_204, %parallel_loop3A_753 : vector<16xi32>
        %parallel_loop3A_755 = arith.constant 16 : i32
        %parallel_loop3A_756 = vector.broadcast %parallel_loop3A_755 : i32 to vector<16xi32>
        %parallel_loop3A_757 = arith.addi %add3A_204, %parallel_loop3A_756 : vector<16xi32>
        %parallel_loop3A_758 = arith.select %parallel_loop3A_754, %parallel_loop3A_757, %add3A_204 : vector<16xi1>, vector<16xi32>
        %parallel_loop3A_759 = vector.shape_cast %parallel_loop3A_758 : vector<16xi32> to vector<16x1xi32>
        %parallel_loop3A_760 = vector.shape_cast %parallel_loop3A_759 : vector<16x1xi32> to vector<16xi32>
        %parallel_loop3A_761 = tpu.dynamic_gather %parallel_loop3A_583[%parallel_loop3A_760] in [0] : vector<16xf32>, vector<16xi32> -> vector<16xf32>
        %parallel_loop3A_762 = arith.constant 0 : i32
        %parallel_loop3A_763 = vector.broadcast %parallel_loop3A_762 : i32 to vector<16xi32>
        %parallel_loop3A_764 = arith.cmpi slt, %max3A_218, %parallel_loop3A_763 : vector<16xi32>
        %parallel_loop3A_765 = arith.constant 16 : i32
        %parallel_loop3A_766 = vector.broadcast %parallel_loop3A_765 : i32 to vector<16xi32>
        %parallel_loop3A_767 = arith.addi %max3A_218, %parallel_loop3A_766 : vector<16xi32>
        %parallel_loop3A_768 = arith.select %parallel_loop3A_764, %parallel_loop3A_767, %max3A_218 : vector<16xi1>, vector<16xi32>
        %parallel_loop3A_769 = vector.shape_cast %parallel_loop3A_768 : vector<16xi32> to vector<16x1xi32>
        %parallel_loop3A_770 = vector.shape_cast %parallel_loop3A_769 : vector<16x1xi32> to vector<16xi32>
        %parallel_loop3A_771 = tpu.dynamic_gather %parallel_loop3A_598[%parallel_loop3A_770] in [0] : vector<16xf32>, vector<16xi32> -> vector<16xf32>
        %parallel_loop3A_772 = arith.select %eq3A_207, %parallel_loop3A_761, %parallel_loop3A_771 : vector<16xi1>, vector<16xf32>
        %parallel_loop3A_773 = arith.constant 0 : i32
        %parallel_loop3A_774 = vector.broadcast %parallel_loop3A_773 : i32 to vector<16xi32>
        %parallel_loop3A_775 = arith.cmpi slt, %shift_right_arithmetic3A_224, %parallel_loop3A_774 : vector<16xi32>
        %parallel_loop3A_776 = arith.constant 16 : i32
        %parallel_loop3A_777 = vector.broadcast %parallel_loop3A_776 : i32 to vector<16xi32>
        %parallel_loop3A_778 = arith.addi %shift_right_arithmetic3A_224, %parallel_loop3A_777 : vector<16xi32>
        %parallel_loop3A_779 = arith.select %parallel_loop3A_775, %parallel_loop3A_778, %shift_right_arithmetic3A_224 : vector<16xi1>, vector<16xi32>
        %parallel_loop3A_780 = vector.shape_cast %parallel_loop3A_779 : vector<16xi32> to vector<16x1xi32>
        %parallel_loop3A_781 = vector.shape_cast %parallel_loop3A_780 : vector<16x1xi32> to vector<16xi32>
        %parallel_loop3A_782 = tpu.dynamic_gather %parallel_loop3A_598[%parallel_loop3A_781] in [0] : vector<16xf32>, vector<16xi32> -> vector<16xf32>
        %parallel_loop3A_783 = arith.mulf %select_n3A_248, %parallel_loop3A_772 : vector<16xf32>
        %parallel_loop3A_784 = arith.mulf %select_n3A_253, %parallel_loop3A_782 : vector<16xf32>
        %parallel_loop3A_785 = arith.addf %parallel_loop3A_783, %parallel_loop3A_784 : vector<16xf32>
        %parallel_loop3A_786 = arith.index_cast %parallel_loop3A_555 : i32 to index
        %parallel_loop3A_787 = arith.constant 64 : index
        %parallel_loop3A_788 = tpu.vector_load %arg9[%parallel_loop3A_786, %parallel_loop3A_787] {strides = array<i32>} : memref<96x224xf32, #tpu.memory_space<vmem>>, vector<16xf32>,
        tpu.vector_store %arg9[%parallel_loop3A_786, %parallel_loop3A_787], %parallel_loop3A_785 {strides = array<i32>} : memref<96x224xf32, #tpu.memory_space<vmem>>, vector<16xf32>,
        %parallel_loop3A_789 = arith.constant 32 : i32
        %parallel_loop3A_790 = vector.broadcast %parallel_loop3A_789 : i32 to vector<16xi32>
        %parallel_loop3A_791 = arith.addi %parallel_loop3A_660, %parallel_loop3A_790 : vector<16xi32>
        %parallel_loop3A_792 = tpu.vector_load_idx %arg8[%parallel_loop3A_791] : memref<10752xf32, #tpu.memory_space<vmem>>[vector<16xi32>], vector<16xf32>,
        %parallel_loop3A_793 = arith.constant 33 : i32
        %parallel_loop3A_794 = vector.broadcast %parallel_loop3A_793 : i32 to vector<16xi32>
        %parallel_loop3A_795 = arith.addi %parallel_loop3A_660, %parallel_loop3A_794 : vector<16xi32>
        %parallel_loop3A_796 = tpu.vector_load_idx %arg8[%parallel_loop3A_795] : memref<10752xf32, #tpu.memory_space<vmem>>[vector<16xi32>], vector<16xf32>,
        %parallel_loop3A_797 = arith.mulf %select_n3A_248, %parallel_loop3A_792 : vector<16xf32>
        %parallel_loop3A_798 = arith.mulf %select_n3A_253, %parallel_loop3A_796 : vector<16xf32>
        %parallel_loop3A_799 = arith.addf %parallel_loop3A_797, %parallel_loop3A_798 : vector<16xf32>
        %parallel_loop3A_800 = arith.index_cast %parallel_loop3A_555 : i32 to index
        %parallel_loop3A_801 = arith.constant 80 : index
        %parallel_loop3A_802 = tpu.vector_load %arg9[%parallel_loop3A_800, %parallel_loop3A_801] {strides = array<i32>} : memref<96x224xf32, #tpu.memory_space<vmem>>, vector<16xf32>,
        tpu.vector_store %arg9[%parallel_loop3A_800, %parallel_loop3A_801], %parallel_loop3A_799 {strides = array<i32>} : memref<96x224xf32, #tpu.memory_space<vmem>>, vector<16xf32>,
        %parallel_loop3A_803 = arith.constant 0 : i32
        %parallel_loop3A_804 = vector.broadcast %parallel_loop3A_803 : i32 to vector<16xi32>
        %parallel_loop3A_805 = arith.cmpi slt, %add3A_204, %parallel_loop3A_804 : vector<16xi32>
        %parallel_loop3A_806 = arith.constant 16 : i32
        %parallel_loop3A_807 = vector.broadcast %parallel_loop3A_806 : i32 to vector<16xi32>
        %parallel_loop3A_808 = arith.addi %add3A_204, %parallel_loop3A_807 : vector<16xi32>
        %parallel_loop3A_809 = arith.select %parallel_loop3A_805, %parallel_loop3A_808, %add3A_204 : vector<16xi1>, vector<16xi32>
        %parallel_loop3A_810 = vector.shape_cast %parallel_loop3A_809 : vector<16xi32> to vector<16x1xi32>
        %parallel_loop3A_811 = vector.shape_cast %parallel_loop3A_810 : vector<16x1xi32> to vector<16xi32>
        %parallel_loop3A_812 = tpu.dynamic_gather %parallel_loop3A_598[%parallel_loop3A_811] in [0] : vector<16xf32>, vector<16xi32> -> vector<16xf32>
        %parallel_loop3A_813 = arith.constant 0 : i32
        %parallel_loop3A_814 = vector.broadcast %parallel_loop3A_813 : i32 to vector<16xi32>
        %parallel_loop3A_815 = arith.cmpi slt, %max3A_218, %parallel_loop3A_814 : vector<16xi32>
        %parallel_loop3A_816 = arith.constant 16 : i32
        %parallel_loop3A_817 = vector.broadcast %parallel_loop3A_816 : i32 to vector<16xi32>
        %parallel_loop3A_818 = arith.addi %max3A_218, %parallel_loop3A_817 : vector<16xi32>
        %parallel_loop3A_819 = arith.select %parallel_loop3A_815, %parallel_loop3A_818, %max3A_218 : vector<16xi1>, vector<16xi32>
        %parallel_loop3A_820 = vector.shape_cast %parallel_loop3A_819 : vector<16xi32> to vector<16x1xi32>
        %parallel_loop3A_821 = vector.shape_cast %parallel_loop3A_820 : vector<16x1xi32> to vector<16xi32>
        %parallel_loop3A_822 = tpu.dynamic_gather %parallel_loop3A_613[%parallel_loop3A_821] in [0] : vector<16xf32>, vector<16xi32> -> vector<16xf32>
        %parallel_loop3A_823 = arith.select %eq3A_207, %parallel_loop3A_812, %parallel_loop3A_822 : vector<16xi1>, vector<16xf32>
        %parallel_loop3A_824 = arith.constant 0 : i32
        %parallel_loop3A_825 = vector.broadcast %parallel_loop3A_824 : i32 to vector<16xi32>
        %parallel_loop3A_826 = arith.cmpi slt, %shift_right_arithmetic3A_224, %parallel_loop3A_825 : vector<16xi32>
        %parallel_loop3A_827 = arith.constant 16 : i32
        %parallel_loop3A_828 = vector.broadcast %parallel_loop3A_827 : i32 to vector<16xi32>
        %parallel_loop3A_829 = arith.addi %shift_right_arithmetic3A_224, %parallel_loop3A_828 : vector<16xi32>
        %parallel_loop3A_830 = arith.select %parallel_loop3A_826, %parallel_loop3A_829, %shift_right_arithmetic3A_224 : vector<16xi1>, vector<16xi32>
        %parallel_loop3A_831 = vector.shape_cast %parallel_loop3A_830 : vector<16xi32> to vector<16x1xi32>
        %parallel_loop3A_832 = vector.shape_cast %parallel_loop3A_831 : vector<16x1xi32> to vector<16xi32>
        %parallel_loop3A_833 = tpu.dynamic_gather %parallel_loop3A_613[%parallel_loop3A_832] in [0] : vector<16xf32>, vector<16xi32> -> vector<16xf32>
        %parallel_loop3A_834 = arith.mulf %select_n3A_248, %parallel_loop3A_823 : vector<16xf32>
        %parallel_loop3A_835 = arith.mulf %select_n3A_253, %parallel_loop3A_833 : vector<16xf32>
        %parallel_loop3A_836 = arith.addf %parallel_loop3A_834, %parallel_loop3A_835 : vector<16xf32>
        %parallel_loop3A_837 = arith.index_cast %parallel_loop3A_555 : i32 to index
        %parallel_loop3A_838 = arith.constant 96 : index
        %parallel_loop3A_839 = tpu.vector_load %arg9[%parallel_loop3A_837, %parallel_loop3A_838] {strides = array<i32>} : memref<96x224xf32, #tpu.memory_space<vmem>>, vector<16xf32>,
        tpu.vector_store %arg9[%parallel_loop3A_837, %parallel_loop3A_838], %parallel_loop3A_836 {strides = array<i32>} : memref<96x224xf32, #tpu.memory_space<vmem>>, vector<16xf32>,
        %parallel_loop3A_840 = arith.constant 48 : i32
        %parallel_loop3A_841 = vector.broadcast %parallel_loop3A_840 : i32 to vector<16xi32>
        %parallel_loop3A_842 = arith.addi %parallel_loop3A_660, %parallel_loop3A_841 : vector<16xi32>
        %parallel_loop3A_843 = tpu.vector_load_idx %arg8[%parallel_loop3A_842] : memref<10752xf32, #tpu.memory_space<vmem>>[vector<16xi32>], vector<16xf32>,
        %parallel_loop3A_844 = arith.constant 49 : i32
        %parallel_loop3A_845 = vector.broadcast %parallel_loop3A_844 : i32 to vector<16xi32>
        %parallel_loop3A_846 = arith.addi %parallel_loop3A_660, %parallel_loop3A_845 : vector<16xi32>
        %parallel_loop3A_847 = tpu.vector_load_idx %arg8[%parallel_loop3A_846] : memref<10752xf32, #tpu.memory_space<vmem>>[vector<16xi32>], vector<16xf32>,
        %parallel_loop3A_848 = arith.mulf %select_n3A_248, %parallel_loop3A_843 : vector<16xf32>
        %parallel_loop3A_849 = arith.mulf %select_n3A_253, %parallel_loop3A_847 : vector<16xf32>
        %parallel_loop3A_850 = arith.addf %parallel_loop3A_848, %parallel_loop3A_849 : vector<16xf32>
        %parallel_loop3A_851 = arith.index_cast %parallel_loop3A_555 : i32 to index
        %parallel_loop3A_852 = arith.constant 112 : index
        %parallel_loop3A_853 = tpu.vector_load %arg9[%parallel_loop3A_851, %parallel_loop3A_852] {strides = array<i32>} : memref<96x224xf32, #tpu.memory_space<vmem>>, vector<16xf32>,
        tpu.vector_store %arg9[%parallel_loop3A_851, %parallel_loop3A_852], %parallel_loop3A_850 {strides = array<i32>} : memref<96x224xf32, #tpu.memory_space<vmem>>, vector<16xf32>,
        %parallel_loop3A_854 = arith.constant 0 : i32
        %parallel_loop3A_855 = vector.broadcast %parallel_loop3A_854 : i32 to vector<16xi32>
        %parallel_loop3A_856 = arith.cmpi slt, %add3A_204, %parallel_loop3A_855 : vector<16xi32>
        %parallel_loop3A_857 = arith.constant 16 : i32
        %parallel_loop3A_858 = vector.broadcast %parallel_loop3A_857 : i32 to vector<16xi32>
        %parallel_loop3A_859 = arith.addi %add3A_204, %parallel_loop3A_858 : vector<16xi32>
        %parallel_loop3A_860 = arith.select %parallel_loop3A_856, %parallel_loop3A_859, %add3A_204 : vector<16xi1>, vector<16xi32>
        %parallel_loop3A_861 = vector.shape_cast %parallel_loop3A_860 : vector<16xi32> to vector<16x1xi32>
        %parallel_loop3A_862 = vector.shape_cast %parallel_loop3A_861 : vector<16x1xi32> to vector<16xi32>
        %parallel_loop3A_863 = tpu.dynamic_gather %parallel_loop3A_613[%parallel_loop3A_862] in [0] : vector<16xf32>, vector<16xi32> -> vector<16xf32>
        %parallel_loop3A_864 = arith.constant 0 : i32
        %parallel_loop3A_865 = vector.broadcast %parallel_loop3A_864 : i32 to vector<16xi32>
        %parallel_loop3A_866 = arith.cmpi slt, %max3A_218, %parallel_loop3A_865 : vector<16xi32>
        %parallel_loop3A_867 = arith.constant 16 : i32
        %parallel_loop3A_868 = vector.broadcast %parallel_loop3A_867 : i32 to vector<16xi32>
        %parallel_loop3A_869 = arith.addi %max3A_218, %parallel_loop3A_868 : vector<16xi32>
        %parallel_loop3A_870 = arith.select %parallel_loop3A_866, %parallel_loop3A_869, %max3A_218 : vector<16xi1>, vector<16xi32>
        %parallel_loop3A_871 = vector.shape_cast %parallel_loop3A_870 : vector<16xi32> to vector<16x1xi32>
        %parallel_loop3A_872 = vector.shape_cast %parallel_loop3A_871 : vector<16x1xi32> to vector<16xi32>
        %parallel_loop3A_873 = tpu.dynamic_gather %parallel_loop3A_628[%parallel_loop3A_872] in [0] : vector<16xf32>, vector<16xi32> -> vector<16xf32>
        %parallel_loop3A_874 = arith.select %eq3A_207, %parallel_loop3A_863, %parallel_loop3A_873 : vector<16xi1>, vector<16xf32>
        %parallel_loop3A_875 = arith.constant 0 : i32
        %parallel_loop3A_876 = vector.broadcast %parallel_loop3A_875 : i32 to vector<16xi32>
        %parallel_loop3A_877 = arith.cmpi slt, %shift_right_arithmetic3A_224, %parallel_loop3A_876 : vector<16xi32>
        %parallel_loop3A_878 = arith.constant 16 : i32
        %parallel_loop3A_879 = vector.broadcast %parallel_loop3A_878 : i32 to vector<16xi32>
        %parallel_loop3A_880 = arith.addi %shift_right_arithmetic3A_224, %parallel_loop3A_879 : vector<16xi32>
        %parallel_loop3A_881 = arith.select %parallel_loop3A_877, %parallel_loop3A_880, %shift_right_arithmetic3A_224 : vector<16xi1>, vector<16xi32>
        %parallel_loop3A_882 = vector.shape_cast %parallel_loop3A_881 : vector<16xi32> to vector<16x1xi32>
        %parallel_loop3A_883 = vector.shape_cast %parallel_loop3A_882 : vector<16x1xi32> to vector<16xi32>
        %parallel_loop3A_884 = tpu.dynamic_gather %parallel_loop3A_628[%parallel_loop3A_883] in [0] : vector<16xf32>, vector<16xi32> -> vector<16xf32>
        %parallel_loop3A_885 = arith.mulf %select_n3A_248, %parallel_loop3A_874 : vector<16xf32>
        %parallel_loop3A_886 = arith.mulf %select_n3A_253, %parallel_loop3A_884 : vector<16xf32>
        %parallel_loop3A_887 = arith.addf %parallel_loop3A_885, %parallel_loop3A_886 : vector<16xf32>
        %parallel_loop3A_888 = arith.index_cast %parallel_loop3A_555 : i32 to index
        %parallel_loop3A_889 = arith.constant 128 : index
        %parallel_loop3A_890 = tpu.vector_load %arg9[%parallel_loop3A_888, %parallel_loop3A_889] {strides = array<i32>} : memref<96x224xf32, #tpu.memory_space<vmem>>, vector<16xf32>,
        tpu.vector_store %arg9[%parallel_loop3A_888, %parallel_loop3A_889], %parallel_loop3A_887 {strides = array<i32>} : memref<96x224xf32, #tpu.memory_space<vmem>>, vector<16xf32>,
        %parallel_loop3A_891 = arith.constant 64 : i32
        %parallel_loop3A_892 = vector.broadcast %parallel_loop3A_891 : i32 to vector<16xi32>
        %parallel_loop3A_893 = arith.addi %parallel_loop3A_660, %parallel_loop3A_892 : vector<16xi32>
        %parallel_loop3A_894 = tpu.vector_load_idx %arg8[%parallel_loop3A_893] : memref<10752xf32, #tpu.memory_space<vmem>>[vector<16xi32>], vector<16xf32>,
        %parallel_loop3A_895 = arith.constant 65 : i32
        %parallel_loop3A_896 = vector.broadcast %parallel_loop3A_895 : i32 to vector<16xi32>
        %parallel_loop3A_897 = arith.addi %parallel_loop3A_660, %parallel_loop3A_896 : vector<16xi32>
        %parallel_loop3A_898 = tpu.vector_load_idx %arg8[%parallel_loop3A_897] : memref<10752xf32, #tpu.memory_space<vmem>>[vector<16xi32>], vector<16xf32>,
        %parallel_loop3A_899 = arith.mulf %select_n3A_248, %parallel_loop3A_894 : vector<16xf32>
        %parallel_loop3A_900 = arith.mulf %select_n3A_253, %parallel_loop3A_898 : vector<16xf32>
        %parallel_loop3A_901 = arith.addf %parallel_loop3A_899, %parallel_loop3A_900 : vector<16xf32>
        %parallel_loop3A_902 = arith.index_cast %parallel_loop3A_555 : i32 to index
        %parallel_loop3A_903 = arith.constant 144 : index
        %parallel_loop3A_904 = tpu.vector_load %arg9[%parallel_loop3A_902, %parallel_loop3A_903] {strides = array<i32>} : memref<96x224xf32, #tpu.memory_space<vmem>>, vector<16xf32>,
        tpu.vector_store %arg9[%parallel_loop3A_902, %parallel_loop3A_903], %parallel_loop3A_901 {strides = array<i32>} : memref<96x224xf32, #tpu.memory_space<vmem>>, vector<16xf32>,
        %parallel_loop3A_905 = arith.constant 0 : i32
        %parallel_loop3A_906 = vector.broadcast %parallel_loop3A_905 : i32 to vector<16xi32>
        %parallel_loop3A_907 = arith.cmpi slt, %add3A_204, %parallel_loop3A_906 : vector<16xi32>
        %parallel_loop3A_908 = arith.constant 16 : i32
        %parallel_loop3A_909 = vector.broadcast %parallel_loop3A_908 : i32 to vector<16xi32>
        %parallel_loop3A_910 = arith.addi %add3A_204, %parallel_loop3A_909 : vector<16xi32>
        %parallel_loop3A_911 = arith.select %parallel_loop3A_907, %parallel_loop3A_910, %add3A_204 : vector<16xi1>, vector<16xi32>
        %parallel_loop3A_912 = vector.shape_cast %parallel_loop3A_911 : vector<16xi32> to vector<16x1xi32>
        %parallel_loop3A_913 = vector.shape_cast %parallel_loop3A_912 : vector<16x1xi32> to vector<16xi32>
        %parallel_loop3A_914 = tpu.dynamic_gather %parallel_loop3A_628[%parallel_loop3A_913] in [0] : vector<16xf32>, vector<16xi32> -> vector<16xf32>
        %parallel_loop3A_915 = arith.constant 0 : i32
        %parallel_loop3A_916 = vector.broadcast %parallel_loop3A_915 : i32 to vector<16xi32>
        %parallel_loop3A_917 = arith.cmpi slt, %max3A_218, %parallel_loop3A_916 : vector<16xi32>
        %parallel_loop3A_918 = arith.constant 16 : i32
        %parallel_loop3A_919 = vector.broadcast %parallel_loop3A_918 : i32 to vector<16xi32>
        %parallel_loop3A_920 = arith.addi %max3A_218, %parallel_loop3A_919 : vector<16xi32>
        %parallel_loop3A_921 = arith.select %parallel_loop3A_917, %parallel_loop3A_920, %max3A_218 : vector<16xi1>, vector<16xi32>
        %parallel_loop3A_922 = vector.shape_cast %parallel_loop3A_921 : vector<16xi32> to vector<16x1xi32>
        %parallel_loop3A_923 = vector.shape_cast %parallel_loop3A_922 : vector<16x1xi32> to vector<16xi32>
        %parallel_loop3A_924 = tpu.dynamic_gather %parallel_loop3A_643[%parallel_loop3A_923] in [0] : vector<16xf32>, vector<16xi32> -> vector<16xf32>
        %parallel_loop3A_925 = arith.select %eq3A_207, %parallel_loop3A_914, %parallel_loop3A_924 : vector<16xi1>, vector<16xf32>
        %parallel_loop3A_926 = arith.constant 0 : i32
        %parallel_loop3A_927 = vector.broadcast %parallel_loop3A_926 : i32 to vector<16xi32>
        %parallel_loop3A_928 = arith.cmpi slt, %shift_right_arithmetic3A_224, %parallel_loop3A_927 : vector<16xi32>
        %parallel_loop3A_929 = arith.constant 16 : i32
        %parallel_loop3A_930 = vector.broadcast %parallel_loop3A_929 : i32 to vector<16xi32>
        %parallel_loop3A_931 = arith.addi %shift_right_arithmetic3A_224, %parallel_loop3A_930 : vector<16xi32>
        %parallel_loop3A_932 = arith.select %parallel_loop3A_928, %parallel_loop3A_931, %shift_right_arithmetic3A_224 : vector<16xi1>, vector<16xi32>
        %parallel_loop3A_933 = vector.shape_cast %parallel_loop3A_932 : vector<16xi32> to vector<16x1xi32>
        %parallel_loop3A_934 = vector.shape_cast %parallel_loop3A_933 : vector<16x1xi32> to vector<16xi32>
        %parallel_loop3A_935 = tpu.dynamic_gather %parallel_loop3A_643[%parallel_loop3A_934] in [0] : vector<16xf32>, vector<16xi32> -> vector<16xf32>
        %parallel_loop3A_936 = arith.mulf %select_n3A_248, %parallel_loop3A_925 : vector<16xf32>
        %parallel_loop3A_937 = arith.mulf %select_n3A_253, %parallel_loop3A_935 : vector<16xf32>
        %parallel_loop3A_938 = arith.addf %parallel_loop3A_936, %parallel_loop3A_937 : vector<16xf32>
        %parallel_loop3A_939 = arith.index_cast %parallel_loop3A_555 : i32 to index
        %parallel_loop3A_940 = arith.constant 160 : index
        %parallel_loop3A_941 = tpu.vector_load %arg9[%parallel_loop3A_939, %parallel_loop3A_940] {strides = array<i32>} : memref<96x224xf32, #tpu.memory_space<vmem>>, vector<16xf32>,
        tpu.vector_store %arg9[%parallel_loop3A_939, %parallel_loop3A_940], %parallel_loop3A_938 {strides = array<i32>} : memref<96x224xf32, #tpu.memory_space<vmem>>, vector<16xf32>,
        %parallel_loop3A_942 = arith.constant 0 : i32
        %parallel_loop3A_943 = vector.broadcast %parallel_loop3A_942 : i32 to vector<16xi32>
        %parallel_loop3A_944 = arith.cmpi slt, %add3A_233, %parallel_loop3A_943 : vector<16xi32>
        %parallel_loop3A_945 = arith.constant 16 : i32
        %parallel_loop3A_946 = vector.broadcast %parallel_loop3A_945 : i32 to vector<16xi32>
        %parallel_loop3A_947 = arith.addi %add3A_233, %parallel_loop3A_946 : vector<16xi32>
        %parallel_loop3A_948 = arith.select %parallel_loop3A_944, %parallel_loop3A_947, %add3A_233 : vector<16xi1>, vector<16xi32>
        %parallel_loop3A_949 = vector.shape_cast %parallel_loop3A_948 : vector<16xi32> to vector<16x1xi32>
        %parallel_loop3A_950 = vector.shape_cast %parallel_loop3A_949 : vector<16x1xi32> to vector<16xi32>
        %parallel_loop3A_951 = tpu.dynamic_gather %parallel_loop3A_643[%parallel_loop3A_950] in [0] : vector<16xf32>, vector<16xi32> -> vector<16xf32>
        %parallel_loop3A_952 = arith.constant 0 : i32
        %parallel_loop3A_953 = vector.broadcast %parallel_loop3A_952 : i32 to vector<16xi32>
        %parallel_loop3A_954 = arith.cmpi slt, %and3A_201, %parallel_loop3A_953 : vector<16xi32>
        %parallel_loop3A_955 = arith.constant 16 : i32
        %parallel_loop3A_956 = vector.broadcast %parallel_loop3A_955 : i32 to vector<16xi32>
        %parallel_loop3A_957 = arith.addi %and3A_201, %parallel_loop3A_956 : vector<16xi32>
        %parallel_loop3A_958 = arith.select %parallel_loop3A_954, %parallel_loop3A_957, %and3A_201 : vector<16xi1>, vector<16xi32>
        %parallel_loop3A_959 = vector.shape_cast %parallel_loop3A_958 : vector<16xi32> to vector<16x1xi32>
        %parallel_loop3A_960 = vector.shape_cast %parallel_loop3A_959 : vector<16x1xi32> to vector<16xi32>
        %parallel_loop3A_961 = tpu.dynamic_gather %parallel_loop3A_658[%parallel_loop3A_960] in [0] : vector<16xf32>, vector<16xi32> -> vector<16xf32>
        %parallel_loop3A_962 = arith.constant 0 : i32
        %parallel_loop3A_963 = vector.broadcast %parallel_loop3A_962 : i32 to vector<16xi32>
        %parallel_loop3A_964 = arith.cmpi slt, %min3A_238, %parallel_loop3A_963 : vector<16xi32>
        %parallel_loop3A_965 = arith.constant 16 : i32
        %parallel_loop3A_966 = vector.broadcast %parallel_loop3A_965 : i32 to vector<16xi32>
        %parallel_loop3A_967 = arith.addi %min3A_238, %parallel_loop3A_966 : vector<16xi32>
        %parallel_loop3A_968 = arith.select %parallel_loop3A_964, %parallel_loop3A_967, %min3A_238 : vector<16xi1>, vector<16xi32>
        %parallel_loop3A_969 = vector.shape_cast %parallel_loop3A_968 : vector<16xi32> to vector<16x1xi32>
        %parallel_loop3A_970 = vector.shape_cast %parallel_loop3A_969 : vector<16x1xi32> to vector<16xi32>
        %parallel_loop3A_971 = tpu.dynamic_gather %parallel_loop3A_643[%parallel_loop3A_970] in [0] : vector<16xf32>, vector<16xi32> -> vector<16xf32>
        %parallel_loop3A_972 = arith.select %eq3A_210, %parallel_loop3A_961, %parallel_loop3A_971 : vector<16xi1>, vector<16xf32>
        %parallel_loop3A_973 = arith.mulf %select_n3A_248, %parallel_loop3A_951 : vector<16xf32>
        %parallel_loop3A_974 = arith.mulf %select_n3A_253, %parallel_loop3A_972 : vector<16xf32>
        %parallel_loop3A_975 = arith.addf %parallel_loop3A_973, %parallel_loop3A_974 : vector<16xf32>
        %parallel_loop3A_976 = arith.index_cast %parallel_loop3A_555 : i32 to index
        %parallel_loop3A_977 = arith.constant 176 : index
        %parallel_loop3A_978 = tpu.vector_load %arg9[%parallel_loop3A_976, %parallel_loop3A_977] {strides = array<i32>} : memref<96x224xf32, #tpu.memory_space<vmem>>, vector<16xf32>,
        tpu.vector_store %arg9[%parallel_loop3A_976, %parallel_loop3A_977], %parallel_loop3A_975 {strides = array<i32>} : memref<96x224xf32, #tpu.memory_space<vmem>>, vector<16xf32>,
        %parallel_loop3A_979 = arith.constant 0 : i32
        %parallel_loop3A_980 = vector.broadcast %parallel_loop3A_979 : i32 to vector<16xi32>
        %parallel_loop3A_981 = arith.cmpi slt, %add3A_204, %parallel_loop3A_980 : vector<16xi32>
        %parallel_loop3A_982 = arith.constant 16 : i32
        %parallel_loop3A_983 = vector.broadcast %parallel_loop3A_982 : i32 to vector<16xi32>
        %parallel_loop3A_984 = arith.addi %add3A_204, %parallel_loop3A_983 : vector<16xi32>
        %parallel_loop3A_985 = arith.select %parallel_loop3A_981, %parallel_loop3A_984, %add3A_204 : vector<16xi1>, vector<16xi32>
        %parallel_loop3A_986 = vector.shape_cast %parallel_loop3A_985 : vector<16xi32> to vector<16x1xi32>
        %parallel_loop3A_987 = vector.shape_cast %parallel_loop3A_986 : vector<16x1xi32> to vector<16xi32>
        %parallel_loop3A_988 = tpu.dynamic_gather %parallel_loop3A_643[%parallel_loop3A_987] in [0] : vector<16xf32>, vector<16xi32> -> vector<16xf32>
        %parallel_loop3A_989 = arith.constant 0 : i32
        %parallel_loop3A_990 = vector.broadcast %parallel_loop3A_989 : i32 to vector<16xi32>
        %parallel_loop3A_991 = arith.cmpi slt, %max3A_218, %parallel_loop3A_990 : vector<16xi32>
        %parallel_loop3A_992 = arith.constant 16 : i32
        %parallel_loop3A_993 = vector.broadcast %parallel_loop3A_992 : i32 to vector<16xi32>
        %parallel_loop3A_994 = arith.addi %max3A_218, %parallel_loop3A_993 : vector<16xi32>
        %parallel_loop3A_995 = arith.select %parallel_loop3A_991, %parallel_loop3A_994, %max3A_218 : vector<16xi1>, vector<16xi32>
        %parallel_loop3A_996 = vector.shape_cast %parallel_loop3A_995 : vector<16xi32> to vector<16x1xi32>
        %parallel_loop3A_997 = vector.shape_cast %parallel_loop3A_996 : vector<16x1xi32> to vector<16xi32>
        %parallel_loop3A_998 = tpu.dynamic_gather %parallel_loop3A_658[%parallel_loop3A_997] in [0] : vector<16xf32>, vector<16xi32> -> vector<16xf32>
        %parallel_loop3A_999 = arith.select %eq3A_207, %parallel_loop3A_988, %parallel_loop3A_998 : vector<16xi1>, vector<16xf32>
        %parallel_loop3A_1000 = arith.constant 0 : i32
        %parallel_loop3A_1001 = vector.broadcast %parallel_loop3A_1000 : i32 to vector<16xi32>
        %parallel_loop3A_1002 = arith.cmpi slt, %shift_right_arithmetic3A_224, %parallel_loop3A_1001 : vector<16xi32>
        %parallel_loop3A_1003 = arith.constant 16 : i32
        %parallel_loop3A_1004 = vector.broadcast %parallel_loop3A_1003 : i32 to vector<16xi32>
        %parallel_loop3A_1005 = arith.addi %shift_right_arithmetic3A_224, %parallel_loop3A_1004 : vector<16xi32>
        %parallel_loop3A_1006 = arith.select %parallel_loop3A_1002, %parallel_loop3A_1005, %shift_right_arithmetic3A_224 : vector<16xi1>, vector<16xi32>
        %parallel_loop3A_1007 = vector.shape_cast %parallel_loop3A_1006 : vector<16xi32> to vector<16x1xi32>
        %parallel_loop3A_1008 = vector.shape_cast %parallel_loop3A_1007 : vector<16x1xi32> to vector<16xi32>
        %parallel_loop3A_1009 = tpu.dynamic_gather %parallel_loop3A_658[%parallel_loop3A_1008] in [0] : vector<16xf32>, vector<16xi32> -> vector<16xf32>
        %parallel_loop3A_1010 = arith.mulf %select_n3A_248, %parallel_loop3A_999 : vector<16xf32>
        %parallel_loop3A_1011 = arith.mulf %select_n3A_253, %parallel_loop3A_1009 : vector<16xf32>
        %parallel_loop3A_1012 = arith.addf %parallel_loop3A_1010, %parallel_loop3A_1011 : vector<16xf32>
        %parallel_loop3A_1013 = arith.index_cast %parallel_loop3A_555 : i32 to index
        %parallel_loop3A_1014 = arith.constant 192 : index
        %parallel_loop3A_1015 = tpu.vector_load %arg9[%parallel_loop3A_1013, %parallel_loop3A_1014] {strides = array<i32>} : memref<96x224xf32, #tpu.memory_space<vmem>>, vector<16xf32>,
        tpu.vector_store %arg9[%parallel_loop3A_1013, %parallel_loop3A_1014], %parallel_loop3A_1012 {strides = array<i32>} : memref<96x224xf32, #tpu.memory_space<vmem>>, vector<16xf32>,
        %parallel_loop3A_1016 = arith.constant 0 : i32
        %parallel_loop3A_1017 = vector.broadcast %parallel_loop3A_1016 : i32 to vector<16xi32>
        %parallel_loop3A_1018 = arith.cmpi slt, %select_n3A_316, %parallel_loop3A_1017 : vector<16xi32>
        %parallel_loop3A_1019 = arith.constant 16 : i32
        %parallel_loop3A_1020 = vector.broadcast %parallel_loop3A_1019 : i32 to vector<16xi32>
        %parallel_loop3A_1021 = arith.addi %select_n3A_316, %parallel_loop3A_1020 : vector<16xi32>
        %parallel_loop3A_1022 = arith.select %parallel_loop3A_1018, %parallel_loop3A_1021, %select_n3A_316 : vector<16xi1>, vector<16xi32>
        %parallel_loop3A_1023 = vector.shape_cast %parallel_loop3A_1022 : vector<16xi32> to vector<16x1xi32>
        %parallel_loop3A_1024 = vector.shape_cast %parallel_loop3A_1023 : vector<16x1xi32> to vector<16xi32>
        %parallel_loop3A_1025 = tpu.dynamic_gather %parallel_loop3A_658[%parallel_loop3A_1024] in [0] : vector<16xf32>, vector<16xi32> -> vector<16xf32>
        %parallel_loop3A_1026 = arith.constant 0 : i32
        %parallel_loop3A_1027 = vector.broadcast %parallel_loop3A_1026 : i32 to vector<16xi32>
        %parallel_loop3A_1028 = arith.cmpi slt, %min3A_238, %parallel_loop3A_1027 : vector<16xi32>
        %parallel_loop3A_1029 = arith.constant 16 : i32
        %parallel_loop3A_1030 = vector.broadcast %parallel_loop3A_1029 : i32 to vector<16xi32>
        %parallel_loop3A_1031 = arith.addi %min3A_238, %parallel_loop3A_1030 : vector<16xi32>
        %parallel_loop3A_1032 = arith.select %parallel_loop3A_1028, %parallel_loop3A_1031, %min3A_238 : vector<16xi1>, vector<16xi32>
        %parallel_loop3A_1033 = vector.shape_cast %parallel_loop3A_1032 : vector<16xi32> to vector<16x1xi32>
        %parallel_loop3A_1034 = vector.shape_cast %parallel_loop3A_1033 : vector<16x1xi32> to vector<16xi32>
        %parallel_loop3A_1035 = tpu.dynamic_gather %parallel_loop3A_658[%parallel_loop3A_1034] in [0] : vector<16xf32>, vector<16xi32> -> vector<16xf32>
        %parallel_loop3A_1036 = arith.mulf %select_n3A_310, %parallel_loop3A_1025 : vector<16xf32>
        %parallel_loop3A_1037 = arith.mulf %select_n3A_313, %parallel_loop3A_1035 : vector<16xf32>
        %parallel_loop3A_1038 = arith.addf %parallel_loop3A_1036, %parallel_loop3A_1037 : vector<16xf32>
        %parallel_loop3A_1039 = arith.index_cast %parallel_loop3A_555 : i32 to index
        %parallel_loop3A_1040 = arith.constant 208 : index
        %parallel_loop3A_1041 = tpu.vector_load %arg9[%parallel_loop3A_1039, %parallel_loop3A_1040] {strides = array<i32>} : memref<96x224xf32, #tpu.memory_space<vmem>>, vector<16xf32>,
        tpu.vector_store %arg9[%parallel_loop3A_1039, %parallel_loop3A_1040], %parallel_loop3A_1038 {strides = array<i32>} : memref<96x224xf32, #tpu.memory_space<vmem>>, vector<16xf32>,
      } {sc.loop_unroll_factor = 2 : i64, sc.parallel_access}
      %dma_start3A_434 = arith.constant 0 : i32
      %dma_start3A_435 = arith.constant 0 : i32
      %dma_start3A_436 = tpu.memref_slice %arg3[%select_n3A, %add3A_344, %dma_start3A_434, %dma_start3A_435] : memref<4x224x96x224xf32, #tpu.memory_space<hbm>> -> memref<1x1x96x224xf32, #tpu.memory_space<hbm>>
      %dma_start3A_437 = tpu.memref_squeeze %dma_start3A_436 : memref<1x1x96x224xf32, #tpu.memory_space<hbm>> -> memref<96x224xf32, #tpu.memory_space<hbm>>
      %dma_start3A_438 = arith.constant 0 : i32
      %dma_start3A_439 = arith.constant 0 : i32
      %dma_start3A_440 = tpu.memref_slice %arg3[%select_n3A, %add3A_344, %dma_start3A_438, %dma_start3A_439] : memref<4x224x96x224xf32, #tpu.memory_space<hbm>> -> memref<1x1x96x224xf32, #tpu.memory_space<hbm>>
      %dma_start3A_441 = tpu.memref_squeeze %dma_start3A_440 : memref<1x1x96x224xf32, #tpu.memory_space<hbm>> -> memref<96x224xf32, #tpu.memory_space<hbm>>
      tpu.enqueue_dma source(%arg9 : memref<96x224xf32, #tpu.memory_space<vmem>>) target(%dma_start3A_441 : memref<96x224xf32, #tpu.memory_space<hbm>>) target_semaphore(%arg13 : memref<!tpu.dma_semaphore, #tpu.memory_space<semaphore_mem>>)
      %lt3A_442 = arith.constant 13 : i32
      %lt3A_443 = arith.cmpi slt, %scan3A_341, %lt3A_442 : i32
      %convert_element_type3A_444 = arith.extui %lt3A_443 : i1 to i32
      %cond3A_445 = arith.constant 0 : i32
      %cond3A_446 = arith.cmpi ne, %convert_element_type3A_444, %cond3A_445 : i32
      scf.if %cond3A_446 {
        %add3A_555 = arith.constant 2 : i32
        %add3A_556 = arith.addi %add3A_344, %add3A_555 : i32
        %and3A_557 = arith.constant 1 : i32
        %and3A_558 = arith.andi %add3A_556, %and3A_557 : i32
        %shift_right_arithmetic3A_559 = arith.constant 1 : i32
        %shift_right_arithmetic3A_560 = arith.shrsi %add3A_556, %shift_right_arithmetic3A_559 : i32
        %sub3A_561 = arith.constant 1 : i32
        %sub3A_562 = arith.subi %shift_right_arithmetic3A_560, %sub3A_561 : i32
        %add3A_563 = arith.addi %sub3A_562, %and3A_558 : i32
        %eq3A_564 = arith.constant 1 : i32
        %eq3A_565 = arith.cmpi eq, %and3A_558, %eq3A_564 : i32
        %jit3A_566 = arith.constant 7.500000e-01 : f32
        %jit3A_567 = arith.constant 2.500000e-01 : f32
        %select_n3A_568 = arith.select %eq3A_565, %jit3A_566, %jit3A_567 : f32
        %eq3A_569 = arith.constant 1 : i32
        %eq3A_570 = arith.cmpi eq, %and3A_558, %eq3A_569 : i32
        %jit3A_571 = arith.constant 2.500000e-01 : f32
        %jit3A_572 = arith.constant 7.500000e-01 : f32
        %select_n3A_573 = arith.select %eq3A_570, %jit3A_571, %jit3A_572 : f32
        %eq3A_574 = arith.constant 0 : i32
        %eq3A_575 = arith.cmpi eq, %add3A_556, %eq3A_574 : i32
        %jit3A_576 = arith.constant 0 : i32
        %select_n3A_577 = arith.select %eq3A_575, %jit3A_576, %add3A_563 : i32
        %jit3A_578 = arith.constant 0.333333343 : f32
        %select_n3A_579 = arith.select %eq3A_575, %jit3A_578, %select_n3A_568 : f32
        %jit3A_580 = arith.constant 0.000000e+00 : f32
        %select_n3A_581 = arith.select %eq3A_575, %jit3A_580, %select_n3A_573 : f32
        %eq3A_582 = arith.constant 1 : i32
        %eq3A_583 = arith.cmpi eq, %add3A_556, %eq3A_582 : i32
        %jit3A_584 = arith.constant 0 : i32
        %select_n3A_585 = arith.select %eq3A_583, %jit3A_584, %select_n3A_577 : i32
        %jit3A_586 = arith.constant 1.000000e+00 : f32
        %select_n3A_587 = arith.select %eq3A_583, %jit3A_586, %select_n3A_579 : f32
        %jit3A_588 = arith.constant 0.000000e+00 : f32
        %select_n3A_589 = arith.select %eq3A_583, %jit3A_588, %select_n3A_581 : f32
        %eq3A_590 = arith.constant 2 : i32
        %eq3A_591 = arith.cmpi eq, %add3A_556, %eq3A_590 : i32
        %jit3A_592 = arith.constant 0 : i32
        %select_n3A_593 = arith.select %eq3A_591, %jit3A_592, %select_n3A_585 : i32
        %jit3A_594 = arith.constant 0.333333343 : f32
        %select_n3A_595 = arith.select %eq3A_591, %jit3A_594, %select_n3A_587 : f32
        %jit3A_596 = arith.constant 0.666666686 : f32
        %select_n3A_597 = arith.select %eq3A_591, %jit3A_596, %select_n3A_589 : f32
        %eq3A_598 = arith.constant 221 : i32
        %eq3A_599 = arith.cmpi eq, %add3A_556, %eq3A_598 : i32
        %jit3A_600 = arith.constant 110 : i32
        %select_n3A_601 = arith.select %eq3A_599, %jit3A_600, %select_n3A_593 : i32
        %jit3A_602 = arith.constant 0.666666686 : f32
        %select_n3A_603 = arith.select %eq3A_599, %jit3A_602, %select_n3A_595 : f32
        %jit3A_604 = arith.constant 0.333333343 : f32
        %select_n3A_605 = arith.select %eq3A_599, %jit3A_604, %select_n3A_597 : f32
        %eq3A_606 = arith.constant 222 : i32
        %eq3A_607 = arith.cmpi eq, %add3A_556, %eq3A_606 : i32
        %jit3A_608 = arith.constant 110 : i32
        %select_n3A_609 = arith.select %eq3A_607, %jit3A_608, %select_n3A_601 : i32
        %jit3A_610 = arith.constant 0.000000e+00 : f32
        %select_n3A_611 = arith.select %eq3A_607, %jit3A_610, %select_n3A_603 : f32
        %jit3A_612 = arith.constant 1.000000e+00 : f32
        %select_n3A_613 = arith.select %eq3A_607, %jit3A_612, %select_n3A_605 : f32
        %eq3A_614 = arith.constant 223 : i32
        %eq3A_615 = arith.cmpi eq, %add3A_556, %eq3A_614 : i32
        %jit3A_616 = arith.constant 110 : i32
        %select_n3A_617 = arith.select %eq3A_615, %jit3A_616, %select_n3A_609 : i32
        %jit3A_618 = arith.constant 0.000000e+00 : f32
        %select_n3A_619 = arith.select %eq3A_615, %jit3A_618, %select_n3A_611 : f32
        %jit3A_620 = arith.constant 0.333333343 : f32
        %select_n3A_621 = arith.select %eq3A_615, %jit3A_620, %select_n3A_613 : f32
        %dma_start3A_622 = arith.constant 0 : i32
        %dma_start3A_623 = arith.constant 0 : i32
        %dma_start3A_624 = tpu.memref_slice %arg2[%select_n3A, %select_n3A_617, %dma_start3A_622, %dma_start3A_623] : memref<4x112x96x112xf32, #tpu.memory_space<hbm>> -> memref<1x1x96x112xf32, #tpu.memory_space<hbm>>
        %dma_start3A_625 = tpu.memref_squeeze %dma_start3A_624 : memref<1x1x96x112xf32, #tpu.memory_space<hbm>> -> memref<96x112xf32, #tpu.memory_space<hbm>>
        %dma_start3A_626 = arith.constant 0 : i32
        %dma_start3A_627 = arith.constant 0 : i32
        %dma_start3A_628 = tpu.memref_slice %arg2[%select_n3A, %select_n3A_617, %dma_start3A_626, %dma_start3A_627] : memref<4x112x96x112xf32, #tpu.memory_space<hbm>> -> memref<1x1x96x112xf32, #tpu.memory_space<hbm>>
        %dma_start3A_629 = tpu.memref_squeeze %dma_start3A_628 : memref<1x1x96x112xf32, #tpu.memory_space<hbm>> -> memref<96x112xf32, #tpu.memory_space<hbm>>
        tpu.enqueue_dma source(%dma_start3A_629 : memref<96x112xf32, #tpu.memory_space<hbm>>) target(%arg4 : memref<96x112xf32, #tpu.memory_space<vmem>>) target_semaphore(%arg11 : memref<!tpu.dma_semaphore, #tpu.memory_space<semaphore_mem>>)
        %add3A_630 = arith.constant 1 : i32
        %add3A_631 = arith.addi %select_n3A_617, %add3A_630 : i32
        %dma_start3A_632 = arith.constant 0 : i32
        %dma_start3A_633 = arith.constant 0 : i32
        %dma_start3A_634 = tpu.memref_slice %arg2[%select_n3A, %add3A_631, %dma_start3A_632, %dma_start3A_633] : memref<4x112x96x112xf32, #tpu.memory_space<hbm>> -> memref<1x1x96x112xf32, #tpu.memory_space<hbm>>
        %dma_start3A_635 = tpu.memref_squeeze %dma_start3A_634 : memref<1x1x96x112xf32, #tpu.memory_space<hbm>> -> memref<96x112xf32, #tpu.memory_space<hbm>>
        %dma_start3A_636 = arith.constant 0 : i32
        %dma_start3A_637 = arith.constant 0 : i32
        %dma_start3A_638 = tpu.memref_slice %arg2[%select_n3A, %add3A_631, %dma_start3A_636, %dma_start3A_637] : memref<4x112x96x112xf32, #tpu.memory_space<hbm>> -> memref<1x1x96x112xf32, #tpu.memory_space<hbm>>
        %dma_start3A_639 = tpu.memref_squeeze %dma_start3A_638 : memref<1x1x96x112xf32, #tpu.memory_space<hbm>> -> memref<96x112xf32, #tpu.memory_space<hbm>>
        tpu.enqueue_dma source(%dma_start3A_639 : memref<96x112xf32, #tpu.memory_space<hbm>>) target(%arg5 : memref<96x112xf32, #tpu.memory_space<vmem>>) target_semaphore(%arg11 : memref<!tpu.dma_semaphore, #tpu.memory_space<semaphore_mem>>)
      } else {
      }
      %add3A_447 = arith.constant 1 : i32
      %add3A_448 = arith.addi %add3A_344, %add3A_447 : i32
      %dma_wait3A_449 = arith.constant 0 : i32
      %dma_wait3A_450 = arith.constant 0 : i32
      %dma_wait3A_451 = arith.constant 0 : i32
      %dma_wait3A_452 = arith.constant 0 : i32
      %dma_wait3A_453 = tpu.memref_slice %arg2[%dma_wait3A_449, %dma_wait3A_450, %dma_wait3A_451, %dma_wait3A_452] : memref<4x112x96x112xf32, #tpu.memory_space<hbm>> -> memref<1x1x96x112xf32, #tpu.memory_space<hbm>>
      %dma_wait3A_454 = tpu.memref_squeeze %dma_wait3A_453 : memref<1x1x96x112xf32, #tpu.memory_space<hbm>> -> memref<96x112xf32, #tpu.memory_space<hbm>>
      %dma_wait3A_455 = arith.constant 0 : i32
      %dma_wait3A_456 = arith.constant 0 : i32
      %dma_wait3A_457 = tpu.memref_slice %arg2[%dma_wait3A_449, %dma_wait3A_450, %dma_wait3A_455, %dma_wait3A_456] : memref<4x112x96x112xf32, #tpu.memory_space<hbm>> -> memref<1x1x96x112xf32, #tpu.memory_space<hbm>>
      %dma_wait3A_458 = tpu.memref_squeeze %dma_wait3A_457 : memref<1x1x96x112xf32, #tpu.memory_space<hbm>> -> memref<96x112xf32, #tpu.memory_space<hbm>>
      tpu.wait_dma2 semaphore(%arg12 : memref<!tpu.dma_semaphore, #tpu.memory_space<semaphore_mem>>) src(%dma_wait3A_458 : memref<96x112xf32, #tpu.memory_space<hbm>>) dst(%arg6 : memref<96x112xf32, #tpu.memory_space<vmem>>)
      %dma_wait3A_459 = arith.constant 0 : i32
      %dma_wait3A_460 = arith.constant 0 : i32
      %dma_wait3A_461 = arith.constant 0 : i32
      %dma_wait3A_462 = arith.constant 0 : i32
      %dma_wait3A_463 = tpu.memref_slice %arg2[%dma_wait3A_459, %dma_wait3A_460, %dma_wait3A_461, %dma_wait3A_462] : memref<4x112x96x112xf32, #tpu.memory_space<hbm>> -> memref<1x1x96x112xf32, #tpu.memory_space<hbm>>
      %dma_wait3A_464 = tpu.memref_squeeze %dma_wait3A_463 : memref<1x1x96x112xf32, #tpu.memory_space<hbm>> -> memref<96x112xf32, #tpu.memory_space<hbm>>
      %dma_wait3A_465 = arith.constant 0 : i32
      %dma_wait3A_466 = arith.constant 0 : i32
      %dma_wait3A_467 = tpu.memref_slice %arg2[%dma_wait3A_459, %dma_wait3A_460, %dma_wait3A_465, %dma_wait3A_466] : memref<4x112x96x112xf32, #tpu.memory_space<hbm>> -> memref<1x1x96x112xf32, #tpu.memory_space<hbm>>
      %dma_wait3A_468 = tpu.memref_squeeze %dma_wait3A_467 : memref<1x1x96x112xf32, #tpu.memory_space<hbm>> -> memref<96x112xf32, #tpu.memory_space<hbm>>
      tpu.wait_dma2 semaphore(%arg12 : memref<!tpu.dma_semaphore, #tpu.memory_space<semaphore_mem>>) src(%dma_wait3A_468 : memref<96x112xf32, #tpu.memory_space<hbm>>) dst(%arg7 : memref<96x112xf32, #tpu.memory_space<vmem>>)
      %and3A_469 = arith.constant 1 : i32
      %and3A_470 = arith.andi %add3A_448, %and3A_469 : i32
      %shift_right_arithmetic3A_471 = arith.constant 1 : i32
      %shift_right_arithmetic3A_472 = arith.shrsi %add3A_448, %shift_right_arithmetic3A_471 : i32
      %sub3A_473 = arith.constant 1 : i32
      %sub3A_474 = arith.subi %shift_right_arithmetic3A_472, %sub3A_473 : i32
      %add3A_475 = arith.addi %sub3A_474, %and3A_470 : i32
      %eq3A_476 = arith.constant 1 : i32
      %eq3A_477 = arith.cmpi eq, %and3A_470, %eq3A_476 : i32
      %jit3A_478 = arith.constant 7.500000e-01 : f32
      %jit3A_479 = arith.constant 2.500000e-01 : f32
      %select_n3A_480 = arith.select %eq3A_477, %jit3A_478, %jit3A_479 : f32
      %eq3A_481 = arith.constant 1 : i32
      %eq3A_482 = arith.cmpi eq, %and3A_470, %eq3A_481 : i32
      %jit3A_483 = arith.constant 2.500000e-01 : f32
      %jit3A_484 = arith.constant 7.500000e-01 : f32
      %select_n3A_485 = arith.select %eq3A_482, %jit3A_483, %jit3A_484 : f32
      %eq3A_486 = arith.constant 0 : i32
      %eq3A_487 = arith.cmpi eq, %add3A_448, %eq3A_486 : i32
      %jit3A_488 = arith.constant 0 : i32
      %select_n3A_489 = arith.select %eq3A_487, %jit3A_488, %add3A_475 : i32
      %jit3A_490 = arith.constant 0.333333343 : f32
      %select_n3A_491 = arith.select %eq3A_487, %jit3A_490, %select_n3A_480 : f32
      %jit3A_492 = arith.constant 0.000000e+00 : f32
      %select_n3A_493 = arith.select %eq3A_487, %jit3A_492, %select_n3A_485 : f32
      %eq3A_494 = arith.constant 1 : i32
      %eq3A_495 = arith.cmpi eq, %add3A_448, %eq3A_494 : i32
      %jit3A_496 = arith.constant 0 : i32
      %select_n3A_497 = arith.select %eq3A_495, %jit3A_496, %select_n3A_489 : i32
      %jit3A_498 = arith.constant 1.000000e+00 : f32
      %select_n3A_499 = arith.select %eq3A_495, %jit3A_498, %select_n3A_491 : f32
      %jit3A_500 = arith.constant 0.000000e+00 : f32
      %select_n3A_501 = arith.select %eq3A_495, %jit3A_500, %select_n3A_493 : f32
      %eq3A_502 = arith.constant 2 : i32
      %eq3A_503 = arith.cmpi eq, %add3A_448, %eq3A_502 : i32
      %jit3A_504 = arith.constant 0 : i32
      %select_n3A_505 = arith.select %eq3A_503, %jit3A_504, %select_n3A_497 : i32
      %jit3A_506 = arith.constant 0.333333343 : f32
      %select_n3A_507 = arith.select %eq3A_503, %jit3A_506, %select_n3A_499 : f32
      %jit3A_508 = arith.constant 0.666666686 : f32
      %select_n3A_509 = arith.select %eq3A_503, %jit3A_508, %select_n3A_501 : f32
      %eq3A_510 = arith.constant 221 : i32
      %eq3A_511 = arith.cmpi eq, %add3A_448, %eq3A_510 : i32
      %jit3A_512 = arith.constant 110 : i32
      %select_n3A_513 = arith.select %eq3A_511, %jit3A_512, %select_n3A_505 : i32
      %jit3A_514 = arith.constant 0.666666686 : f32
      %select_n3A_515 = arith.select %eq3A_511, %jit3A_514, %select_n3A_507 : f32
      %jit3A_516 = arith.constant 0.333333343 : f32
      %select_n3A_517 = arith.select %eq3A_511, %jit3A_516, %select_n3A_509 : f32
      %eq3A_518 = arith.constant 222 : i32
      %eq3A_519 = arith.cmpi eq, %add3A_448, %eq3A_518 : i32
      %jit3A_520 = arith.constant 110 : i32
      %select_n3A_521 = arith.select %eq3A_519, %jit3A_520, %select_n3A_513 : i32
      %jit3A_522 = arith.constant 0.000000e+00 : f32
      %select_n3A_523 = arith.select %eq3A_519, %jit3A_522, %select_n3A_515 : f32
      %jit3A_524 = arith.constant 1.000000e+00 : f32
      %select_n3A_525 = arith.select %eq3A_519, %jit3A_524, %select_n3A_517 : f32
      %eq3A_526 = arith.constant 223 : i32
      %eq3A_527 = arith.cmpi eq, %add3A_448, %eq3A_526 : i32
      %jit3A_528 = arith.constant 110 : i32
      %select_n3A_529 = arith.select %eq3A_527, %jit3A_528, %select_n3A_521 : i32
      %jit3A_530 = arith.constant 0.000000e+00 : f32
      %select_n3A_531 = arith.select %eq3A_527, %jit3A_530, %select_n3A_523 : f32
      %jit3A_532 = arith.constant 0.333333343 : f32
      %select_n3A_533 = arith.select %eq3A_527, %jit3A_532, %select_n3A_525 : f32
      %ge3A_534 = arith.constant 1 : i32
      %ge3A_535 = arith.cmpi sge, %scan3A_341, %ge3A_534 : i32
      %convert_element_type3A_536 = arith.extui %ge3A_535 : i1 to i32
      %cond3A_537 = arith.constant 0 : i32
      %cond3A_538 = arith.cmpi ne, %convert_element_type3A_536, %cond3A_537 : i32
      scf.if %cond3A_538 {
        %dma_wait3A_555 = arith.constant 0 : i32
        %dma_wait3A_556 = arith.constant 0 : i32
        %dma_wait3A_557 = arith.constant 0 : i32
        %dma_wait3A_558 = arith.constant 0 : i32
        %dma_wait3A_559 = tpu.memref_slice %arg3[%dma_wait3A_555, %dma_wait3A_556, %dma_wait3A_557, %dma_wait3A_558] : memref<4x224x96x224xf32, #tpu.memory_space<hbm>> -> memref<1x1x96x224xf32, #tpu.memory_space<hbm>>
        %dma_wait3A_560 = tpu.memref_squeeze %dma_wait3A_559 : memref<1x1x96x224xf32, #tpu.memory_space<hbm>> -> memref<96x224xf32, #tpu.memory_space<hbm>>
        %dma_wait3A_561 = arith.constant 0 : i32
        %dma_wait3A_562 = arith.constant 0 : i32
        %dma_wait3A_563 = tpu.memref_slice %arg3[%dma_wait3A_555, %dma_wait3A_556, %dma_wait3A_561, %dma_wait3A_562] : memref<4x224x96x224xf32, #tpu.memory_space<hbm>> -> memref<1x1x96x224xf32, #tpu.memory_space<hbm>>
        %dma_wait3A_564 = tpu.memref_squeeze %dma_wait3A_563 : memref<1x1x96x224xf32, #tpu.memory_space<hbm>> -> memref<96x224xf32, #tpu.memory_space<hbm>>
        tpu.wait_dma2 semaphore(%arg14 : memref<!tpu.dma_semaphore, #tpu.memory_space<semaphore_mem>>) src(%arg10 : memref<96x224xf32, #tpu.memory_space<vmem>>) dst(%dma_wait3A_564 : memref<96x224xf32, #tpu.memory_space<hbm>>)
      } else {
      }
      %parallel_loop3A_539 = arith.constant 0 : i32
      %parallel_loop3A_540 = arith.constant 96 : i32
      %parallel_loop3A_541 = arith.constant 1 : i32
      scf.for %parallel_loop3A_555 = %parallel_loop3A_539 to %parallel_loop3A_540 step %parallel_loop3A_541  : i32 {
        %parallel_loop3A_556 = arith.constant 112 : i32
        %parallel_loop3A_557 = arith.muli %parallel_loop3A_555, %parallel_loop3A_556 : i32
        %parallel_loop3A_558 = arith.index_cast %parallel_loop3A_555 : i32 to index
        %parallel_loop3A_559 = arith.constant 0 : index
        %parallel_loop3A_560 = tpu.vector_load %arg6[%parallel_loop3A_558, %parallel_loop3A_559] {strides = array<i32>} : memref<96x112xf32, #tpu.memory_space<vmem>>, vector<16xf32>,
        %parallel_loop3A_561 = vector.broadcast %select_n3A_531 : f32 to vector<16xf32>
        %parallel_loop3A_562 = arith.mulf %parallel_loop3A_561, %parallel_loop3A_560 : vector<16xf32>
        %parallel_loop3A_563 = arith.index_cast %parallel_loop3A_555 : i32 to index
        %parallel_loop3A_564 = arith.constant 0 : index
        %parallel_loop3A_565 = tpu.vector_load %arg7[%parallel_loop3A_563, %parallel_loop3A_564] {strides = array<i32>} : memref<96x112xf32, #tpu.memory_space<vmem>>, vector<16xf32>,
        %parallel_loop3A_566 = vector.broadcast %select_n3A_533 : f32 to vector<16xf32>
        %parallel_loop3A_567 = arith.mulf %parallel_loop3A_566, %parallel_loop3A_565 : vector<16xf32>
        %parallel_loop3A_568 = arith.addf %parallel_loop3A_562, %parallel_loop3A_567 : vector<16xf32>
        %parallel_loop3A_569 = arith.constant 0 : i32
        %parallel_loop3A_570 = arith.addi %parallel_loop3A_557, %parallel_loop3A_569 : i32
        %parallel_loop3A_571 = arith.index_cast %parallel_loop3A_570 : i32 to index
        %parallel_loop3A_572 = tpu.vector_load %arg8[%parallel_loop3A_571] {strides = array<i32>} : memref<10752xf32, #tpu.memory_space<vmem>>, vector<16xf32>,
        tpu.vector_store %arg8[%parallel_loop3A_571], %parallel_loop3A_568 {strides = array<i32>} : memref<10752xf32, #tpu.memory_space<vmem>>, vector<16xf32>,
        %parallel_loop3A_573 = arith.index_cast %parallel_loop3A_555 : i32 to index
        %parallel_loop3A_574 = arith.constant 16 : index
        %parallel_loop3A_575 = tpu.vector_load %arg6[%parallel_loop3A_573, %parallel_loop3A_574] {strides = array<i32>} : memref<96x112xf32, #tpu.memory_space<vmem>>, vector<16xf32>,
        %parallel_loop3A_576 = vector.broadcast %select_n3A_531 : f32 to vector<16xf32>
        %parallel_loop3A_577 = arith.mulf %parallel_loop3A_576, %parallel_loop3A_575 : vector<16xf32>
        %parallel_loop3A_578 = arith.index_cast %parallel_loop3A_555 : i32 to index
        %parallel_loop3A_579 = arith.constant 16 : index
        %parallel_loop3A_580 = tpu.vector_load %arg7[%parallel_loop3A_578, %parallel_loop3A_579] {strides = array<i32>} : memref<96x112xf32, #tpu.memory_space<vmem>>, vector<16xf32>,
        %parallel_loop3A_581 = vector.broadcast %select_n3A_533 : f32 to vector<16xf32>
        %parallel_loop3A_582 = arith.mulf %parallel_loop3A_581, %parallel_loop3A_580 : vector<16xf32>
        %parallel_loop3A_583 = arith.addf %parallel_loop3A_577, %parallel_loop3A_582 : vector<16xf32>
        %parallel_loop3A_584 = arith.constant 16 : i32
        %parallel_loop3A_585 = arith.addi %parallel_loop3A_557, %parallel_loop3A_584 : i32
        %parallel_loop3A_586 = arith.index_cast %parallel_loop3A_585 : i32 to index
        %parallel_loop3A_587 = tpu.vector_load %arg8[%parallel_loop3A_586] {strides = array<i32>} : memref<10752xf32, #tpu.memory_space<vmem>>, vector<16xf32>,
        tpu.vector_store %arg8[%parallel_loop3A_586], %parallel_loop3A_583 {strides = array<i32>} : memref<10752xf32, #tpu.memory_space<vmem>>, vector<16xf32>,
        %parallel_loop3A_588 = arith.index_cast %parallel_loop3A_555 : i32 to index
        %parallel_loop3A_589 = arith.constant 32 : index
        %parallel_loop3A_590 = tpu.vector_load %arg6[%parallel_loop3A_588, %parallel_loop3A_589] {strides = array<i32>} : memref<96x112xf32, #tpu.memory_space<vmem>>, vector<16xf32>,
        %parallel_loop3A_591 = vector.broadcast %select_n3A_531 : f32 to vector<16xf32>
        %parallel_loop3A_592 = arith.mulf %parallel_loop3A_591, %parallel_loop3A_590 : vector<16xf32>
        %parallel_loop3A_593 = arith.index_cast %parallel_loop3A_555 : i32 to index
        %parallel_loop3A_594 = arith.constant 32 : index
        %parallel_loop3A_595 = tpu.vector_load %arg7[%parallel_loop3A_593, %parallel_loop3A_594] {strides = array<i32>} : memref<96x112xf32, #tpu.memory_space<vmem>>, vector<16xf32>,
        %parallel_loop3A_596 = vector.broadcast %select_n3A_533 : f32 to vector<16xf32>
        %parallel_loop3A_597 = arith.mulf %parallel_loop3A_596, %parallel_loop3A_595 : vector<16xf32>
        %parallel_loop3A_598 = arith.addf %parallel_loop3A_592, %parallel_loop3A_597 : vector<16xf32>
        %parallel_loop3A_599 = arith.constant 32 : i32
        %parallel_loop3A_600 = arith.addi %parallel_loop3A_557, %parallel_loop3A_599 : i32
        %parallel_loop3A_601 = arith.index_cast %parallel_loop3A_600 : i32 to index
        %parallel_loop3A_602 = tpu.vector_load %arg8[%parallel_loop3A_601] {strides = array<i32>} : memref<10752xf32, #tpu.memory_space<vmem>>, vector<16xf32>,
        tpu.vector_store %arg8[%parallel_loop3A_601], %parallel_loop3A_598 {strides = array<i32>} : memref<10752xf32, #tpu.memory_space<vmem>>, vector<16xf32>,
        %parallel_loop3A_603 = arith.index_cast %parallel_loop3A_555 : i32 to index
        %parallel_loop3A_604 = arith.constant 48 : index
        %parallel_loop3A_605 = tpu.vector_load %arg6[%parallel_loop3A_603, %parallel_loop3A_604] {strides = array<i32>} : memref<96x112xf32, #tpu.memory_space<vmem>>, vector<16xf32>,
        %parallel_loop3A_606 = vector.broadcast %select_n3A_531 : f32 to vector<16xf32>
        %parallel_loop3A_607 = arith.mulf %parallel_loop3A_606, %parallel_loop3A_605 : vector<16xf32>
        %parallel_loop3A_608 = arith.index_cast %parallel_loop3A_555 : i32 to index
        %parallel_loop3A_609 = arith.constant 48 : index
        %parallel_loop3A_610 = tpu.vector_load %arg7[%parallel_loop3A_608, %parallel_loop3A_609] {strides = array<i32>} : memref<96x112xf32, #tpu.memory_space<vmem>>, vector<16xf32>,
        %parallel_loop3A_611 = vector.broadcast %select_n3A_533 : f32 to vector<16xf32>
        %parallel_loop3A_612 = arith.mulf %parallel_loop3A_611, %parallel_loop3A_610 : vector<16xf32>
        %parallel_loop3A_613 = arith.addf %parallel_loop3A_607, %parallel_loop3A_612 : vector<16xf32>
        %parallel_loop3A_614 = arith.constant 48 : i32
        %parallel_loop3A_615 = arith.addi %parallel_loop3A_557, %parallel_loop3A_614 : i32
        %parallel_loop3A_616 = arith.index_cast %parallel_loop3A_615 : i32 to index
        %parallel_loop3A_617 = tpu.vector_load %arg8[%parallel_loop3A_616] {strides = array<i32>} : memref<10752xf32, #tpu.memory_space<vmem>>, vector<16xf32>,
        tpu.vector_store %arg8[%parallel_loop3A_616], %parallel_loop3A_613 {strides = array<i32>} : memref<10752xf32, #tpu.memory_space<vmem>>, vector<16xf32>,
        %parallel_loop3A_618 = arith.index_cast %parallel_loop3A_555 : i32 to index
        %parallel_loop3A_619 = arith.constant 64 : index
        %parallel_loop3A_620 = tpu.vector_load %arg6[%parallel_loop3A_618, %parallel_loop3A_619] {strides = array<i32>} : memref<96x112xf32, #tpu.memory_space<vmem>>, vector<16xf32>,
        %parallel_loop3A_621 = vector.broadcast %select_n3A_531 : f32 to vector<16xf32>
        %parallel_loop3A_622 = arith.mulf %parallel_loop3A_621, %parallel_loop3A_620 : vector<16xf32>
        %parallel_loop3A_623 = arith.index_cast %parallel_loop3A_555 : i32 to index
        %parallel_loop3A_624 = arith.constant 64 : index
        %parallel_loop3A_625 = tpu.vector_load %arg7[%parallel_loop3A_623, %parallel_loop3A_624] {strides = array<i32>} : memref<96x112xf32, #tpu.memory_space<vmem>>, vector<16xf32>,
        %parallel_loop3A_626 = vector.broadcast %select_n3A_533 : f32 to vector<16xf32>
        %parallel_loop3A_627 = arith.mulf %parallel_loop3A_626, %parallel_loop3A_625 : vector<16xf32>
        %parallel_loop3A_628 = arith.addf %parallel_loop3A_622, %parallel_loop3A_627 : vector<16xf32>
        %parallel_loop3A_629 = arith.constant 64 : i32
        %parallel_loop3A_630 = arith.addi %parallel_loop3A_557, %parallel_loop3A_629 : i32
        %parallel_loop3A_631 = arith.index_cast %parallel_loop3A_630 : i32 to index
        %parallel_loop3A_632 = tpu.vector_load %arg8[%parallel_loop3A_631] {strides = array<i32>} : memref<10752xf32, #tpu.memory_space<vmem>>, vector<16xf32>,
        tpu.vector_store %arg8[%parallel_loop3A_631], %parallel_loop3A_628 {strides = array<i32>} : memref<10752xf32, #tpu.memory_space<vmem>>, vector<16xf32>,
        %parallel_loop3A_633 = arith.index_cast %parallel_loop3A_555 : i32 to index
        %parallel_loop3A_634 = arith.constant 80 : index
        %parallel_loop3A_635 = tpu.vector_load %arg6[%parallel_loop3A_633, %parallel_loop3A_634] {strides = array<i32>} : memref<96x112xf32, #tpu.memory_space<vmem>>, vector<16xf32>,
        %parallel_loop3A_636 = vector.broadcast %select_n3A_531 : f32 to vector<16xf32>
        %parallel_loop3A_637 = arith.mulf %parallel_loop3A_636, %parallel_loop3A_635 : vector<16xf32>
        %parallel_loop3A_638 = arith.index_cast %parallel_loop3A_555 : i32 to index
        %parallel_loop3A_639 = arith.constant 80 : index
        %parallel_loop3A_640 = tpu.vector_load %arg7[%parallel_loop3A_638, %parallel_loop3A_639] {strides = array<i32>} : memref<96x112xf32, #tpu.memory_space<vmem>>, vector<16xf32>,
        %parallel_loop3A_641 = vector.broadcast %select_n3A_533 : f32 to vector<16xf32>
        %parallel_loop3A_642 = arith.mulf %parallel_loop3A_641, %parallel_loop3A_640 : vector<16xf32>
        %parallel_loop3A_643 = arith.addf %parallel_loop3A_637, %parallel_loop3A_642 : vector<16xf32>
        %parallel_loop3A_644 = arith.constant 80 : i32
        %parallel_loop3A_645 = arith.addi %parallel_loop3A_557, %parallel_loop3A_644 : i32
        %parallel_loop3A_646 = arith.index_cast %parallel_loop3A_645 : i32 to index
        %parallel_loop3A_647 = tpu.vector_load %arg8[%parallel_loop3A_646] {strides = array<i32>} : memref<10752xf32, #tpu.memory_space<vmem>>, vector<16xf32>,
        tpu.vector_store %arg8[%parallel_loop3A_646], %parallel_loop3A_643 {strides = array<i32>} : memref<10752xf32, #tpu.memory_space<vmem>>, vector<16xf32>,
        %parallel_loop3A_648 = arith.index_cast %parallel_loop3A_555 : i32 to index
        %parallel_loop3A_649 = arith.constant 96 : index
        %parallel_loop3A_650 = tpu.vector_load %arg6[%parallel_loop3A_648, %parallel_loop3A_649] {strides = array<i32>} : memref<96x112xf32, #tpu.memory_space<vmem>>, vector<16xf32>,
        %parallel_loop3A_651 = vector.broadcast %select_n3A_531 : f32 to vector<16xf32>
        %parallel_loop3A_652 = arith.mulf %parallel_loop3A_651, %parallel_loop3A_650 : vector<16xf32>
        %parallel_loop3A_653 = arith.index_cast %parallel_loop3A_555 : i32 to index
        %parallel_loop3A_654 = arith.constant 96 : index
        %parallel_loop3A_655 = tpu.vector_load %arg7[%parallel_loop3A_653, %parallel_loop3A_654] {strides = array<i32>} : memref<96x112xf32, #tpu.memory_space<vmem>>, vector<16xf32>,
        %parallel_loop3A_656 = vector.broadcast %select_n3A_533 : f32 to vector<16xf32>
        %parallel_loop3A_657 = arith.mulf %parallel_loop3A_656, %parallel_loop3A_655 : vector<16xf32>
        %parallel_loop3A_658 = arith.addf %parallel_loop3A_652, %parallel_loop3A_657 : vector<16xf32>
        %parallel_loop3A_659 = vector.broadcast %parallel_loop3A_557 : i32 to vector<16xi32>
        %parallel_loop3A_660 = arith.addi %add3A_233, %parallel_loop3A_659 : vector<16xi32>
        %parallel_loop3A_661 = arith.constant 0 : i32
        %parallel_loop3A_662 = vector.broadcast %parallel_loop3A_661 : i32 to vector<16xi32>
        %parallel_loop3A_663 = arith.cmpi slt, %max3A_218, %parallel_loop3A_662 : vector<16xi32>
        %parallel_loop3A_664 = arith.constant 16 : i32
        %parallel_loop3A_665 = vector.broadcast %parallel_loop3A_664 : i32 to vector<16xi32>
        %parallel_loop3A_666 = arith.addi %max3A_218, %parallel_loop3A_665 : vector<16xi32>
        %parallel_loop3A_667 = arith.select %parallel_loop3A_663, %parallel_loop3A_666, %max3A_218 : vector<16xi1>, vector<16xi32>
        %parallel_loop3A_668 = vector.shape_cast %parallel_loop3A_667 : vector<16xi32> to vector<16x1xi32>
        %parallel_loop3A_669 = vector.shape_cast %parallel_loop3A_668 : vector<16x1xi32> to vector<16xi32>
        %parallel_loop3A_670 = tpu.dynamic_gather %parallel_loop3A_568[%parallel_loop3A_669] in [0] : vector<16xf32>, vector<16xi32> -> vector<16xf32>
        %parallel_loop3A_671 = arith.constant 0 : i32
        %parallel_loop3A_672 = vector.broadcast %parallel_loop3A_671 : i32 to vector<16xi32>
        %parallel_loop3A_673 = arith.cmpi slt, %shift_right_arithmetic3A_224, %parallel_loop3A_672 : vector<16xi32>
        %parallel_loop3A_674 = arith.constant 16 : i32
        %parallel_loop3A_675 = vector.broadcast %parallel_loop3A_674 : i32 to vector<16xi32>
        %parallel_loop3A_676 = arith.addi %shift_right_arithmetic3A_224, %parallel_loop3A_675 : vector<16xi32>
        %parallel_loop3A_677 = arith.select %parallel_loop3A_673, %parallel_loop3A_676, %shift_right_arithmetic3A_224 : vector<16xi1>, vector<16xi32>
        %parallel_loop3A_678 = vector.shape_cast %parallel_loop3A_677 : vector<16xi32> to vector<16x1xi32>
        %parallel_loop3A_679 = vector.shape_cast %parallel_loop3A_678 : vector<16x1xi32> to vector<16xi32>
        %parallel_loop3A_680 = tpu.dynamic_gather %parallel_loop3A_568[%parallel_loop3A_679] in [0] : vector<16xf32>, vector<16xi32> -> vector<16xf32>
        %parallel_loop3A_681 = arith.mulf %select_n3A_277, %parallel_loop3A_670 : vector<16xf32>
        %parallel_loop3A_682 = arith.mulf %select_n3A_280, %parallel_loop3A_680 : vector<16xf32>
        %parallel_loop3A_683 = arith.addf %parallel_loop3A_681, %parallel_loop3A_682 : vector<16xf32>
        %parallel_loop3A_684 = arith.index_cast %parallel_loop3A_555 : i32 to index
        %parallel_loop3A_685 = arith.constant 0 : index
        %parallel_loop3A_686 = tpu.vector_load %arg10[%parallel_loop3A_684, %parallel_loop3A_685] {strides = array<i32>} : memref<96x224xf32, #tpu.memory_space<vmem>>, vector<16xf32>,
        tpu.vector_store %arg10[%parallel_loop3A_684, %parallel_loop3A_685], %parallel_loop3A_683 {strides = array<i32>} : memref<96x224xf32, #tpu.memory_space<vmem>>, vector<16xf32>,
        %parallel_loop3A_687 = arith.constant 0 : i32
        %parallel_loop3A_688 = vector.broadcast %parallel_loop3A_687 : i32 to vector<16xi32>
        %parallel_loop3A_689 = arith.addi %parallel_loop3A_660, %parallel_loop3A_688 : vector<16xi32>
        %parallel_loop3A_690 = tpu.vector_load_idx %arg8[%parallel_loop3A_689] : memref<10752xf32, #tpu.memory_space<vmem>>[vector<16xi32>], vector<16xf32>,
        %parallel_loop3A_691 = arith.constant 1 : i32
        %parallel_loop3A_692 = vector.broadcast %parallel_loop3A_691 : i32 to vector<16xi32>
        %parallel_loop3A_693 = arith.addi %parallel_loop3A_660, %parallel_loop3A_692 : vector<16xi32>
        %parallel_loop3A_694 = tpu.vector_load_idx %arg8[%parallel_loop3A_693] : memref<10752xf32, #tpu.memory_space<vmem>>[vector<16xi32>], vector<16xf32>,
        %parallel_loop3A_695 = arith.mulf %select_n3A_248, %parallel_loop3A_690 : vector<16xf32>
        %parallel_loop3A_696 = arith.mulf %select_n3A_253, %parallel_loop3A_694 : vector<16xf32>
        %parallel_loop3A_697 = arith.addf %parallel_loop3A_695, %parallel_loop3A_696 : vector<16xf32>
        %parallel_loop3A_698 = arith.index_cast %parallel_loop3A_555 : i32 to index
        %parallel_loop3A_699 = arith.constant 16 : index
        %parallel_loop3A_700 = tpu.vector_load %arg10[%parallel_loop3A_698, %parallel_loop3A_699] {strides = array<i32>} : memref<96x224xf32, #tpu.memory_space<vmem>>, vector<16xf32>,
        tpu.vector_store %arg10[%parallel_loop3A_698, %parallel_loop3A_699], %parallel_loop3A_697 {strides = array<i32>} : memref<96x224xf32, #tpu.memory_space<vmem>>, vector<16xf32>,
        %parallel_loop3A_701 = arith.constant 0 : i32
        %parallel_loop3A_702 = vector.broadcast %parallel_loop3A_701 : i32 to vector<16xi32>
        %parallel_loop3A_703 = arith.cmpi slt, %add3A_204, %parallel_loop3A_702 : vector<16xi32>
        %parallel_loop3A_704 = arith.constant 16 : i32
        %parallel_loop3A_705 = vector.broadcast %parallel_loop3A_704 : i32 to vector<16xi32>
        %parallel_loop3A_706 = arith.addi %add3A_204, %parallel_loop3A_705 : vector<16xi32>
        %parallel_loop3A_707 = arith.select %parallel_loop3A_703, %parallel_loop3A_706, %add3A_204 : vector<16xi1>, vector<16xi32>
        %parallel_loop3A_708 = vector.shape_cast %parallel_loop3A_707 : vector<16xi32> to vector<16x1xi32>
        %parallel_loop3A_709 = vector.shape_cast %parallel_loop3A_708 : vector<16x1xi32> to vector<16xi32>
        %parallel_loop3A_710 = tpu.dynamic_gather %parallel_loop3A_568[%parallel_loop3A_709] in [0] : vector<16xf32>, vector<16xi32> -> vector<16xf32>
        %parallel_loop3A_711 = arith.constant 0 : i32
        %parallel_loop3A_712 = vector.broadcast %parallel_loop3A_711 : i32 to vector<16xi32>
        %parallel_loop3A_713 = arith.cmpi slt, %max3A_218, %parallel_loop3A_712 : vector<16xi32>
        %parallel_loop3A_714 = arith.constant 16 : i32
        %parallel_loop3A_715 = vector.broadcast %parallel_loop3A_714 : i32 to vector<16xi32>
        %parallel_loop3A_716 = arith.addi %max3A_218, %parallel_loop3A_715 : vector<16xi32>
        %parallel_loop3A_717 = arith.select %parallel_loop3A_713, %parallel_loop3A_716, %max3A_218 : vector<16xi1>, vector<16xi32>
        %parallel_loop3A_718 = vector.shape_cast %parallel_loop3A_717 : vector<16xi32> to vector<16x1xi32>
        %parallel_loop3A_719 = vector.shape_cast %parallel_loop3A_718 : vector<16x1xi32> to vector<16xi32>
        %parallel_loop3A_720 = tpu.dynamic_gather %parallel_loop3A_583[%parallel_loop3A_719] in [0] : vector<16xf32>, vector<16xi32> -> vector<16xf32>
        %parallel_loop3A_721 = arith.select %eq3A_207, %parallel_loop3A_710, %parallel_loop3A_720 : vector<16xi1>, vector<16xf32>
        %parallel_loop3A_722 = arith.constant 0 : i32
        %parallel_loop3A_723 = vector.broadcast %parallel_loop3A_722 : i32 to vector<16xi32>
        %parallel_loop3A_724 = arith.cmpi slt, %shift_right_arithmetic3A_224, %parallel_loop3A_723 : vector<16xi32>
        %parallel_loop3A_725 = arith.constant 16 : i32
        %parallel_loop3A_726 = vector.broadcast %parallel_loop3A_725 : i32 to vector<16xi32>
        %parallel_loop3A_727 = arith.addi %shift_right_arithmetic3A_224, %parallel_loop3A_726 : vector<16xi32>
        %parallel_loop3A_728 = arith.select %parallel_loop3A_724, %parallel_loop3A_727, %shift_right_arithmetic3A_224 : vector<16xi1>, vector<16xi32>
        %parallel_loop3A_729 = vector.shape_cast %parallel_loop3A_728 : vector<16xi32> to vector<16x1xi32>
        %parallel_loop3A_730 = vector.shape_cast %parallel_loop3A_729 : vector<16x1xi32> to vector<16xi32>
        %parallel_loop3A_731 = tpu.dynamic_gather %parallel_loop3A_583[%parallel_loop3A_730] in [0] : vector<16xf32>, vector<16xi32> -> vector<16xf32>
        %parallel_loop3A_732 = arith.mulf %select_n3A_248, %parallel_loop3A_721 : vector<16xf32>
        %parallel_loop3A_733 = arith.mulf %select_n3A_253, %parallel_loop3A_731 : vector<16xf32>
        %parallel_loop3A_734 = arith.addf %parallel_loop3A_732, %parallel_loop3A_733 : vector<16xf32>
        %parallel_loop3A_735 = arith.index_cast %parallel_loop3A_555 : i32 to index
        %parallel_loop3A_736 = arith.constant 32 : index
        %parallel_loop3A_737 = tpu.vector_load %arg10[%parallel_loop3A_735, %parallel_loop3A_736] {strides = array<i32>} : memref<96x224xf32, #tpu.memory_space<vmem>>, vector<16xf32>,
        tpu.vector_store %arg10[%parallel_loop3A_735, %parallel_loop3A_736], %parallel_loop3A_734 {strides = array<i32>} : memref<96x224xf32, #tpu.memory_space<vmem>>, vector<16xf32>,
        %parallel_loop3A_738 = arith.constant 16 : i32
        %parallel_loop3A_739 = vector.broadcast %parallel_loop3A_738 : i32 to vector<16xi32>
        %parallel_loop3A_740 = arith.addi %parallel_loop3A_660, %parallel_loop3A_739 : vector<16xi32>
        %parallel_loop3A_741 = tpu.vector_load_idx %arg8[%parallel_loop3A_740] : memref<10752xf32, #tpu.memory_space<vmem>>[vector<16xi32>], vector<16xf32>,
        %parallel_loop3A_742 = arith.constant 17 : i32
        %parallel_loop3A_743 = vector.broadcast %parallel_loop3A_742 : i32 to vector<16xi32>
        %parallel_loop3A_744 = arith.addi %parallel_loop3A_660, %parallel_loop3A_743 : vector<16xi32>
        %parallel_loop3A_745 = tpu.vector_load_idx %arg8[%parallel_loop3A_744] : memref<10752xf32, #tpu.memory_space<vmem>>[vector<16xi32>], vector<16xf32>,
        %parallel_loop3A_746 = arith.mulf %select_n3A_248, %parallel_loop3A_741 : vector<16xf32>
        %parallel_loop3A_747 = arith.mulf %select_n3A_253, %parallel_loop3A_745 : vector<16xf32>
        %parallel_loop3A_748 = arith.addf %parallel_loop3A_746, %parallel_loop3A_747 : vector<16xf32>
        %parallel_loop3A_749 = arith.index_cast %parallel_loop3A_555 : i32 to index
        %parallel_loop3A_750 = arith.constant 48 : index
        %parallel_loop3A_751 = tpu.vector_load %arg10[%parallel_loop3A_749, %parallel_loop3A_750] {strides = array<i32>} : memref<96x224xf32, #tpu.memory_space<vmem>>, vector<16xf32>,
        tpu.vector_store %arg10[%parallel_loop3A_749, %parallel_loop3A_750], %parallel_loop3A_748 {strides = array<i32>} : memref<96x224xf32, #tpu.memory_space<vmem>>, vector<16xf32>,
        %parallel_loop3A_752 = arith.constant 0 : i32
        %parallel_loop3A_753 = vector.broadcast %parallel_loop3A_752 : i32 to vector<16xi32>
        %parallel_loop3A_754 = arith.cmpi slt, %add3A_204, %parallel_loop3A_753 : vector<16xi32>
        %parallel_loop3A_755 = arith.constant 16 : i32
        %parallel_loop3A_756 = vector.broadcast %parallel_loop3A_755 : i32 to vector<16xi32>
        %parallel_loop3A_757 = arith.addi %add3A_204, %parallel_loop3A_756 : vector<16xi32>
        %parallel_loop3A_758 = arith.select %parallel_loop3A_754, %parallel_loop3A_757, %add3A_204 : vector<16xi1>, vector<16xi32>
        %parallel_loop3A_759 = vector.shape_cast %parallel_loop3A_758 : vector<16xi32> to vector<16x1xi32>
        %parallel_loop3A_760 = vector.shape_cast %parallel_loop3A_759 : vector<16x1xi32> to vector<16xi32>
        %parallel_loop3A_761 = tpu.dynamic_gather %parallel_loop3A_583[%parallel_loop3A_760] in [0] : vector<16xf32>, vector<16xi32> -> vector<16xf32>
        %parallel_loop3A_762 = arith.constant 0 : i32
        %parallel_loop3A_763 = vector.broadcast %parallel_loop3A_762 : i32 to vector<16xi32>
        %parallel_loop3A_764 = arith.cmpi slt, %max3A_218, %parallel_loop3A_763 : vector<16xi32>
        %parallel_loop3A_765 = arith.constant 16 : i32
        %parallel_loop3A_766 = vector.broadcast %parallel_loop3A_765 : i32 to vector<16xi32>
        %parallel_loop3A_767 = arith.addi %max3A_218, %parallel_loop3A_766 : vector<16xi32>
        %parallel_loop3A_768 = arith.select %parallel_loop3A_764, %parallel_loop3A_767, %max3A_218 : vector<16xi1>, vector<16xi32>
        %parallel_loop3A_769 = vector.shape_cast %parallel_loop3A_768 : vector<16xi32> to vector<16x1xi32>
        %parallel_loop3A_770 = vector.shape_cast %parallel_loop3A_769 : vector<16x1xi32> to vector<16xi32>
        %parallel_loop3A_771 = tpu.dynamic_gather %parallel_loop3A_598[%parallel_loop3A_770] in [0] : vector<16xf32>, vector<16xi32> -> vector<16xf32>
        %parallel_loop3A_772 = arith.select %eq3A_207, %parallel_loop3A_761, %parallel_loop3A_771 : vector<16xi1>, vector<16xf32>
        %parallel_loop3A_773 = arith.constant 0 : i32
        %parallel_loop3A_774 = vector.broadcast %parallel_loop3A_773 : i32 to vector<16xi32>
        %parallel_loop3A_775 = arith.cmpi slt, %shift_right_arithmetic3A_224, %parallel_loop3A_774 : vector<16xi32>
        %parallel_loop3A_776 = arith.constant 16 : i32
        %parallel_loop3A_777 = vector.broadcast %parallel_loop3A_776 : i32 to vector<16xi32>
        %parallel_loop3A_778 = arith.addi %shift_right_arithmetic3A_224, %parallel_loop3A_777 : vector<16xi32>
        %parallel_loop3A_779 = arith.select %parallel_loop3A_775, %parallel_loop3A_778, %shift_right_arithmetic3A_224 : vector<16xi1>, vector<16xi32>
        %parallel_loop3A_780 = vector.shape_cast %parallel_loop3A_779 : vector<16xi32> to vector<16x1xi32>
        %parallel_loop3A_781 = vector.shape_cast %parallel_loop3A_780 : vector<16x1xi32> to vector<16xi32>
        %parallel_loop3A_782 = tpu.dynamic_gather %parallel_loop3A_598[%parallel_loop3A_781] in [0] : vector<16xf32>, vector<16xi32> -> vector<16xf32>
        %parallel_loop3A_783 = arith.mulf %select_n3A_248, %parallel_loop3A_772 : vector<16xf32>
        %parallel_loop3A_784 = arith.mulf %select_n3A_253, %parallel_loop3A_782 : vector<16xf32>
        %parallel_loop3A_785 = arith.addf %parallel_loop3A_783, %parallel_loop3A_784 : vector<16xf32>
        %parallel_loop3A_786 = arith.index_cast %parallel_loop3A_555 : i32 to index
        %parallel_loop3A_787 = arith.constant 64 : index
        %parallel_loop3A_788 = tpu.vector_load %arg10[%parallel_loop3A_786, %parallel_loop3A_787] {strides = array<i32>} : memref<96x224xf32, #tpu.memory_space<vmem>>, vector<16xf32>,
        tpu.vector_store %arg10[%parallel_loop3A_786, %parallel_loop3A_787], %parallel_loop3A_785 {strides = array<i32>} : memref<96x224xf32, #tpu.memory_space<vmem>>, vector<16xf32>,
        %parallel_loop3A_789 = arith.constant 32 : i32
        %parallel_loop3A_790 = vector.broadcast %parallel_loop3A_789 : i32 to vector<16xi32>
        %parallel_loop3A_791 = arith.addi %parallel_loop3A_660, %parallel_loop3A_790 : vector<16xi32>
        %parallel_loop3A_792 = tpu.vector_load_idx %arg8[%parallel_loop3A_791] : memref<10752xf32, #tpu.memory_space<vmem>>[vector<16xi32>], vector<16xf32>,
        %parallel_loop3A_793 = arith.constant 33 : i32
        %parallel_loop3A_794 = vector.broadcast %parallel_loop3A_793 : i32 to vector<16xi32>
        %parallel_loop3A_795 = arith.addi %parallel_loop3A_660, %parallel_loop3A_794 : vector<16xi32>
        %parallel_loop3A_796 = tpu.vector_load_idx %arg8[%parallel_loop3A_795] : memref<10752xf32, #tpu.memory_space<vmem>>[vector<16xi32>], vector<16xf32>,
        %parallel_loop3A_797 = arith.mulf %select_n3A_248, %parallel_loop3A_792 : vector<16xf32>
        %parallel_loop3A_798 = arith.mulf %select_n3A_253, %parallel_loop3A_796 : vector<16xf32>
        %parallel_loop3A_799 = arith.addf %parallel_loop3A_797, %parallel_loop3A_798 : vector<16xf32>
        %parallel_loop3A_800 = arith.index_cast %parallel_loop3A_555 : i32 to index
        %parallel_loop3A_801 = arith.constant 80 : index
        %parallel_loop3A_802 = tpu.vector_load %arg10[%parallel_loop3A_800, %parallel_loop3A_801] {strides = array<i32>} : memref<96x224xf32, #tpu.memory_space<vmem>>, vector<16xf32>,
        tpu.vector_store %arg10[%parallel_loop3A_800, %parallel_loop3A_801], %parallel_loop3A_799 {strides = array<i32>} : memref<96x224xf32, #tpu.memory_space<vmem>>, vector<16xf32>,
        %parallel_loop3A_803 = arith.constant 0 : i32
        %parallel_loop3A_804 = vector.broadcast %parallel_loop3A_803 : i32 to vector<16xi32>
        %parallel_loop3A_805 = arith.cmpi slt, %add3A_204, %parallel_loop3A_804 : vector<16xi32>
        %parallel_loop3A_806 = arith.constant 16 : i32
        %parallel_loop3A_807 = vector.broadcast %parallel_loop3A_806 : i32 to vector<16xi32>
        %parallel_loop3A_808 = arith.addi %add3A_204, %parallel_loop3A_807 : vector<16xi32>
        %parallel_loop3A_809 = arith.select %parallel_loop3A_805, %parallel_loop3A_808, %add3A_204 : vector<16xi1>, vector<16xi32>
        %parallel_loop3A_810 = vector.shape_cast %parallel_loop3A_809 : vector<16xi32> to vector<16x1xi32>
        %parallel_loop3A_811 = vector.shape_cast %parallel_loop3A_810 : vector<16x1xi32> to vector<16xi32>
        %parallel_loop3A_812 = tpu.dynamic_gather %parallel_loop3A_598[%parallel_loop3A_811] in [0] : vector<16xf32>, vector<16xi32> -> vector<16xf32>
        %parallel_loop3A_813 = arith.constant 0 : i32
        %parallel_loop3A_814 = vector.broadcast %parallel_loop3A_813 : i32 to vector<16xi32>
        %parallel_loop3A_815 = arith.cmpi slt, %max3A_218, %parallel_loop3A_814 : vector<16xi32>
        %parallel_loop3A_816 = arith.constant 16 : i32
        %parallel_loop3A_817 = vector.broadcast %parallel_loop3A_816 : i32 to vector<16xi32>
        %parallel_loop3A_818 = arith.addi %max3A_218, %parallel_loop3A_817 : vector<16xi32>
        %parallel_loop3A_819 = arith.select %parallel_loop3A_815, %parallel_loop3A_818, %max3A_218 : vector<16xi1>, vector<16xi32>
        %parallel_loop3A_820 = vector.shape_cast %parallel_loop3A_819 : vector<16xi32> to vector<16x1xi32>
        %parallel_loop3A_821 = vector.shape_cast %parallel_loop3A_820 : vector<16x1xi32> to vector<16xi32>
        %parallel_loop3A_822 = tpu.dynamic_gather %parallel_loop3A_613[%parallel_loop3A_821] in [0] : vector<16xf32>, vector<16xi32> -> vector<16xf32>
        %parallel_loop3A_823 = arith.select %eq3A_207, %parallel_loop3A_812, %parallel_loop3A_822 : vector<16xi1>, vector<16xf32>
        %parallel_loop3A_824 = arith.constant 0 : i32
        %parallel_loop3A_825 = vector.broadcast %parallel_loop3A_824 : i32 to vector<16xi32>
        %parallel_loop3A_826 = arith.cmpi slt, %shift_right_arithmetic3A_224, %parallel_loop3A_825 : vector<16xi32>
        %parallel_loop3A_827 = arith.constant 16 : i32
        %parallel_loop3A_828 = vector.broadcast %parallel_loop3A_827 : i32 to vector<16xi32>
        %parallel_loop3A_829 = arith.addi %shift_right_arithmetic3A_224, %parallel_loop3A_828 : vector<16xi32>
        %parallel_loop3A_830 = arith.select %parallel_loop3A_826, %parallel_loop3A_829, %shift_right_arithmetic3A_224 : vector<16xi1>, vector<16xi32>
        %parallel_loop3A_831 = vector.shape_cast %parallel_loop3A_830 : vector<16xi32> to vector<16x1xi32>
        %parallel_loop3A_832 = vector.shape_cast %parallel_loop3A_831 : vector<16x1xi32> to vector<16xi32>
        %parallel_loop3A_833 = tpu.dynamic_gather %parallel_loop3A_613[%parallel_loop3A_832] in [0] : vector<16xf32>, vector<16xi32> -> vector<16xf32>
        %parallel_loop3A_834 = arith.mulf %select_n3A_248, %parallel_loop3A_823 : vector<16xf32>
        %parallel_loop3A_835 = arith.mulf %select_n3A_253, %parallel_loop3A_833 : vector<16xf32>
        %parallel_loop3A_836 = arith.addf %parallel_loop3A_834, %parallel_loop3A_835 : vector<16xf32>
        %parallel_loop3A_837 = arith.index_cast %parallel_loop3A_555 : i32 to index
        %parallel_loop3A_838 = arith.constant 96 : index
        %parallel_loop3A_839 = tpu.vector_load %arg10[%parallel_loop3A_837, %parallel_loop3A_838] {strides = array<i32>} : memref<96x224xf32, #tpu.memory_space<vmem>>, vector<16xf32>,
        tpu.vector_store %arg10[%parallel_loop3A_837, %parallel_loop3A_838], %parallel_loop3A_836 {strides = array<i32>} : memref<96x224xf32, #tpu.memory_space<vmem>>, vector<16xf32>,
        %parallel_loop3A_840 = arith.constant 48 : i32
        %parallel_loop3A_841 = vector.broadcast %parallel_loop3A_840 : i32 to vector<16xi32>
        %parallel_loop3A_842 = arith.addi %parallel_loop3A_660, %parallel_loop3A_841 : vector<16xi32>
        %parallel_loop3A_843 = tpu.vector_load_idx %arg8[%parallel_loop3A_842] : memref<10752xf32, #tpu.memory_space<vmem>>[vector<16xi32>], vector<16xf32>,
        %parallel_loop3A_844 = arith.constant 49 : i32
        %parallel_loop3A_845 = vector.broadcast %parallel_loop3A_844 : i32 to vector<16xi32>
        %parallel_loop3A_846 = arith.addi %parallel_loop3A_660, %parallel_loop3A_845 : vector<16xi32>
        %parallel_loop3A_847 = tpu.vector_load_idx %arg8[%parallel_loop3A_846] : memref<10752xf32, #tpu.memory_space<vmem>>[vector<16xi32>], vector<16xf32>,
        %parallel_loop3A_848 = arith.mulf %select_n3A_248, %parallel_loop3A_843 : vector<16xf32>
        %parallel_loop3A_849 = arith.mulf %select_n3A_253, %parallel_loop3A_847 : vector<16xf32>
        %parallel_loop3A_850 = arith.addf %parallel_loop3A_848, %parallel_loop3A_849 : vector<16xf32>
        %parallel_loop3A_851 = arith.index_cast %parallel_loop3A_555 : i32 to index
        %parallel_loop3A_852 = arith.constant 112 : index
        %parallel_loop3A_853 = tpu.vector_load %arg10[%parallel_loop3A_851, %parallel_loop3A_852] {strides = array<i32>} : memref<96x224xf32, #tpu.memory_space<vmem>>, vector<16xf32>,
        tpu.vector_store %arg10[%parallel_loop3A_851, %parallel_loop3A_852], %parallel_loop3A_850 {strides = array<i32>} : memref<96x224xf32, #tpu.memory_space<vmem>>, vector<16xf32>,
        %parallel_loop3A_854 = arith.constant 0 : i32
        %parallel_loop3A_855 = vector.broadcast %parallel_loop3A_854 : i32 to vector<16xi32>
        %parallel_loop3A_856 = arith.cmpi slt, %add3A_204, %parallel_loop3A_855 : vector<16xi32>
        %parallel_loop3A_857 = arith.constant 16 : i32
        %parallel_loop3A_858 = vector.broadcast %parallel_loop3A_857 : i32 to vector<16xi32>
        %parallel_loop3A_859 = arith.addi %add3A_204, %parallel_loop3A_858 : vector<16xi32>
        %parallel_loop3A_860 = arith.select %parallel_loop3A_856, %parallel_loop3A_859, %add3A_204 : vector<16xi1>, vector<16xi32>
        %parallel_loop3A_861 = vector.shape_cast %parallel_loop3A_860 : vector<16xi32> to vector<16x1xi32>
        %parallel_loop3A_862 = vector.shape_cast %parallel_loop3A_861 : vector<16x1xi32> to vector<16xi32>
        %parallel_loop3A_863 = tpu.dynamic_gather %parallel_loop3A_613[%parallel_loop3A_862] in [0] : vector<16xf32>, vector<16xi32> -> vector<16xf32>
        %parallel_loop3A_864 = arith.constant 0 : i32
        %parallel_loop3A_865 = vector.broadcast %parallel_loop3A_864 : i32 to vector<16xi32>
        %parallel_loop3A_866 = arith.cmpi slt, %max3A_218, %parallel_loop3A_865 : vector<16xi32>
        %parallel_loop3A_867 = arith.constant 16 : i32
        %parallel_loop3A_868 = vector.broadcast %parallel_loop3A_867 : i32 to vector<16xi32>
        %parallel_loop3A_869 = arith.addi %max3A_218, %parallel_loop3A_868 : vector<16xi32>
        %parallel_loop3A_870 = arith.select %parallel_loop3A_866, %parallel_loop3A_869, %max3A_218 : vector<16xi1>, vector<16xi32>
        %parallel_loop3A_871 = vector.shape_cast %parallel_loop3A_870 : vector<16xi32> to vector<16x1xi32>
        %parallel_loop3A_872 = vector.shape_cast %parallel_loop3A_871 : vector<16x1xi32> to vector<16xi32>
        %parallel_loop3A_873 = tpu.dynamic_gather %parallel_loop3A_628[%parallel_loop3A_872] in [0] : vector<16xf32>, vector<16xi32> -> vector<16xf32>
        %parallel_loop3A_874 = arith.select %eq3A_207, %parallel_loop3A_863, %parallel_loop3A_873 : vector<16xi1>, vector<16xf32>
        %parallel_loop3A_875 = arith.constant 0 : i32
        %parallel_loop3A_876 = vector.broadcast %parallel_loop3A_875 : i32 to vector<16xi32>
        %parallel_loop3A_877 = arith.cmpi slt, %shift_right_arithmetic3A_224, %parallel_loop3A_876 : vector<16xi32>
        %parallel_loop3A_878 = arith.constant 16 : i32
        %parallel_loop3A_879 = vector.broadcast %parallel_loop3A_878 : i32 to vector<16xi32>
        %parallel_loop3A_880 = arith.addi %shift_right_arithmetic3A_224, %parallel_loop3A_879 : vector<16xi32>
        %parallel_loop3A_881 = arith.select %parallel_loop3A_877, %parallel_loop3A_880, %shift_right_arithmetic3A_224 : vector<16xi1>, vector<16xi32>
        %parallel_loop3A_882 = vector.shape_cast %parallel_loop3A_881 : vector<16xi32> to vector<16x1xi32>
        %parallel_loop3A_883 = vector.shape_cast %parallel_loop3A_882 : vector<16x1xi32> to vector<16xi32>
        %parallel_loop3A_884 = tpu.dynamic_gather %parallel_loop3A_628[%parallel_loop3A_883] in [0] : vector<16xf32>, vector<16xi32> -> vector<16xf32>
        %parallel_loop3A_885 = arith.mulf %select_n3A_248, %parallel_loop3A_874 : vector<16xf32>
        %parallel_loop3A_886 = arith.mulf %select_n3A_253, %parallel_loop3A_884 : vector<16xf32>
        %parallel_loop3A_887 = arith.addf %parallel_loop3A_885, %parallel_loop3A_886 : vector<16xf32>
        %parallel_loop3A_888 = arith.index_cast %parallel_loop3A_555 : i32 to index
        %parallel_loop3A_889 = arith.constant 128 : index
        %parallel_loop3A_890 = tpu.vector_load %arg10[%parallel_loop3A_888, %parallel_loop3A_889] {strides = array<i32>} : memref<96x224xf32, #tpu.memory_space<vmem>>, vector<16xf32>,
        tpu.vector_store %arg10[%parallel_loop3A_888, %parallel_loop3A_889], %parallel_loop3A_887 {strides = array<i32>} : memref<96x224xf32, #tpu.memory_space<vmem>>, vector<16xf32>,
        %parallel_loop3A_891 = arith.constant 64 : i32
        %parallel_loop3A_892 = vector.broadcast %parallel_loop3A_891 : i32 to vector<16xi32>
        %parallel_loop3A_893 = arith.addi %parallel_loop3A_660, %parallel_loop3A_892 : vector<16xi32>
        %parallel_loop3A_894 = tpu.vector_load_idx %arg8[%parallel_loop3A_893] : memref<10752xf32, #tpu.memory_space<vmem>>[vector<16xi32>], vector<16xf32>,
        %parallel_loop3A_895 = arith.constant 65 : i32
        %parallel_loop3A_896 = vector.broadcast %parallel_loop3A_895 : i32 to vector<16xi32>
        %parallel_loop3A_897 = arith.addi %parallel_loop3A_660, %parallel_loop3A_896 : vector<16xi32>
        %parallel_loop3A_898 = tpu.vector_load_idx %arg8[%parallel_loop3A_897] : memref<10752xf32, #tpu.memory_space<vmem>>[vector<16xi32>], vector<16xf32>,
        %parallel_loop3A_899 = arith.mulf %select_n3A_248, %parallel_loop3A_894 : vector<16xf32>
        %parallel_loop3A_900 = arith.mulf %select_n3A_253, %parallel_loop3A_898 : vector<16xf32>
        %parallel_loop3A_901 = arith.addf %parallel_loop3A_899, %parallel_loop3A_900 : vector<16xf32>
        %parallel_loop3A_902 = arith.index_cast %parallel_loop3A_555 : i32 to index
        %parallel_loop3A_903 = arith.constant 144 : index
        %parallel_loop3A_904 = tpu.vector_load %arg10[%parallel_loop3A_902, %parallel_loop3A_903] {strides = array<i32>} : memref<96x224xf32, #tpu.memory_space<vmem>>, vector<16xf32>,
        tpu.vector_store %arg10[%parallel_loop3A_902, %parallel_loop3A_903], %parallel_loop3A_901 {strides = array<i32>} : memref<96x224xf32, #tpu.memory_space<vmem>>, vector<16xf32>,
        %parallel_loop3A_905 = arith.constant 0 : i32
        %parallel_loop3A_906 = vector.broadcast %parallel_loop3A_905 : i32 to vector<16xi32>
        %parallel_loop3A_907 = arith.cmpi slt, %add3A_204, %parallel_loop3A_906 : vector<16xi32>
        %parallel_loop3A_908 = arith.constant 16 : i32
        %parallel_loop3A_909 = vector.broadcast %parallel_loop3A_908 : i32 to vector<16xi32>
        %parallel_loop3A_910 = arith.addi %add3A_204, %parallel_loop3A_909 : vector<16xi32>
        %parallel_loop3A_911 = arith.select %parallel_loop3A_907, %parallel_loop3A_910, %add3A_204 : vector<16xi1>, vector<16xi32>
        %parallel_loop3A_912 = vector.shape_cast %parallel_loop3A_911 : vector<16xi32> to vector<16x1xi32>
        %parallel_loop3A_913 = vector.shape_cast %parallel_loop3A_912 : vector<16x1xi32> to vector<16xi32>
        %parallel_loop3A_914 = tpu.dynamic_gather %parallel_loop3A_628[%parallel_loop3A_913] in [0] : vector<16xf32>, vector<16xi32> -> vector<16xf32>
        %parallel_loop3A_915 = arith.constant 0 : i32
        %parallel_loop3A_916 = vector.broadcast %parallel_loop3A_915 : i32 to vector<16xi32>
        %parallel_loop3A_917 = arith.cmpi slt, %max3A_218, %parallel_loop3A_916 : vector<16xi32>
        %parallel_loop3A_918 = arith.constant 16 : i32
        %parallel_loop3A_919 = vector.broadcast %parallel_loop3A_918 : i32 to vector<16xi32>
        %parallel_loop3A_920 = arith.addi %max3A_218, %parallel_loop3A_919 : vector<16xi32>
        %parallel_loop3A_921 = arith.select %parallel_loop3A_917, %parallel_loop3A_920, %max3A_218 : vector<16xi1>, vector<16xi32>
        %parallel_loop3A_922 = vector.shape_cast %parallel_loop3A_921 : vector<16xi32> to vector<16x1xi32>
        %parallel_loop3A_923 = vector.shape_cast %parallel_loop3A_922 : vector<16x1xi32> to vector<16xi32>
        %parallel_loop3A_924 = tpu.dynamic_gather %parallel_loop3A_643[%parallel_loop3A_923] in [0] : vector<16xf32>, vector<16xi32> -> vector<16xf32>
        %parallel_loop3A_925 = arith.select %eq3A_207, %parallel_loop3A_914, %parallel_loop3A_924 : vector<16xi1>, vector<16xf32>
        %parallel_loop3A_926 = arith.constant 0 : i32
        %parallel_loop3A_927 = vector.broadcast %parallel_loop3A_926 : i32 to vector<16xi32>
        %parallel_loop3A_928 = arith.cmpi slt, %shift_right_arithmetic3A_224, %parallel_loop3A_927 : vector<16xi32>
        %parallel_loop3A_929 = arith.constant 16 : i32
        %parallel_loop3A_930 = vector.broadcast %parallel_loop3A_929 : i32 to vector<16xi32>
        %parallel_loop3A_931 = arith.addi %shift_right_arithmetic3A_224, %parallel_loop3A_930 : vector<16xi32>
        %parallel_loop3A_932 = arith.select %parallel_loop3A_928, %parallel_loop3A_931, %shift_right_arithmetic3A_224 : vector<16xi1>, vector<16xi32>
        %parallel_loop3A_933 = vector.shape_cast %parallel_loop3A_932 : vector<16xi32> to vector<16x1xi32>
        %parallel_loop3A_934 = vector.shape_cast %parallel_loop3A_933 : vector<16x1xi32> to vector<16xi32>
        %parallel_loop3A_935 = tpu.dynamic_gather %parallel_loop3A_643[%parallel_loop3A_934] in [0] : vector<16xf32>, vector<16xi32> -> vector<16xf32>
        %parallel_loop3A_936 = arith.mulf %select_n3A_248, %parallel_loop3A_925 : vector<16xf32>
        %parallel_loop3A_937 = arith.mulf %select_n3A_253, %parallel_loop3A_935 : vector<16xf32>
        %parallel_loop3A_938 = arith.addf %parallel_loop3A_936, %parallel_loop3A_937 : vector<16xf32>
        %parallel_loop3A_939 = arith.index_cast %parallel_loop3A_555 : i32 to index
        %parallel_loop3A_940 = arith.constant 160 : index
        %parallel_loop3A_941 = tpu.vector_load %arg10[%parallel_loop3A_939, %parallel_loop3A_940] {strides = array<i32>} : memref<96x224xf32, #tpu.memory_space<vmem>>, vector<16xf32>,
        tpu.vector_store %arg10[%parallel_loop3A_939, %parallel_loop3A_940], %parallel_loop3A_938 {strides = array<i32>} : memref<96x224xf32, #tpu.memory_space<vmem>>, vector<16xf32>,
        %parallel_loop3A_942 = arith.constant 0 : i32
        %parallel_loop3A_943 = vector.broadcast %parallel_loop3A_942 : i32 to vector<16xi32>
        %parallel_loop3A_944 = arith.cmpi slt, %add3A_233, %parallel_loop3A_943 : vector<16xi32>
        %parallel_loop3A_945 = arith.constant 16 : i32
        %parallel_loop3A_946 = vector.broadcast %parallel_loop3A_945 : i32 to vector<16xi32>
        %parallel_loop3A_947 = arith.addi %add3A_233, %parallel_loop3A_946 : vector<16xi32>
        %parallel_loop3A_948 = arith.select %parallel_loop3A_944, %parallel_loop3A_947, %add3A_233 : vector<16xi1>, vector<16xi32>
        %parallel_loop3A_949 = vector.shape_cast %parallel_loop3A_948 : vector<16xi32> to vector<16x1xi32>
        %parallel_loop3A_950 = vector.shape_cast %parallel_loop3A_949 : vector<16x1xi32> to vector<16xi32>
        %parallel_loop3A_951 = tpu.dynamic_gather %parallel_loop3A_643[%parallel_loop3A_950] in [0] : vector<16xf32>, vector<16xi32> -> vector<16xf32>
        %parallel_loop3A_952 = arith.constant 0 : i32
        %parallel_loop3A_953 = vector.broadcast %parallel_loop3A_952 : i32 to vector<16xi32>
        %parallel_loop3A_954 = arith.cmpi slt, %and3A_201, %parallel_loop3A_953 : vector<16xi32>
        %parallel_loop3A_955 = arith.constant 16 : i32
        %parallel_loop3A_956 = vector.broadcast %parallel_loop3A_955 : i32 to vector<16xi32>
        %parallel_loop3A_957 = arith.addi %and3A_201, %parallel_loop3A_956 : vector<16xi32>
        %parallel_loop3A_958 = arith.select %parallel_loop3A_954, %parallel_loop3A_957, %and3A_201 : vector<16xi1>, vector<16xi32>
        %parallel_loop3A_959 = vector.shape_cast %parallel_loop3A_958 : vector<16xi32> to vector<16x1xi32>
        %parallel_loop3A_960 = vector.shape_cast %parallel_loop3A_959 : vector<16x1xi32> to vector<16xi32>
        %parallel_loop3A_961 = tpu.dynamic_gather %parallel_loop3A_658[%parallel_loop3A_960] in [0] : vector<16xf32>, vector<16xi32> -> vector<16xf32>
        %parallel_loop3A_962 = arith.constant 0 : i32
        %parallel_loop3A_963 = vector.broadcast %parallel_loop3A_962 : i32 to vector<16xi32>
        %parallel_loop3A_964 = arith.cmpi slt, %min3A_238, %parallel_loop3A_963 : vector<16xi32>
        %parallel_loop3A_965 = arith.constant 16 : i32
        %parallel_loop3A_966 = vector.broadcast %parallel_loop3A_965 : i32 to vector<16xi32>
        %parallel_loop3A_967 = arith.addi %min3A_238, %parallel_loop3A_966 : vector<16xi32>
        %parallel_loop3A_968 = arith.select %parallel_loop3A_964, %parallel_loop3A_967, %min3A_238 : vector<16xi1>, vector<16xi32>
        %parallel_loop3A_969 = vector.shape_cast %parallel_loop3A_968 : vector<16xi32> to vector<16x1xi32>
        %parallel_loop3A_970 = vector.shape_cast %parallel_loop3A_969 : vector<16x1xi32> to vector<16xi32>
        %parallel_loop3A_971 = tpu.dynamic_gather %parallel_loop3A_643[%parallel_loop3A_970] in [0] : vector<16xf32>, vector<16xi32> -> vector<16xf32>
        %parallel_loop3A_972 = arith.select %eq3A_210, %parallel_loop3A_961, %parallel_loop3A_971 : vector<16xi1>, vector<16xf32>
        %parallel_loop3A_973 = arith.mulf %select_n3A_248, %parallel_loop3A_951 : vector<16xf32>
        %parallel_loop3A_974 = arith.mulf %select_n3A_253, %parallel_loop3A_972 : vector<16xf32>
        %parallel_loop3A_975 = arith.addf %parallel_loop3A_973, %parallel_loop3A_974 : vector<16xf32>
        %parallel_loop3A_976 = arith.index_cast %parallel_loop3A_555 : i32 to index
        %parallel_loop3A_977 = arith.constant 176 : index
        %parallel_loop3A_978 = tpu.vector_load %arg10[%parallel_loop3A_976, %parallel_loop3A_977] {strides = array<i32>} : memref<96x224xf32, #tpu.memory_space<vmem>>, vector<16xf32>,
        tpu.vector_store %arg10[%parallel_loop3A_976, %parallel_loop3A_977], %parallel_loop3A_975 {strides = array<i32>} : memref<96x224xf32, #tpu.memory_space<vmem>>, vector<16xf32>,
        %parallel_loop3A_979 = arith.constant 0 : i32
        %parallel_loop3A_980 = vector.broadcast %parallel_loop3A_979 : i32 to vector<16xi32>
        %parallel_loop3A_981 = arith.cmpi slt, %add3A_204, %parallel_loop3A_980 : vector<16xi32>
        %parallel_loop3A_982 = arith.constant 16 : i32
        %parallel_loop3A_983 = vector.broadcast %parallel_loop3A_982 : i32 to vector<16xi32>
        %parallel_loop3A_984 = arith.addi %add3A_204, %parallel_loop3A_983 : vector<16xi32>
        %parallel_loop3A_985 = arith.select %parallel_loop3A_981, %parallel_loop3A_984, %add3A_204 : vector<16xi1>, vector<16xi32>
        %parallel_loop3A_986 = vector.shape_cast %parallel_loop3A_985 : vector<16xi32> to vector<16x1xi32>
        %parallel_loop3A_987 = vector.shape_cast %parallel_loop3A_986 : vector<16x1xi32> to vector<16xi32>
        %parallel_loop3A_988 = tpu.dynamic_gather %parallel_loop3A_643[%parallel_loop3A_987] in [0] : vector<16xf32>, vector<16xi32> -> vector<16xf32>
        %parallel_loop3A_989 = arith.constant 0 : i32
        %parallel_loop3A_990 = vector.broadcast %parallel_loop3A_989 : i32 to vector<16xi32>
        %parallel_loop3A_991 = arith.cmpi slt, %max3A_218, %parallel_loop3A_990 : vector<16xi32>
        %parallel_loop3A_992 = arith.constant 16 : i32
        %parallel_loop3A_993 = vector.broadcast %parallel_loop3A_992 : i32 to vector<16xi32>
        %parallel_loop3A_994 = arith.addi %max3A_218, %parallel_loop3A_993 : vector<16xi32>
        %parallel_loop3A_995 = arith.select %parallel_loop3A_991, %parallel_loop3A_994, %max3A_218 : vector<16xi1>, vector<16xi32>
        %parallel_loop3A_996 = vector.shape_cast %parallel_loop3A_995 : vector<16xi32> to vector<16x1xi32>
        %parallel_loop3A_997 = vector.shape_cast %parallel_loop3A_996 : vector<16x1xi32> to vector<16xi32>
        %parallel_loop3A_998 = tpu.dynamic_gather %parallel_loop3A_658[%parallel_loop3A_997] in [0] : vector<16xf32>, vector<16xi32> -> vector<16xf32>
        %parallel_loop3A_999 = arith.select %eq3A_207, %parallel_loop3A_988, %parallel_loop3A_998 : vector<16xi1>, vector<16xf32>
        %parallel_loop3A_1000 = arith.constant 0 : i32
        %parallel_loop3A_1001 = vector.broadcast %parallel_loop3A_1000 : i32 to vector<16xi32>
        %parallel_loop3A_1002 = arith.cmpi slt, %shift_right_arithmetic3A_224, %parallel_loop3A_1001 : vector<16xi32>
        %parallel_loop3A_1003 = arith.constant 16 : i32
        %parallel_loop3A_1004 = vector.broadcast %parallel_loop3A_1003 : i32 to vector<16xi32>
        %parallel_loop3A_1005 = arith.addi %shift_right_arithmetic3A_224, %parallel_loop3A_1004 : vector<16xi32>
        %parallel_loop3A_1006 = arith.select %parallel_loop3A_1002, %parallel_loop3A_1005, %shift_right_arithmetic3A_224 : vector<16xi1>, vector<16xi32>
        %parallel_loop3A_1007 = vector.shape_cast %parallel_loop3A_1006 : vector<16xi32> to vector<16x1xi32>
        %parallel_loop3A_1008 = vector.shape_cast %parallel_loop3A_1007 : vector<16x1xi32> to vector<16xi32>
        %parallel_loop3A_1009 = tpu.dynamic_gather %parallel_loop3A_658[%parallel_loop3A_1008] in [0] : vector<16xf32>, vector<16xi32> -> vector<16xf32>
        %parallel_loop3A_1010 = arith.mulf %select_n3A_248, %parallel_loop3A_999 : vector<16xf32>
        %parallel_loop3A_1011 = arith.mulf %select_n3A_253, %parallel_loop3A_1009 : vector<16xf32>
        %parallel_loop3A_1012 = arith.addf %parallel_loop3A_1010, %parallel_loop3A_1011 : vector<16xf32>
        %parallel_loop3A_1013 = arith.index_cast %parallel_loop3A_555 : i32 to index
        %parallel_loop3A_1014 = arith.constant 192 : index
        %parallel_loop3A_1015 = tpu.vector_load %arg10[%parallel_loop3A_1013, %parallel_loop3A_1014] {strides = array<i32>} : memref<96x224xf32, #tpu.memory_space<vmem>>, vector<16xf32>,
        tpu.vector_store %arg10[%parallel_loop3A_1013, %parallel_loop3A_1014], %parallel_loop3A_1012 {strides = array<i32>} : memref<96x224xf32, #tpu.memory_space<vmem>>, vector<16xf32>,
        %parallel_loop3A_1016 = arith.constant 0 : i32
        %parallel_loop3A_1017 = vector.broadcast %parallel_loop3A_1016 : i32 to vector<16xi32>
        %parallel_loop3A_1018 = arith.cmpi slt, %select_n3A_316, %parallel_loop3A_1017 : vector<16xi32>
        %parallel_loop3A_1019 = arith.constant 16 : i32
        %parallel_loop3A_1020 = vector.broadcast %parallel_loop3A_1019 : i32 to vector<16xi32>
        %parallel_loop3A_1021 = arith.addi %select_n3A_316, %parallel_loop3A_1020 : vector<16xi32>
        %parallel_loop3A_1022 = arith.select %parallel_loop3A_1018, %parallel_loop3A_1021, %select_n3A_316 : vector<16xi1>, vector<16xi32>
        %parallel_loop3A_1023 = vector.shape_cast %parallel_loop3A_1022 : vector<16xi32> to vector<16x1xi32>
        %parallel_loop3A_1024 = vector.shape_cast %parallel_loop3A_1023 : vector<16x1xi32> to vector<16xi32>
        %parallel_loop3A_1025 = tpu.dynamic_gather %parallel_loop3A_658[%parallel_loop3A_1024] in [0] : vector<16xf32>, vector<16xi32> -> vector<16xf32>
        %parallel_loop3A_1026 = arith.constant 0 : i32
        %parallel_loop3A_1027 = vector.broadcast %parallel_loop3A_1026 : i32 to vector<16xi32>
        %parallel_loop3A_1028 = arith.cmpi slt, %min3A_238, %parallel_loop3A_1027 : vector<16xi32>
        %parallel_loop3A_1029 = arith.constant 16 : i32
        %parallel_loop3A_1030 = vector.broadcast %parallel_loop3A_1029 : i32 to vector<16xi32>
        %parallel_loop3A_1031 = arith.addi %min3A_238, %parallel_loop3A_1030 : vector<16xi32>
        %parallel_loop3A_1032 = arith.select %parallel_loop3A_1028, %parallel_loop3A_1031, %min3A_238 : vector<16xi1>, vector<16xi32>
        %parallel_loop3A_1033 = vector.shape_cast %parallel_loop3A_1032 : vector<16xi32> to vector<16x1xi32>
        %parallel_loop3A_1034 = vector.shape_cast %parallel_loop3A_1033 : vector<16x1xi32> to vector<16xi32>
        %parallel_loop3A_1035 = tpu.dynamic_gather %parallel_loop3A_658[%parallel_loop3A_1034] in [0] : vector<16xf32>, vector<16xi32> -> vector<16xf32>
        %parallel_loop3A_1036 = arith.mulf %select_n3A_310, %parallel_loop3A_1025 : vector<16xf32>
        %parallel_loop3A_1037 = arith.mulf %select_n3A_313, %parallel_loop3A_1035 : vector<16xf32>
        %parallel_loop3A_1038 = arith.addf %parallel_loop3A_1036, %parallel_loop3A_1037 : vector<16xf32>
        %parallel_loop3A_1039 = arith.index_cast %parallel_loop3A_555 : i32 to index
        %parallel_loop3A_1040 = arith.constant 208 : index
        %parallel_loop3A_1041 = tpu.vector_load %arg10[%parallel_loop3A_1039, %parallel_loop3A_1040] {strides = array<i32>} : memref<96x224xf32, #tpu.memory_space<vmem>>, vector<16xf32>,
        tpu.vector_store %arg10[%parallel_loop3A_1039, %parallel_loop3A_1040], %parallel_loop3A_1038 {strides = array<i32>} : memref<96x224xf32, #tpu.memory_space<vmem>>, vector<16xf32>,
      } {sc.loop_unroll_factor = 2 : i64, sc.parallel_access}
      %dma_start3A_542 = arith.constant 0 : i32
      %dma_start3A_543 = arith.constant 0 : i32
      %dma_start3A_544 = tpu.memref_slice %arg3[%select_n3A, %add3A_448, %dma_start3A_542, %dma_start3A_543] : memref<4x224x96x224xf32, #tpu.memory_space<hbm>> -> memref<1x1x96x224xf32, #tpu.memory_space<hbm>>
      %dma_start3A_545 = tpu.memref_squeeze %dma_start3A_544 : memref<1x1x96x224xf32, #tpu.memory_space<hbm>> -> memref<96x224xf32, #tpu.memory_space<hbm>>
      %dma_start3A_546 = arith.constant 0 : i32
      %dma_start3A_547 = arith.constant 0 : i32
      %dma_start3A_548 = tpu.memref_slice %arg3[%select_n3A, %add3A_448, %dma_start3A_546, %dma_start3A_547] : memref<4x224x96x224xf32, #tpu.memory_space<hbm>> -> memref<1x1x96x224xf32, #tpu.memory_space<hbm>>
      %dma_start3A_549 = tpu.memref_squeeze %dma_start3A_548 : memref<1x1x96x224xf32, #tpu.memory_space<hbm>> -> memref<96x224xf32, #tpu.memory_space<hbm>>
      tpu.enqueue_dma source(%arg10 : memref<96x224xf32, #tpu.memory_space<vmem>>) target(%dma_start3A_549 : memref<96x224xf32, #tpu.memory_space<hbm>>) target_semaphore(%arg14 : memref<!tpu.dma_semaphore, #tpu.memory_space<semaphore_mem>>)
      %lt3A_550 = arith.constant 13 : i32
      %lt3A_551 = arith.cmpi slt, %scan3A_341, %lt3A_550 : i32
      %convert_element_type3A_552 = arith.extui %lt3A_551 : i1 to i32
      %cond3A_553 = arith.constant 0 : i32
      %cond3A_554 = arith.cmpi ne, %convert_element_type3A_552, %cond3A_553 : i32
      scf.if %cond3A_554 {
        %add3A_555 = arith.constant 2 : i32
        %add3A_556 = arith.addi %add3A_448, %add3A_555 : i32
        %and3A_557 = arith.constant 1 : i32
        %and3A_558 = arith.andi %add3A_556, %and3A_557 : i32
        %shift_right_arithmetic3A_559 = arith.constant 1 : i32
        %shift_right_arithmetic3A_560 = arith.shrsi %add3A_556, %shift_right_arithmetic3A_559 : i32
        %sub3A_561 = arith.constant 1 : i32
        %sub3A_562 = arith.subi %shift_right_arithmetic3A_560, %sub3A_561 : i32
        %add3A_563 = arith.addi %sub3A_562, %and3A_558 : i32
        %eq3A_564 = arith.constant 1 : i32
        %eq3A_565 = arith.cmpi eq, %and3A_558, %eq3A_564 : i32
        %jit3A_566 = arith.constant 7.500000e-01 : f32
        %jit3A_567 = arith.constant 2.500000e-01 : f32
        %select_n3A_568 = arith.select %eq3A_565, %jit3A_566, %jit3A_567 : f32
        %eq3A_569 = arith.constant 1 : i32
        %eq3A_570 = arith.cmpi eq, %and3A_558, %eq3A_569 : i32
        %jit3A_571 = arith.constant 2.500000e-01 : f32
        %jit3A_572 = arith.constant 7.500000e-01 : f32
        %select_n3A_573 = arith.select %eq3A_570, %jit3A_571, %jit3A_572 : f32
        %eq3A_574 = arith.constant 0 : i32
        %eq3A_575 = arith.cmpi eq, %add3A_556, %eq3A_574 : i32
        %jit3A_576 = arith.constant 0 : i32
        %select_n3A_577 = arith.select %eq3A_575, %jit3A_576, %add3A_563 : i32
        %jit3A_578 = arith.constant 0.333333343 : f32
        %select_n3A_579 = arith.select %eq3A_575, %jit3A_578, %select_n3A_568 : f32
        %jit3A_580 = arith.constant 0.000000e+00 : f32
        %select_n3A_581 = arith.select %eq3A_575, %jit3A_580, %select_n3A_573 : f32
        %eq3A_582 = arith.constant 1 : i32
        %eq3A_583 = arith.cmpi eq, %add3A_556, %eq3A_582 : i32
        %jit3A_584 = arith.constant 0 : i32
        %select_n3A_585 = arith.select %eq3A_583, %jit3A_584, %select_n3A_577 : i32
        %jit3A_586 = arith.constant 1.000000e+00 : f32
        %select_n3A_587 = arith.select %eq3A_583, %jit3A_586, %select_n3A_579 : f32
        %jit3A_588 = arith.constant 0.000000e+00 : f32
        %select_n3A_589 = arith.select %eq3A_583, %jit3A_588, %select_n3A_581 : f32
        %eq3A_590 = arith.constant 2 : i32
        %eq3A_591 = arith.cmpi eq, %add3A_556, %eq3A_590 : i32
        %jit3A_592 = arith.constant 0 : i32
        %select_n3A_593 = arith.select %eq3A_591, %jit3A_592, %select_n3A_585 : i32
        %jit3A_594 = arith.constant 0.333333343 : f32
        %select_n3A_595 = arith.select %eq3A_591, %jit3A_594, %select_n3A_587 : f32
        %jit3A_596 = arith.constant 0.666666686 : f32
        %select_n3A_597 = arith.select %eq3A_591, %jit3A_596, %select_n3A_589 : f32
        %eq3A_598 = arith.constant 221 : i32
        %eq3A_599 = arith.cmpi eq, %add3A_556, %eq3A_598 : i32
        %jit3A_600 = arith.constant 110 : i32
        %select_n3A_601 = arith.select %eq3A_599, %jit3A_600, %select_n3A_593 : i32
        %jit3A_602 = arith.constant 0.666666686 : f32
        %select_n3A_603 = arith.select %eq3A_599, %jit3A_602, %select_n3A_595 : f32
        %jit3A_604 = arith.constant 0.333333343 : f32
        %select_n3A_605 = arith.select %eq3A_599, %jit3A_604, %select_n3A_597 : f32
        %eq3A_606 = arith.constant 222 : i32
        %eq3A_607 = arith.cmpi eq, %add3A_556, %eq3A_606 : i32
        %jit3A_608 = arith.constant 110 : i32
        %select_n3A_609 = arith.select %eq3A_607, %jit3A_608, %select_n3A_601 : i32
        %jit3A_610 = arith.constant 0.000000e+00 : f32
        %select_n3A_611 = arith.select %eq3A_607, %jit3A_610, %select_n3A_603 : f32
        %jit3A_612 = arith.constant 1.000000e+00 : f32
        %select_n3A_613 = arith.select %eq3A_607, %jit3A_612, %select_n3A_605 : f32
        %eq3A_614 = arith.constant 223 : i32
        %eq3A_615 = arith.cmpi eq, %add3A_556, %eq3A_614 : i32
        %jit3A_616 = arith.constant 110 : i32
        %select_n3A_617 = arith.select %eq3A_615, %jit3A_616, %select_n3A_609 : i32
        %jit3A_618 = arith.constant 0.000000e+00 : f32
        %select_n3A_619 = arith.select %eq3A_615, %jit3A_618, %select_n3A_611 : f32
        %jit3A_620 = arith.constant 0.333333343 : f32
        %select_n3A_621 = arith.select %eq3A_615, %jit3A_620, %select_n3A_613 : f32
        %dma_start3A_622 = arith.constant 0 : i32
        %dma_start3A_623 = arith.constant 0 : i32
        %dma_start3A_624 = tpu.memref_slice %arg2[%select_n3A, %select_n3A_617, %dma_start3A_622, %dma_start3A_623] : memref<4x112x96x112xf32, #tpu.memory_space<hbm>> -> memref<1x1x96x112xf32, #tpu.memory_space<hbm>>
        %dma_start3A_625 = tpu.memref_squeeze %dma_start3A_624 : memref<1x1x96x112xf32, #tpu.memory_space<hbm>> -> memref<96x112xf32, #tpu.memory_space<hbm>>
        %dma_start3A_626 = arith.constant 0 : i32
        %dma_start3A_627 = arith.constant 0 : i32
        %dma_start3A_628 = tpu.memref_slice %arg2[%select_n3A, %select_n3A_617, %dma_start3A_626, %dma_start3A_627] : memref<4x112x96x112xf32, #tpu.memory_space<hbm>> -> memref<1x1x96x112xf32, #tpu.memory_space<hbm>>
        %dma_start3A_629 = tpu.memref_squeeze %dma_start3A_628 : memref<1x1x96x112xf32, #tpu.memory_space<hbm>> -> memref<96x112xf32, #tpu.memory_space<hbm>>
        tpu.enqueue_dma source(%dma_start3A_629 : memref<96x112xf32, #tpu.memory_space<hbm>>) target(%arg6 : memref<96x112xf32, #tpu.memory_space<vmem>>) target_semaphore(%arg12 : memref<!tpu.dma_semaphore, #tpu.memory_space<semaphore_mem>>)
        %add3A_630 = arith.constant 1 : i32
        %add3A_631 = arith.addi %select_n3A_617, %add3A_630 : i32
        %dma_start3A_632 = arith.constant 0 : i32
        %dma_start3A_633 = arith.constant 0 : i32
        %dma_start3A_634 = tpu.memref_slice %arg2[%select_n3A, %add3A_631, %dma_start3A_632, %dma_start3A_633] : memref<4x112x96x112xf32, #tpu.memory_space<hbm>> -> memref<1x1x96x112xf32, #tpu.memory_space<hbm>>
        %dma_start3A_635 = tpu.memref_squeeze %dma_start3A_634 : memref<1x1x96x112xf32, #tpu.memory_space<hbm>> -> memref<96x112xf32, #tpu.memory_space<hbm>>
        %dma_start3A_636 = arith.constant 0 : i32
        %dma_start3A_637 = arith.constant 0 : i32
        %dma_start3A_638 = tpu.memref_slice %arg2[%select_n3A, %add3A_631, %dma_start3A_636, %dma_start3A_637] : memref<4x112x96x112xf32, #tpu.memory_space<hbm>> -> memref<1x1x96x112xf32, #tpu.memory_space<hbm>>
        %dma_start3A_639 = tpu.memref_squeeze %dma_start3A_638 : memref<1x1x96x112xf32, #tpu.memory_space<hbm>> -> memref<96x112xf32, #tpu.memory_space<hbm>>
        tpu.enqueue_dma source(%dma_start3A_639 : memref<96x112xf32, #tpu.memory_space<hbm>>) target(%arg7 : memref<96x112xf32, #tpu.memory_space<vmem>>) target_semaphore(%arg12 : memref<!tpu.dma_semaphore, #tpu.memory_space<semaphore_mem>>)
      } else {
      }
    }
    %scan3A_321 = arith.constant 14 : i32
    %dma_wait3A = arith.constant 0 : i32
    %dma_wait3A_322 = arith.constant 0 : i32
    %dma_wait3A_323 = arith.constant 0 : i32
    %dma_wait3A_324 = arith.constant 0 : i32
    %dma_wait3A_325 = tpu.memref_slice %arg3[%dma_wait3A, %dma_wait3A_322, %dma_wait3A_323, %dma_wait3A_324] : memref<4x224x96x224xf32, #tpu.memory_space<hbm>> -> memref<1x1x96x224xf32, #tpu.memory_space<hbm>>
    %dma_wait3A_326 = tpu.memref_squeeze %dma_wait3A_325 : memref<1x1x96x224xf32, #tpu.memory_space<hbm>> -> memref<96x224xf32, #tpu.memory_space<hbm>>
    %dma_wait3A_327 = arith.constant 0 : i32
    %dma_wait3A_328 = arith.constant 0 : i32
    %dma_wait3A_329 = tpu.memref_slice %arg3[%dma_wait3A, %dma_wait3A_322, %dma_wait3A_327, %dma_wait3A_328] : memref<4x224x96x224xf32, #tpu.memory_space<hbm>> -> memref<1x1x96x224xf32, #tpu.memory_space<hbm>>
    %dma_wait3A_330 = tpu.memref_squeeze %dma_wait3A_329 : memref<1x1x96x224xf32, #tpu.memory_space<hbm>> -> memref<96x224xf32, #tpu.memory_space<hbm>>
    tpu.wait_dma2 semaphore(%arg13 : memref<!tpu.dma_semaphore, #tpu.memory_space<semaphore_mem>>) src(%arg9 : memref<96x224xf32, #tpu.memory_space<vmem>>) dst(%dma_wait3A_330 : memref<96x224xf32, #tpu.memory_space<hbm>>)
    %dma_wait3A_331 = arith.constant 0 : i32
    %dma_wait3A_332 = arith.constant 1 : i32
    %dma_wait3A_333 = arith.constant 0 : i32
    %dma_wait3A_334 = arith.constant 0 : i32
    %dma_wait3A_335 = tpu.memref_slice %arg3[%dma_wait3A_331, %dma_wait3A_332, %dma_wait3A_333, %dma_wait3A_334] : memref<4x224x96x224xf32, #tpu.memory_space<hbm>> -> memref<1x1x96x224xf32, #tpu.memory_space<hbm>>
    %dma_wait3A_336 = tpu.memref_squeeze %dma_wait3A_335 : memref<1x1x96x224xf32, #tpu.memory_space<hbm>> -> memref<96x224xf32, #tpu.memory_space<hbm>>
    %dma_wait3A_337 = arith.constant 0 : i32
    %dma_wait3A_338 = arith.constant 0 : i32
    %dma_wait3A_339 = tpu.memref_slice %arg3[%dma_wait3A_331, %dma_wait3A_332, %dma_wait3A_337, %dma_wait3A_338] : memref<4x224x96x224xf32, #tpu.memory_space<hbm>> -> memref<1x1x96x224xf32, #tpu.memory_space<hbm>>
    %dma_wait3A_340 = tpu.memref_squeeze %dma_wait3A_339 : memref<1x1x96x224xf32, #tpu.memory_space<hbm>> -> memref<96x224xf32, #tpu.memory_space<hbm>>
    tpu.wait_dma2 semaphore(%arg14 : memref<!tpu.dma_semaphore, #tpu.memory_space<semaphore_mem>>) src(%arg10 : memref<96x224xf32, #tpu.memory_space<vmem>>) dst(%dma_wait3A_340 : memref<96x224xf32, #tpu.memory_space<hbm>>)
    return
  }
}

</mosaic_0001>

<sc_bundles>
// kernel: kernel.3.cloned.1.call-start
scs
__scs_entry_jumppad:
0x0: {  	(pc) =	sbr.rel $0x88, $3  }
0x1: {  	(tag) =	ssettag $0x0;
	lr =	simm.s32 $0x1  }
0x2: {  	[smem:$0x3FA0] =	sst lr;
	_ =	strace $0xD0000000  }
0x3: {  	_ = 	snop  }
0x4: {  	_ = 	snop  }
0x5: {  	_ = 	snop  }
0x6: {  	_ = 	snop  }
0x7: {  	_ = 	snop  }
__scs_overlays_trampoline_lowered:
0x8: {  	[smem:$0x3FAF] =	sst s0  }
0x9: {  	[smem:$0x3FB0] =	sst s1  }
0xa: {  	[smem:$0x3FB1] =	sst s2  }
0xb: {  	[smem:$0x3FB2] =	sst s3  }
0xc: {  	[smem:$0x3FB3] =	sst s4  }
0xd: {  	[smem:$0x3FB4] =	sst s5  }
0xe: {  	[smem:$0x3FB5] =	sst s6  }
0xf: {  	[smem:$0x3FB6] =	sst s7  }
0x10: {  	[smem:$0x3FB7] =	sst s8  }
0x11: {  	[smem:$0x3FB8] =	sst s9;
	s0 =	simm.s32 @!p0 $0x0  }
0x12: {  	s1 =	sld [smem:$0x3F9E];
	s0 =	simm.s32 @p0 $0x1  }
0x13: {  	[smem:$0x3FB9] =	sst s0;
	s0 =	simm.s32 @!p1 $0x0  }
0x14: {  	s2 =	sld [smem:$0x3F9D];
	s0 =	simm.s32 @p1 $0x1  }
0x15: {  	[smem:$0x3FBA] =	sst s0;
	s0 =	simm.s32 @!p2 $0x0  }
0x16: {  	s3 =	sld [smem:$0x3FDB];
	s0 =	simm.s32 @p2 $0x1  }
0x17: {  	s4 =	simm.s32 $0x1BF5;
	[smem:$0x3FBC] =	sst s0  }
0x18: {  	s0 =	sld [smem:$0x3F9F];
	_ =	swait.ge [sflag:s4], $0x0  }
0x19: {  	s7 =	sld [smem:$0x3FA0]  }
0x1a: {  	s8 =	sadd.s32 $0xFFFFE003, lr  }
0x1b: {  	s9 =	sadd.s32 $0xFFFFFEF7, lr;
	s5 =	simm.s32 $0xFFFFFFFF;
	p2 =	slt.u32 s8, $0xFFFFF086  }
0x1c: {  	p1 =	slt.u32 s9, $0xF7A;
	s5 =	simm.s32 @!p2 $0x0  }
0x1d: {  	s5 =	simm.s32 @p1 $0x1;
	p0 =	seq.s32 s7, s2  }
0x1e: {  	s7 =	smul.u32 @!p0 $0xF7A, s2;
	p2 =	seq.s32 @!p0 s5, $0x0  }
0x1f: {  	s9 =	smul.u32 $0xF7A, s1;
	s8 =	simm.s32 @!p0 $0x1BF5;
	p2 =	por !p2, p0  }
0x20: {  	[sflag:s8] =	ssyncset.s32 @!p0 $0xFFFFF086;
	s6 =	sadd.s32 @!p0 s3, s7;
	s7 =	simm.s32 @!p0 $0x108  }
0x21: {  	s3 =	sadd.s32 s3, s9;
	s6 =	sadd.s32 @!p0 $0x88, s6;
	s7 =	simm.s32 @p2 $0x1082  }
0x22: {  	[simem:s7], [sflag:s8] =	dma.local @!p0 [hbm:s6], $0xF7A  }
0x23: {  	s9 =	sor.u32 $0xD0000000, s2;
	s6 =	simm.s32 $0x108;
	_ =	swait.ge @!p0 [sflag:s8], $0x0  }
0x24: {  	s3 =	sadd.s32 $0x88, s3;
	s6 =	simm.s32 @!p1 $0x1082;
	[sflag:s4] =	ssyncset.s32 $0xFFFFF086  }
0x25: {  	[simem:s6], [sflag:s4] =	dma.local [hbm:s3], $0xF7A  }
0x26: {  	[smem:$0x3FA0] =	sst s1;
	(tag) =	ssettag s2;
	_ =	strace s9  }
0x27: {  	s1 =	sld [smem:$0x3FB0]  }
0x28: {  	s2 =	sld [smem:$0x3FB1]  }
0x29: {  	s4 =	sld [smem:$0x3FB3]  }
0x2a: {  	p0 =	seq.s32 s5, $0x0;
	s5 =	sld [smem:$0x3FB4]  }
0x2b: {  	s6 =	sld [smem:$0x3FB5]  }
0x2c: {  	s7 =	sld [smem:$0x3FB6]  }
0x2d: {  	s3 =	simm.s32 $0x108;
	s8 =	sld [smem:$0x3FB7]  }
0x2e: {  	s3 =	simm.s32 @!p0 $0x1082;
	s9 =	sld [smem:$0x3FB8]  }
0x2f: {  	lr =	sadd.s32 s0, s3;
	s0 =	sld [smem:$0x3FAF]  }
0x30: {  	s3 =	sld [smem:$0x3FB2]  }
0x31: {  	[smem:$0x3FBB] =	sst s10  }
0x32: {  	s10 =	sld [smem:$0x3FB9];
	_ =	sdelay $0x3  }
0x33: {  	p0 =	seq.s32 s10, $0x1;
	s10 =	sld [smem:$0x3FBB];
	_ =	sdelay $0x3  }
0x34: {  	[smem:$0x3FBB] =	sst s10  }
0x35: {  	s10 =	sld [smem:$0x3FBA];
	_ =	sdelay $0x3  }
0x36: {  	p1 =	seq.s32 s10, $0x1;
	s10 =	sld [smem:$0x3FBB];
	_ =	sdelay $0x3  }
0x37: {  	[smem:$0x3FBB] =	sst s10  }
0x38: {  	s10 =	sld [smem:$0x3FBC]  }
0x39: {  	_ = 	snop;
	(pc) =	sbr.ind lr, $3  }
0x3a: {  	_ = 	snop  }
0x3b: {  	_ = 	snop  }
0x3c: {  	p2 =	seq.s32 s10, $0x1;
	s10 =	sld [smem:$0x3FBB]  }
0x3d: {  	_ =	shalt  }
0x3e: {  	_ =	shalt  }
0x3f: {  	_ =	shalt  }
0x40: {  	_ =	shalt  }
0x41: {  	_ =	shalt  }
0x42: {  	_ =	shalt  }
0x43: {  	_ =	shalt  }
0x44: {  	_ =	shalt  }
0x45: {  	_ =	shalt  }
0x46: {  	_ =	shalt  }
0x47: {  	_ =	shalt  }
0x48: {  	_ =	shalt  }
0x49: {  	_ =	shalt  }
0x4a: {  	_ =	shalt  }
0x4b: {  	_ =	shalt  }
0x4c: {  	_ =	shalt  }
0x4d: {  	_ =	shalt  }
0x4e: {  	_ =	shalt  }
0x4f: {  	_ =	shalt  }
0x50: {  	_ =	shalt  }
0x51: {  	_ =	shalt  }
0x52: {  	_ =	shalt  }
0x53: {  	_ =	shalt  }
0x54: {  	_ =	shalt  }
0x55: {  	_ =	shalt  }
0x56: {  	_ =	shalt  }
0x57: {  	_ =	shalt  }
0x58: {  	_ =	shalt  }
0x59: {  	_ =	shalt  }
0x5a: {  	_ =	shalt  }
0x5b: {  	_ =	shalt  }
0x5c: {  	_ =	shalt  }
0x5d: {  	_ =	shalt  }
0x5e: {  	_ =	shalt  }
0x5f: {  	_ =	shalt  }
0x60: {  	_ =	shalt  }
0x61: {  	_ =	shalt  }
0x62: {  	_ =	shalt  }
0x63: {  	_ =	shalt  }
0x64: {  	_ =	shalt  }
0x65: {  	_ =	shalt  }
0x66: {  	_ =	shalt  }
0x67: {  	_ =	shalt  }
0x68: {  	_ =	shalt  }
0x69: {  	_ =	shalt  }
0x6a: {  	_ =	shalt  }
0x6b: {  	_ =	shalt  }
0x6c: {  	_ =	shalt  }
0x6d: {  	_ =	shalt  }
0x6e: {  	_ =	shalt  }
0x6f: {  	_ =	shalt  }
0x70: {  	_ =	shalt  }
0x71: {  	_ =	shalt  }
0x72: {  	_ =	shalt  }
0x73: {  	_ =	shalt  }
0x74: {  	_ =	shalt  }
0x75: {  	_ =	shalt  }
0x76: {  	_ =	shalt  }
0x77: {  	_ =	shalt  }
0x78: {  	_ =	shalt  }
0x79: {  	_ =	shalt  }
0x7a: {  	_ =	shalt  }
0x7b: {  	_ =	shalt  }
0x7c: {  	_ =	shalt  }
0x7d: {  	_ =	shalt  }
0x7e: {  	_ =	shalt  }
0x7f: {  	_ =	shalt  }
0x80: {  	_ =	shalt  }
0x81: {  	_ =	shalt  }
0x82: {  	_ =	shalt  }
0x83: {  	_ =	shalt  }
0x84: {  	_ =	shalt  }
0x85: {  	_ =	shalt  }
0x86: {  	_ =	shalt  }
0x87: {  	_ =	shalt  }
.Lfunc_end0:
.L_simem_size_0:
called_computation_lowered:
.L_overlay_start_0:
0x88: {  	s2 =	sld [smem:$0x3FD9]  }
0x89: {  	s3 =	sld [smem:$0x3FFE];
	_ =	sdelay $0x1  }
0x8a: {  	s1 =	srdreg.scid  }
0x8b: {  	s0 =	sand.u32 $0x1, s1  }
0x8c: {  	s18 =	sshll.u32 s0, $0xA;
	s2 =	sadd.s32 s3, s2  }
0x8d: {  	s2 =	sadd.s32 s2, s18  }
0x8e: {  	[smem:$0x3FC7] =	sst s2  }
0x8f: {  	_ = 	snop  }
0x90: {  	s2 =	sld [smem:$0x3FC9]  }
0x91: {  	s19 =	sld [smem:$0x3FD0];
	(tm) =	ssettm $0x1  }
0x92: {  	s4 =	sld [smem:$0x3FFB];
	_ =	sdelay $0x3  }
0x93: {  	_ =	strace s4  }
0x94: {  	s4 =	sld [smem:$0x3FFC];
	_ =	sdelay $0x3  }
0x95: {  	_ =	strace s4  }
0x96: {  	s4 =	sld [smem:$0x3FFD];
	_ =	sdelay $0x3  }
0x97: {  	_ =	strace s4  }
0x98: {  	_ =	strace $0x8FFFFFFF  }
0x99: {  	s20 =	sld [smem:$0x3FDB];
	_ =	sdelay $0x1  }
0x9a: {  	s5 =	simm.s32 $_scs_section_size  }
0x9b: {  	s6 =	simm.s32 $_size__tile_overlayer_lowered;
	s7 =	simm.s32 $_tile_overlayer_lowered  }
0x9c: {  	s23 =	simm.s32 $0x1BFF;
	s22 =	sshll.u32 s7, $0x1;
	s4 =	sadd.s32 s5, s20  }
0x9d: {  	s8 =	simm.s32 $0x0;
	s21 =	sshll.u32 s6, $0x1;
	s6 =	sadd.s32 s22, s4  }
0x9e: {  	[timem:s8], [sflag:s23] =	dma.local [hbm:s6], s21  }
0x9f: {  	_ =	swait.ge [sflag:s23], s21  }
0xa0: {  	s5 =	ssub.s32 $0x0, s21;
	[sflag:s23] =	ssyncset.done $0x0  }
0xa1: {  	[sflag:s23] =	ssyncadd.s32 s5;
	_ =	sdelay $0x1  }
0xa2: {  	s24 =	simm.s32 $0x1B8B  }
0xa3: {  	_ =	swait.ge [sflag:s24], $0x1  }
0xa4: {  	[sflag:s24] =	ssyncset.done $0x0  }
0xa5: {  	s25 =	simm.s32 $0x1B8E;
	[sflag:s24] =	ssyncadd.s32 $0xFFFFFFFF  }
0xa6: {  	s26 =	simm.s32 $execute0_lowered;
	[smem:$0x3FD2] =	sst s25  }
0xa7: {  	s5 =	sshll.u32 s26, $0x1;
	_ =	strace $0x80000046;
	[dreg:$0x1] =	wrdreg $0xFFFFFFFF  }
0xa8: {  	s28 =	simm.s32 $_size_execute0_lowered;
	s4 =	sadd.s32 s4, s5;
	[dreg:$0x0] =	wrdreg $0x0  }
0xa9: {  	s5 =	sshll.u32 s28, $0x1;
	[dreg:$0x2] =	wrdreg s4  }
0xaa: {  	[dreg:$0x3] =	wrdreg s5  }
0xab: {  	[dreg:$0x4] =	wrdreg $0xC0  }
0xac: {  	_ =	task [dreg:s8], $0x5FFFF  }
0xad: {  	[dreg:$0x1] =	wrdreg $0xFFFFFFFF  }
0xae: {  	[dreg:$0x0] =	wrdreg $0x60  }
0xaf: {  	[dreg:$0x2] =	wrdreg s2  }
0xb0: {  	[dreg:$0x3] =	wrdreg s19  }
0xb1: {  	[dreg:$0x4] =	wrdreg $0x9  }
0xb2: {  	_ =	task.clear_ibuf [dreg:s8], $0x5FFFF;
	_ =	strace $0x90000046  }
0xb3: {  	s29 =	simm.s32 $0x9;
	_ =	strace $0x80000048  }
0xb4: {  	_ =	swait.ge [sflag:s29], $0x1  }
0xb5: {  	[sflag:s29] =	ssyncadd.s32 $0xFFFFFFFF  }
0xb6: {  	_ =	strace $0x90000048  }
0xb7: {  	_ =	sfence  }
0xb8: {  	s30 =	sld [smem:$0x0];
	_ =	sdelay $0x2  }
0xb9: {  	s31 =	sshll.u32 s1, $0xD;
	s1 =	sshrl.u32 s1, $0x2  }
0xba: {  	s3 =	sand.u32 $0x4000, s31;
	s1 =	sadd.s32 s1, s30  }
0xbb: {  	s0 =	sor.u32 s3, s0;
	s1 =	sshll.u32 s1, $0x11  }
0xbc: {  	s0 =	sor.u32 s1, s0  }
0xbd: {  	s0 =	sadd.s32 $0x8F2B, s0  }
0xbe: {  	[sflag:s0] =	ssyncadd.remote.s32 $0x1  }
0xbf: {  	_ =	sfence.sel $0xFFFF  }
0xc0: {  	[dreg:$0x0] =	wrdreg $0xFFFFFFFF;
	(pc) =	sbr.abs _section_cstart, $3  }
0xc1: {  	[dreg:$0x1] =	wrdreg $0xFFFFFFFF  }
0xc2: {  	_ =	task.clear_ibuf [dreg:s8], $0x2FFFF;
	_ =	strace $0x9FFFFFFF  }
0xc3: {  	(tm) =	ssettm $0x7FFFFFFF  }
tec
execute0_lowered:
.L_overlay_start_1:
0x0: {  	(tag) =	ssettag $0x1  }
0x1: {  	v0 =	vimm.s32 $0xBAA99887;
	vm7 =	vcmask $0x300  }
0x2: {  	v1 =	vimm.f32 $7.500000000e-01;
	vm6 =	vcmask $0x704;
	v3 =	vimm.s32 $0xCBBAA998  }
0x3: {  	vm5 =	vcmask $0xB08;
	vm4 =	vcmask $0x1310;
	vm3 =	vcmask $0x1B18  }
0x4: {  	vm2 =	vcmask $0x2320;
	vm1 =	vcmask $0x2B28;
	vm0 =	vcmask $0x3330  }
0x5: {  	vm8 =	vcmask $0x1F00;
	vm10 =	vcmask $0x700;
	v18 =	vimm.f32 $2.500000000e-01  }
0x6: {  	vm11 =	vcmask $0x3B20;
	v5 =	vimm.s32 $0x1D1C1C1B;
	v6 =	vimm.s32 $0x1F1E1E1D  }
0x7: {  	v7 =	vimm.s32 $0x19181817;
	vm9 =	vcmask $0x1F10;
	v8 =	vimm.s32 $0x1B1A1A19  }
0x8: {  	v9 =	vimm.s32 $0x1E1D1D1C;
	v10 =	vimm.s32 $0x201F1F1E;
	v11 =	vimm.s32 $0x29282827  }
0x9: {  	v12 =	vimm.s32 $0x2B2A2A29;
	v13 =	vimm.s32 $0x302F2F2E;
	v15 =	vimm.s32 $0x3D3C3C3B  }
0xa: {  	v17 =	vimm.s32 $0x39383837;
	v19 =	vimm.s32 $0x3B3A3A39;
	v22 =	vimm.s32 $0x4F4E4E4D  }
0xb: {  	v23 =	vimm.s32 $0x49484847;
	v24 =	vimm.s32 $0x4B4A4A49;
	v25 =	vimm.s32 $0x4E4D4D4C  }
0xc: {  	v26 =	vimm.s32 $0x504F4F4E;
	vm12 =	vcmask $0x2F20;
	vm13 =	vcmask $0x2724  }
0xd: {  	vm14 =	vcmask $0x2F2C;
	vm15 =	vcmask $0x3734;
	v58 =	vimm.s32 $0xFEEDDCCB  }
0xe: {  	v59 =	vimm.s32 $0x87766554;
	v60 =	vimm.s32 $0x76655443;
	v29 =	vimm.s32 $0x32211000  }
0xf: {  	v30 =	vimm.s32 $0x43322110;
	v0 =	vunpack.c.l.s4.s8 v0;
	v4 =	vunpack.c.l.s4.s8 v3  }
0x10: {  	v5 =	vunpack.c.0.s8.s32 v5;
	v6 =	vunpack.c.0.s8.s32 v6;
	v7 =	vunpack.c.0.s8.s32 v7  }
0x11: {  	v8 =	vunpack.c.0.s8.s32 v8;
	v9 =	vunpack.c.0.s8.s32 v9;
	v10 =	vunpack.c.0.s8.s32 v10  }
0x12: {  	v21 =	vsel vm10, $0x0, v18;
	v11 =	vunpack.c.0.s8.s32 v11;
	v12 =	vunpack.c.0.s8.s32 v12  }
0x13: {  	v15 =	vunpack.c.0.s8.s32 v15;
	v17 =	vunpack.c.0.s8.s32 v17;
	v19 =	vunpack.c.0.s8.s32 v19  }
0x14: {  	v22 =	vunpack.c.0.s8.s32 v22;
	v23 =	vunpack.c.0.s8.s32 v23;
	v24 =	vunpack.c.0.s8.s32 v24  }
0x15: {  	v25 =	vunpack.c.0.s8.s32 v25;
	v26 =	vunpack.c.0.s8.s32 v26;
	vm10 =	vcmask $0x1714  }
0x16: {  	v18 =	vsel vm7, $0x3F400000, v18;
	v29 =	vunpack.c.l.s4.s8 v29;
	v30 =	vunpack.c.l.s4.s8 v30  }
0x17: {  	v21 =	vsel vm5, $0x3F2AAAAB, v21;
	v18 =	vsel vm5, $0x3F400000, v18;
	v2 =	vunpack.c.0.s8.s32 v0  }
0x18: {  	v0 =	vsel vm7, $0x3EAAAAAB, v1;
	v4 =	vunpack.c.0.s8.s32 v4;
	v1 =	vsel vm7, $0x3E800000, v1  }
0x19: {  	v21 =	vsel vm4, $0x3F400000, v21;
	v18 =	vsel vm4, $0x3F400000, v18;
	v0 =	vsel vm6, $0x3F800000, v0  }
0x1a: {  	v61 =	vunpack.c.0.s8.s32 v29;
	v3 =	vsel vm5, $0x3EAAAAAB, v0;
	v0 =	vimm.s32 $0xFFEEDDC  }
0x1b: {  	v62 =	vunpack.c.0.s8.s32 v30;
	v57 =	vsel vm5, $0x3E800000, v1;
	v0 =	vunpack.c.l.s4.s8 v0  }
0x1c: {  	v21 =	vsel vm3, $0x3F400000, v21;
	v18 =	vsel vm3, $0x3F400000, v18;
	v14 =	vand.u32 $0xF, v4  }
0x1d: {  	v21 =	vsel vm2, $0x3F400000, v21;
	v18 =	vsel vm2, $0x3F400000, v18;
	v0 =	vunpack.c.0.s8.s32 v0  }
0x1e: {  	v4 =	vnsel vm8, $0x10, v14;
	v14 =	vnsel vm8, $0xF, v14;
	v3 =	vsel vm4, $0x3E800000, v3  }
0x1f: {  	v18 =	vsel vm1, $0x3F400000, v18;
	v3 =	vsel vm3, $0x3E800000, v3;
	v0 =	vand.u32 $0xF, v0  }
0x20: {  	v0 =	vsel vm11, v0, v4;
	v4 =	vsel vm9, v6, v5;
	v5 =	vsel vm9, v8, v7  }
0x21: {  	v6 =	vsel vm9, v10, v9;
	v7 =	vimm.s32 $0x1A191918;
	v8 =	vimm.s32 $0x1C1B1B1A  }
0x22: {  	v9 =	vimm.s32 $0x2D2C2C2B;
	v10 =	vimm.s32 $0x2F2E2E2D;
	v7 =	vunpack.c.0.s8.s32 v7  }
0x23: {  	v8 =	vunpack.c.0.s8.s32 v8;
	v9 =	vunpack.c.0.s8.s32 v9;
	v10 =	vunpack.c.0.s8.s32 v10  }
0x24: {  	v63 =	vsel vm2, $0x3E800000, v3;
	vm11 =	vcmask $0xF0C;
	v4 =	vcombine.low v5, v4  }
0x25: {  	v8 =	vsel vm9, v8, v7;
	v7 =	vsel vm9, v10, v9;
	v10 =	vimm.s32 $0x2E2D2D2C  }
0x26: {  	v9 =	vsel vm9, v12, v11;
	v11 =	vunpack.c.0.s8.s32 v13;
	v12 =	vimm.s32 $0x2A292928  }
0x27: {  	v13 =	vimm.s32 $0x2C2B2B2A;
	v10 =	vunpack.c.0.s8.s32 v10;
	v16 =	vunpack.c.0.s8.s32 v12  }
0x28: {  	v13 =	vunpack.c.0.s8.s32 v13;
	v12 =	vimm.s32 $0x3F3E3E3D;
	v5 =	vcombine.low v8, v6  }
0x29: {  	v6 =	vcombine.low v9, v7;
	v20 =	vunpack.c.0.s8.s32 v12;
	v12 =	vsel vm9, v11, v10  }
0x2a: {  	v13 =	vsel vm9, v13, v16;
	v16 =	vimm.s32 $0x3E3D3D3C;
	v11 =	vsel vm9, v19, v17  }
0x2b: {  	v17 =	vimm.s32 $0x3A393938;
	v19 =	vimm.s32 $0x3C3B3B3A;
	v10 =	vsel vm9, v20, v15  }
0x2c: {  	v15 =	vunpack.c.0.s8.s32 v16;
	v16 =	vimm.s32 $0x403F3F3E;
	v17 =	vunpack.c.0.s8.s32 v17  }
0x2d: {  	v19 =	vunpack.c.0.s8.s32 v19;
	v20 =	vimm.s32 $0x4D4C4C4B;
	v7 =	vcombine.low v13, v12  }
0x2e: {  	v12 =	vsel vm1, $0x3E800000, v63;
	v16 =	vunpack.c.0.s8.s32 v16;
	v20 =	vunpack.c.0.s8.s32 v20  }
0x2f: {  	v13 =	vsel vm1, $0x3F400000, v21;
	v8 =	vcombine.low v11, v10;
	v28 =	vsel vm9, v19, v17  }
0x30: {  	v17 =	vimm.s32 $0x4A494948;
	v27 =	vsel vm9, v16, v15;
	v15 =	vsel vm9, v22, v20  }
0x31: {  	v16 =	vsel vm9, v24, v23;
	v17 =	vunpack.c.0.s8.s32 v17;
	v22 =	vimm.f32 $0.0e+00  }
0x32: {  	v20 =	vimm.s32 $0x4C4B4B4A;
	v23 =	vimm.s32 $0xE0D0D0C;
	v22 =	vsel vm7, $0x3E800000, v22  }
0x33: {  	v20 =	vunpack.c.0.s8.s32 v20;
	v23 =	vunpack.c.0.s8.s32 v23;
	v22 =	vsel vm6, $0x3F400000, v22  }
0x34: {  	v11 =	vsel vm0, $0x3E800000, v12;
	v12 =	vsel vm0, $0x3F400000, v13;
	v22 =	vsel vm5, $0x3E800000, v22  }
0x35: {  	v20 =	vsel vm9, v20, v17;
	v17 =	vsel vm12, v23, v14;
	v14 =	vsel vm11, $0x3F400000, v22  }
0x36: {  	v19 =	vsel vm9, v26, v25;
	v25 =	vunpack.c.l.s4.s8 v59;
	v14 =	vsel vm4, $0x3E800000, v14  }
0x37: {  	v26 =	vunpack.c.l.s4.s8 v60;
	v24 =	vunpack.c.l.s4.s8 v58;
	v14 =	vsel vm10, $0x3F400000, v14  }
0x38: {  	v23 =	vimm.s32 $0xD0C0C0B;
	vm9 =	vcmask $0x1F1C;
	v14 =	vsel vm3, $0x3E800000, v14  }
0x39: {  	s7 =	stileid.u32;
	s2 =	rddreg [dreg:$0x0];
	v22 =	vand.u32 $0xF, v2;
	v23 =	vunpack.c.0.s8.s32 v23;
	v14 =	vsel vm9, $0x3F400000, v14  }
0x3a: {  	s0 =	srdreg.scid;
	s4 =	rddreg [dreg:$0x1];
	s1 =	sshll.u32 s7, $0x1;
	v25 =	vunpack.c.0.s8.s32 v25;
	v22 =	vnsel vm8, $0xE, v22;
	v14 =	vsel vm2, $0x3E800000, v14  }
0x3b: {  	s5 =	simm.s32 $0x0;
	s0 =	sand.u32 $0x1, s0;
	s1 =	sand.u32 $0x6, s1;
	v22 =	vsel vm12, v23, v22;
	v23 =	vimm.f32 $3.333333430e-01;
	v14 =	vsel vm13, $0x3F400000, v14  }
0x3c: {  	s17 =	simm.s32 $0x6000;
	s18 =	simm.s32 $0x9000;
	s3 =	sor.u32 s0, s1;
	v9 =	vcombine.low v28, v27;
	v23 =	vsel vm7, $0x3F400000, v23;
	v14 =	vsel vm1, $0x3E800000, v14  }
0x3d: {  	s19 =	simm.s32 $0x1;
	s20 =	simm.s32 $0xC000;
	s1 =	smul.u32 $0x1C, s3;
	v24 =	vunpack.c.0.s8.s32 v24;
	v1 =	vsel vm14, $0x3F400000, v14;
	v14 =	vsel vm6, $0x3E800000, v23  }
0x3e: {  	s21 =	simm.s32 $0xEA00;
	s22 =	simm.s32 $0x2;
	s23 =	simm.s32 $0x14A00;
	v15 =	vcombine.low v16, v15;
	v16 =	vimm.s32 $0xF;
	v14 =	vsel vm5, $0x3F400000, v14  }
0x3f: {  	[smem:$0x7FF] =	sst s5;
	s0 =	ssub.s32 $0x2, s0;
	s6 =	sshrl.u32 s1, $0x1;
	v25 =	vand.u32 $0xF, v25;
	v24 =	vcombine.low v2, v24;
	v14 =	vsel vm11, $0x3E800000, v14  }
0x40: {  	s9 =	sshrl.u32 s7, $0x2;
	s10 =	sshrl.u32 s0, $0x1;
	s8 =	smul.u32 $0x3000, s6;
	v2 =	vunpack.c.0.s8.s32 v26;
	v3 =	vcombine.low v62, v25;
	v14 =	vsel vm4, $0x3F400000, v14  }
0x41: {  	_ =	strace $0x80000047;
	p0 =	seq.s32 s3, $0x0;
	s0 =	ssub.s32 s0, s10;
	v17 =	vsel vm0, $0xE, v17;
	v19 =	vcombine.low v20, v19;
	v14 =	vsel vm10, $0x3E800000, v14  }
0x42: {  	s0 =	smax.u32 s0, $0x1;
	s6 =	smul.u32 $0x150000, s9;
	s3 =	sadd.s32 $0xFFFFD000, s8;
	v20 =	vimm.s32 $0x0;
	v2 =	vcombine.low v61, v2;
	v14 =	vsel vm3, $0x3F400000, v14  }
0x43: {  	s9 =	smul.u32 $0x540000, s9;
	[dreg:$0x7] =	wrdreg s0;
	s3 =	simm.s32 @p0 $0x0;
	v10 =	vand.u32 $0xF, v24;
	v23 =	vsel vm4, $0x3E800000, v57;
	v14 =	vsel vm9, $0x3E800000, v14  }
0x44: {  	s7 =	sor.u32 $0x3000, s6;
	s29 =	sadd.s32 s6, s8;
	s11 =	sadd.s32 s6, s3;
	v1 =	vsel vm0, $0x3E800000, v1;
	v23 =	vsel vm3, $0x3E800000, v23;
	v14 =	vsel vm2, $0x3F400000, v14  }
0x45: {  	s8 =	sadd.s32 s8, s7;
	s3 =	sadd.s32 s3, s7;
	s28 =	sshrl.u32 s11, $0x3;
	v1 =	vsel vm15, $0x3F2AAAAB, v1;
	v23 =	vsel vm2, $0x3E800000, v23;
	v14 =	vsel vm13, $0x3E800000, v14  }
.Ltmp0:
0x46: {  	s3 =	sshrl.u32 s3, $0x3;
	s10 =	sadd.s32 s2, s28;
	v21 =	vsel vm1, $0x3E800000, v23;
	v14 =	vsel vm1, $0x3F400000, v14;
	vm1 =	vcmask $0x3B38;
	(pc) =	sbr.rel .LBB2_1-.Ltmp0, $4  }
0x47: {  	s31 =	sshrl.u32 s8, $0x3;
	s3 =	sadd.s32 s2, s3;
	[dreg:$0x3] =	wrdreg s10;
	v13 =	vsel vm0, $0x3E800000, v21;
	v23 =	vsel vm14, $0x3E800000, v14;
	v11 =	vsel vm1, $0x3E800000, v11  }
0x48: {  	s10 =	sshrl.u32 s29, $0x3;
	[dreg:$0x4] =	wrdreg s3;
	s3 =	sadd.s32 s2, s31;
	v12 =	vsel vm1, $0x3F400000, v12;
	v14 =	vsel vm0, $0x3F400000, v18;
	v13 =	vsel vm1, $0x3E800000, v13  }
0x49: {  	s13 =	sadd.s32 $0xFFFFD000, s6;
	s30 =	sadd.s32 s2, s10;
	[dreg:$0x6] =	wrdreg s3;
	v18 =	vsel vm0, $0xD, v22;
	v14 =	vsel vm1, $0x3F400000, v14;
	v21 =	vsel vm0, $0x3F400000, v23  }
0x4a: {  	s14 =	sor.u32 $0x6000, s9;
	s8 =	simm.s32 $0x0;
	[dreg:$0x5] =	wrdreg s30;
	vm0 =	vmmov $0x1;
	v21 =	vsel vm1, $0x3F800000, v21;
	vm1 =	vmmov $0x7fff  }
.LBB2_8:
0x4b: {  	s0 =	simm.s32 $0x3  }
0x4c: {  	_ =	swait.ge [sflag:s0], $0x6000  }
0x4d: {  	[sflag:s0] =	ssyncset.done $0x0  }
0x4e: {  	s3 =	simm.s32 $0x4;
	[sflag:s0] =	ssyncadd.s32 $0xFFFFA000  }
0x4f: {  	_ =	swait.ge [sflag:s3], $0x6000  }
0x50: {  	s8 =	rddreg [dreg:$0x8]  }
0x51: {  	s31 =	rddreg [dreg:$0x7];
	s8 =	sadd.s32 $0x1, s8  }
0x52: {  	p0 =	sne.s32 s8, s31  }
.Ltmp1:
0x53: {  	_ = 	snop;
	(pc) =	sbr.rel @!p0 .LBB2_9-.Ltmp1, $3  }
0x54: {  	_ =	sdelay $0x1  }
0x55: {  	[sflag:s3] =	ssyncset.done $0x0  }
0x56: {  	[sflag:s3] =	ssyncadd.s32 $0xFFFFA000  }
.LBB2_1:
0x57: {  	[dreg:$0x8] =	wrdreg s8  }
0x58: {  	s0 =	rddreg [dreg:$0x3]  }
0x59: {  	[tilespmem:s5], [sflag:$0x1] =	stream.linear.gather [hbm4b:s0+s5], $0x3000, $0x38;
	[tilespmem:$0x1AA00] =	vst v63  }
0x5a: {  	s29 =	rddreg [dreg:$0x4];
	s3 =	simm.s32 $0x3000  }
0x5b: {  	[tilespmem:s3], [sflag:$0x1] =	stream.linear.gather [hbm4b:s29+s5], $0x3000, $0x38;
	[tilespmem:$0x1AA00] =	vst v63  }
0x5c: {  	s30 =	rddreg [dreg:$0x5]  }
0x5d: {  	[tilespmem:s17], [sflag:$0x2] =	stream.linear.gather [hbm4b:s30+s5], $0x3000, $0x38;
	[tilespmem:$0x1AA00] =	vst v63  }
0x5e: {  	s31 =	rddreg [dreg:$0x6];
	s28 =	simm.s32 $0x0  }
0x5f: {  	[tilespmem:s18], [sflag:$0x2] =	stream.linear.gather [hbm4b:s31+s5], $0x3000, $0x38;
	[tilespmem:$0x1AA00] =	vst v63  }
.LBB2_2:
0x60: {  	_ =	swait.ge [sflag:s19], $0x3000  }
0x61: {  	[sflag:s19] =	ssyncset.done $0x0  }
0x62: {  	[sflag:s19] =	ssyncadd.s32 $0xFFFFD000  }
0x63: {  	_ =	swait.ge [sflag:s19], $0x3000  }
0x64: {  	p0 =	seq.s32 s28, $0x0;
	[sflag:s19] =	ssyncset.done $0x0  }
0x65: {  	s0 =	simm.s32 @!p0 $0x3;
	[sflag:s19] =	ssyncadd.s32 $0xFFFFD000  }
0x66: {  	_ =	swait.ge @!p0 [sflag:s0], $0x6000  }
0x67: {  	[sflag:s0] =	ssyncset.done @!p0 $0x0  }
0x68: {  	s3 =	sshll.u32 s28, $0x1;
	s30 =	simm.s32 $0x80;
	[sflag:s0] =	ssyncadd.s32 @!p0 $0xFFFFA000  }
0x69: {  	s8 =	simm.f32 $3.333333430e-01;
	s29 =	sadd.s32 s1, s3;
	s3 =	simm.s32 $0x3080;
	v24 =	vld [tilespmem:s30+$0x0]  }
0x6a: {  	p2 =	seq.s32 s29, $0x0;
	p1 =	seq.s32 s29, $0x2;
	s0 =	simm.f32 $0.0e+00;
	v25 =	vld [tilespmem:s3+$0x0]  }
0x6b: {  	p3 =	seq.s32 s29, $0xDE;
	s8 =	simm.s32 @!p2 $0x3E800000;
	s0 =	simm.s32 @!p2 $0x3F400000  }
0x6c: {  	s8 =	simm.s32 @p1 $0x3EAAAAAB;
	s0 =	simm.s32 @p1 $0x3F2AAAAB  }
0x6d: {  	s8 =	simm.s32 @p3 $0x0;
	v26 =	vld [tilespmem:s30+$0xFFFFFF80];
	s0 =	simm.s32 @p3 $0x3F800000  }
0x6e: {  	v23 =	vmov s8;
	v27 =	vld [tilespmem:s3+$0xFFFFFF80];
	v22 =	vmov s0  }
0x6f: {  	v24 =	vmul.f32 v24, v23;
	v25 =	vmul.f32 v25, v22;
	_ =	sdelay $0x1  }
0x70: {  	v28 =	vadd.f32 v25, v24  }
0x71: {  	s0 =	simm.s32 $0xC070  }
0x72: {  	v24 =	vmul.f32 v26, v23;
	v25 =	vmul.f32 v27, v22;
	[tilespmem:s0+$0x0] =	vst v28  }
0x73: {  	v26 =	vld [tilespmem:s30+$0x10]  }
0x74: {  	v27 =	vadd.f32 v25, v24;
	v24 =	vld [tilespmem:s3+$0x10];
	_ =	sdelay $0x1  }
0x75: {  	[tilespmem:s0+$0xFFFFFF90] =	vst v27  }
0x76: {  	v25 =	vld [tilespmem:s30+$0xFFFFFF90]  }
0x77: {  	v29 =	vld [tilespmem:s3+$0xFFFFFF90]  }
0x78: {  	v26 =	vmul.f32 v26, v23;
	v24 =	vmul.f32 v24, v22;
	_ =	sdelay $0x1  }
0x79: {  	v26 =	vadd.f32 v24, v26;
	_ =	sdelay $0x1  }
0x7a: {  	v24 =	vmul.f32 v25, v23;
	v25 =	vmul.f32 v29, v22;
	[tilespmem:s0+$0x10] =	vst v26  }
0x7b: {  	v29 =	vld [tilespmem:s30+$0x20]  }
0x7c: {  	v30 =	vadd.f32 v25, v24;
	v24 =	vld [tilespmem:s3+$0x20];
	_ =	sdelay $0x1  }
0x7d: {  	[tilespmem:s0+$0xFFFFFFA0] =	vst v30  }
0x7e: {  	v31 =	vld [tilespmem:s30+$0xFFFFFFA0]  }
0x7f: {  	v32 =	vld [tilespmem:s3+$0xFFFFFFA0]  }
0x80: {  	v25 =	vmul.f32 v29, v23;
	v24 =	vmul.f32 v24, v22;
	_ =	sdelay $0x1  }
0x81: {  	v25 =	vadd.f32 v24, v25;
	_ =	sdelay $0x1  }
0x82: {  	v24 =	vmul.f32 v31, v23;
	v29 =	vmul.f32 v32, v22;
	[tilespmem:s0+$0x20] =	vst v25  }
0x83: {  	v31 =	vld [tilespmem:s30+$0x30]  }
0x84: {  	v29 =	vadd.f32 v29, v24;
	v49 =	vld [tilespmem:s3+$0x30];
	_ =	sdelay $0x1  }
0x85: {  	[tilespmem:s0+$0xFFFFFFB0] =	vst v29  }
0x86: {  	v33 =	vld [tilespmem:s30+$0xFFFFFFB0]  }
0x87: {  	v34 =	vld [tilespmem:s3+$0xFFFFFFB0]  }
0x88: {  	v24 =	vmul.f32 v31, v23;
	v31 =	vmul.f32 v49, v22;
	_ =	sdelay $0x1  }
0x89: {  	v24 =	vadd.f32 v31, v24;
	_ =	sdelay $0x1  }
0x8a: {  	v31 =	vmul.f32 v33, v23;
	v50 =	vmul.f32 v34, v22;
	[tilespmem:s0+$0x30] =	vst v24  }
0x8b: {  	v51 =	vld [tilespmem:s30+$0x40]  }
0x8c: {  	v31 =	vadd.f32 v50, v31;
	v52 =	vld [tilespmem:s3+$0x40]  }
0x8d: {  	v35 =	vperm.xlane v27, v3  }
0x8e: {  	v53 =	vperm.xlane v27, v2;
	[tilespmem:s0+$0xFFFFFFC0] =	vst v31  }
0x8f: {  	v27 =	vperm.xlane v27, v16;
	v35 =	vmul.f32 v12, v35;
	v36 =	vld [tilespmem:s30+$0xFFFFFFC0]  }
0x90: {  	v37 =	vperm.xlane v30, v2;
	v39 =	vperm.xlane v30, v3;
	v38 =	vld [tilespmem:s3+$0xFFFFFFC0]  }
0x91: {  	v33 =	vmul.f32 v51, v23;
	v34 =	vmul.f32 v52, v22  }
0x92: {  	v30 =	vperm.xlane v30, v16;
	v37 =	vsel vm0, v27, v37;
	v57 =	vmul.f32 v14, v39  }
0x93: {  	v58 =	vperm.xlane v29, v2;
	v41 =	vperm.xlane v29, v3;
	v27 =	vadd.f32 v34, v33  }
0x94: {  	v29 =	vperm.xlane v29, v16;
	v59 =	vperm.xlane v31, v2  }
0x95: {  	v55 =	vmul.f32 v36, v23;
	v56 =	vmul.f32 v38, v22;
	[tilespmem:s0+$0x40] =	vst v27  }
0x96: {  	v54 =	vmul.f32 v13, v37;
	v60 =	vperm.xlane v31, v3;
	v40 =	vld [tilespmem:s30+$0x50]  }
0x97: {  	v32 =	vmul.f32 v11, v53;
	v29 =	vsel vm0, v29, v59;
	v39 =	vadd.f32 v56, v55;
	v42 =	vld [tilespmem:s3+$0x50]  }
0x98: {  	s8 =	simm.s32 $0x0;
	v30 =	vsel vm0, v30, v58;
	v62 =	vmul.f32 v14, v60;
	v29 =	vmul.f32 v13, v29  }
0x99: {  	v45 =	vor.u32 s8, v4;
	v61 =	vmul.f32 v14, v41;
	v30 =	vmul.f32 v13, v30;
	[tilespmem:s0+$0xFFFFFFD0] =	vst v39  }
0x9a: {  	v35 =	vadd.f32 v35, v32;
	v32 =	vadd.f32 v62, v29;
	v29 =	vperm.xlane v28, v2;
	v63 =	vld [tilespmem:s30+$0xFFFFFFD0]  }
0x9b: {  	v36 =	vperm.xlane v31, v16;
	v33 =	vadd.f32 v61, v30;
	v61 =	vperm.xlane v28, v3;
	v60 =	vld [tilespmem:s3+$0xFFFFFFD0]  }
0x9c: {  	s10 =	simm.s32 $0x70;
	v44 =	vadd.s32 s8, v5;
	v30 =	vmul.f32 v40, v23;
	v31 =	vmul.f32 v42, v22  }
0x9d: {  	v43 =	vadd.f32 v57, v54;
	v53 =	vadd.s32 s10, v0;
	v41 =	vadd.s32 s8, v7  }
0x9e: {  	v29 =	vmul.f32 v11, v29;
	v34 =	vmul.f32 v12, v61;
	v31 =	vadd.f32 v31, v30  }
0x9f: {  	s11 =	sand.u32 $0x7800, s8;
	v51 =	vor.u32 s8, v10;
	v28 =	vperm.xlane v28, v16;
	v30 =	vor.u32 s10, v10  }
0xa0: {  	s12 =	sand.u32 $0x380, s30;
	s11 =	sadd.s32 $0xEA00, s11;
	v29 =	vadd.f32 v34, v29;
	v38 =	vmul.f32 v63, v23;
	v37 =	vmul.f32 v60, v22;
	[tilespmem:s0+$0x50] =	vst v31  }
0xa1: {  	s31 =	sadd.s32 s12, s11;
	v56 =	vperm.xlane v27, v16;
	v55 =	vor.u32 s8, v0;
	v62 =	vperm.xlane v39, v2;
	v50 =	vld [tilespmem:s30+$0x60]  }
0xa2: {  	v46 =	vperm.xlane v39, v3;
	v34 =	vadd.s32 s8, v9;
	v37 =	vadd.f32 v37, v38;
	v57 =	vld [tilespmem:s3+$0x60];
	[tilespmem:s31+$0x0] =	vst v29  }
0xa3: {  	s26 =	simm.s32 $0x0;
	v42 =	vadd.s32 s8, v6;
	v63 =	vsel vm0, v36, v62;
	v60 =	vperm.xlane v26, v2;
	v54 =	vld.idx.msk [tilespmem:v53+s20+$0x0], $0xffff  }
0xa4: {  	s12 =	sand.u32 $0x300, s26;
	v40 =	vmul.f32 v14, v46;
	v36 =	vadd.s32 s8, v8;
	v58 =	vmul.f32 v13, v63;
	[tilespmem:s0+$0xFFFFFFE0] =	vst v37;
	v52 =	vld.idx.msk [tilespmem:v30+s20+$0x0], $0xffff  }
0xa5: {  	s16 =	sadd.s32 s12, s11;
	v59 =	vperm.xlane v31, v2;
	v47 =	vperm.xlane v31, v17;
	v60 =	vsel vm0, v28, v60;
	v49 =	vld [tilespmem:s30+$0xFFFFFFE0]  }
0xa6: {  	v48 =	vperm.xlane v37, v2;
	v38 =	vld [tilespmem:s3+$0xFFFFFFE0];
	[tilespmem:s16+$0x0] =	vst v35;
	v35 =	vadd.f32 v40, v58;
	v58 =	vperm.xlane v26, v3  }
0xa7: {  	v46 =	vperm.xlane v37, v17;
	v28 =	vsel vm0, v56, v59;
	v40 =	vperm.xlane v37, v16;
	v53 =	vld.idx.msk [tilespmem:v51+s20+$0x0], $0xffff  }
0xa8: {  	v29 =	vadd.s32 s8, v19;
	v55 =	vld.idx.msk [tilespmem:v55+s20+$0x0], $0xffff;
	[tilespmem:s16+$0x20] =	vst v43;
	v43 =	vmul.f32 v13, v60;
	v56 =	vmul.f32 v14, v58  }
0xa9: {  	s15 =	simm.s32 $0x0;
	s11 =	simm.s32 $0x0;
	s12 =	simm.s32 $0x180;
	v30 =	vadd.s32 s8, v15;
	v50 =	vmul.f32 v50, v23;
	v51 =	vmul.f32 v57, v22  }
.LBB2_3:
0xaa: {  	v57 =	vld [tilespmem:s12+$0x0];
	v52 =	vmul.f32 v13, v52;
	v54 =	vmul.f32 v14, v54;
	v58 =	vadd.s32 s10, v4;
	s3 =	sadd.s32 $0x100, s3  }
0xab: {  	v60 =	vadd.s32 s10, v5;
	v59 =	vld [tilespmem:s3+$0x0];
	v49 =	vmul.f32 v49, v23;
	v56 =	vadd.f32 v56, v43  }
0xac: {  	v43 =	vadd.f32 v51, v50;
	v61 =	vld [tilespmem:s12+$0xFFFFFF80];
	v38 =	vmul.f32 v38, v22;
	v50 =	vadd.f32 v54, v52  }
0xad: {  	v39 =	vperm.xlane v39, v16;
	v52 =	vperm.xlane v31, v16;
	v51 =	vld [tilespmem:s3+$0xFFFFFF80];
	[tilespmem:s31+$0x20] =	vst v56  }
0xae: {  	v54 =	vadd.f32 v38, v49;
	v38 =	vmul.f32 v13, v53;
	[tilespmem:s31+$0x10] =	vst v50;
	v49 =	vperm.xlane v43, v20  }
0xaf: {  	v39 =	vsel vm0, v39, v48;
	v50 =	vmul.f32 v14, v55;
	v53 =	vperm.xlane v43, v2;
	v48 =	vld.idx.msk [tilespmem:v58+s20+$0x0], $0xffff  }
0xb0: {  	v55 =	vmul.f32 v57, v23;
	v56 =	vmul.f32 v59, v22;
	v57 =	vld.idx.msk [tilespmem:v60+s20+$0x0], $0xffff;
	v47 =	vsel vm1, v47, v49  }
0xb1: {  	v50 =	vadd.f32 v50, v38;
	v58 =	vperm.xlane v54, v20;
	v49 =	vmul.f32 v61, v23  }
0xb2: {  	v26 =	vperm.xlane v26, v16;
	v38 =	vadd.f32 v56, v55;
	v55 =	vperm.xlane v25, v2  }
0xb3: {  	s0 =	sadd.s32 $0xE0, s0;
	v51 =	vmul.f32 v51, v22;
	v46 =	vsel vm1, v46, v58;
	[tilespmem:s16+$0x10] =	vst v50;
	v50 =	vperm.xlane v25, v3  }
0xb4: {  	v56 =	vperm.xlane v54, v2;
	[tilespmem:s0+$0x0] =	vst v38;
	v45 =	vld.idx.msk [tilespmem:v45+s20+$0x0], $0xffff;
	v26 =	vsel vm0, v26, v55  }
0xb5: {  	v49 =	vadd.f32 v51, v49;
	v51 =	vld [tilespmem:s12+$0x10];
	v26 =	vmul.f32 v13, v26;
	v50 =	vmul.f32 v14, v50  }
0xb6: {  	s11 =	sadd.s32 $0x2, s11;
	v58 =	vadd.s32 s10, v6;
	v48 =	vmul.f32 v13, v48;
	v57 =	vmul.f32 v14, v57;
	v55 =	vld [tilespmem:s3+$0x10]  }
0xb7: {  	p1 =	slt.u32 s11, $0x5E;
	v59 =	vperm.xlane v49, v2;
	[tilespmem:s0+$0xFFFFFF90] =	vst v49;
	v60 =	vld.idx.msk [tilespmem:v44+s20+$0x0], $0xffff;
	v26 =	vadd.f32 v50, v26;
	v50 =	vadd.s32 s10, v7  }
0xb8: {  	v62 =	vperm.xlane v49, v3;
	v63 =	vperm.xlane v49, v16;
	v48 =	vadd.f32 v57, v48;
	v61 =	vld [tilespmem:s12+$0xFFFFFF90];
	[tilespmem:s16+$0x40] =	vst v33  }
0xb9: {  	v44 =	vperm.xlane v54, v3;
	v49 =	vmul.f32 v11, v59;
	v33 =	vsel vm0, v40, v56;
	v57 =	vld [tilespmem:s3+$0xFFFFFF90];
	[tilespmem:s31+$0x40] =	vst v26  }
0xba: {  	v26 =	vmul.f32 v12, v62;
	v56 =	vmul.f32 v13, v45;
	[tilespmem:s31+$0x30] =	vst v48;
	v48 =	vsel vm0, v52, v53  }
0xbb: {  	v51 =	vmul.f32 v51, v23;
	v52 =	vmul.f32 v55, v22;
	v53 =	vld.idx.msk [tilespmem:v58+s20+$0x0], $0xffff  }
0xbc: {  	v45 =	vperm.xlane v54, v17;
	v40 =	vadd.f32 v26, v49;
	v49 =	vperm.xlane v54, v18;
	v50 =	vld.idx.msk [tilespmem:v50+s20+$0x0], $0xffff  }
0xbd: {  	v54 =	vmul.f32 v61, v23;
	v26 =	vadd.f32 v52, v51;
	v51 =	vmul.f32 v14, v60  }
0xbe: {  	v25 =	vperm.xlane v25, v16;
	v52 =	vperm.xlane v24, v2  }
0xbf: {  	v55 =	vmul.f32 v57, v22;
	[tilespmem:s0+$0x10] =	vst v26;
	v51 =	vadd.f32 v51, v56;
	v56 =	vperm.xlane v24, v3  }
0xc0: {  	v58 =	vperm.xlane v43, v18;
	v25 =	vsel vm0, v25, v52;
	v52 =	vperm.xlane v43, v3;
	v57 =	vld [tilespmem:s12+$0x20]  }
0xc1: {  	v54 =	vadd.f32 v55, v54;
	v25 =	vmul.f32 v13, v25;
	v55 =	vld [tilespmem:s3+$0x20];
	[tilespmem:s16+$0x30] =	vst v51;
	v51 =	vmul.f32 v14, v56  }
0xc2: {  	v53 =	vmul.f32 v13, v53;
	v50 =	vmul.f32 v14, v50;
	v56 =	vadd.s32 s10, v8;
	v42 =	vld.idx.msk [tilespmem:v42+s20+$0x0], $0xffff  }
0xc3: {  	v59 =	vperm.xlane v54, v2;
	[tilespmem:s0+$0xFFFFFFA0] =	vst v54;
	v41 =	vld.idx.msk [tilespmem:v41+s20+$0x0], $0xffff;
	v25 =	vadd.f32 v51, v25;
	v51 =	vadd.s32 s10, v9  }
0xc4: {  	v61 =	vperm.xlane v54, v3;
	v54 =	vperm.xlane v54, v16;
	v60 =	vld [tilespmem:s12+$0xFFFFFFA0];
	[tilespmem:s16+$0x60] =	vst v32;
	v32 =	vadd.f32 v50, v53  }
0xc5: {  	v62 =	vperm.xlane v43, v17;
	v53 =	vsel vm0, v63, v59;
	v59 =	vperm.xlane v37, v3;
	v50 =	vld [tilespmem:s3+$0xFFFFFFA0];
	[tilespmem:s31+$0x60] =	vst v25  }
0xc6: {  	v25 =	vmul.f32 v57, v23;
	v43 =	vmul.f32 v55, v22;
	[tilespmem:s31+$0x50] =	vst v32  }
0xc7: {  	v32 =	vmul.f32 v13, v53;
	v53 =	vmul.f32 v14, v61;
	v55 =	vld.idx.msk [tilespmem:v56+s20+$0x0], $0xffff  }
0xc8: {  	v37 =	vperm.xlane v37, v10;
	v42 =	vmul.f32 v13, v42;
	v25 =	vadd.f32 v43, v25;
	v51 =	vld.idx.msk [tilespmem:v51+s20+$0x0], $0xffff  }
0xc9: {  	v43 =	vadd.f32 v53, v32;
	v32 =	vmul.f32 v14, v41;
	v56 =	vmul.f32 v60, v23  }
0xca: {  	v24 =	vperm.xlane v24, v16;
	v41 =	vperm.xlane v27, v2;
	[tilespmem:s0+$0x20] =	vst v25  }
0xcb: {  	v27 =	vperm.xlane v27, v3;
	v50 =	vmul.f32 v50, v22;
	v32 =	vadd.f32 v32, v42;
	v53 =	vld [tilespmem:s12+$0x30]  }
0xcc: {  	v24 =	vsel vm0, v24, v41;
	v41 =	vperm.xlane v31, v3;
	v31 =	vperm.xlane v31, v10;
	v42 =	vld [tilespmem:s3+$0x30]  }
0xcd: {  	v27 =	vmul.f32 v14, v27;
	v24 =	vmul.f32 v13, v24;
	v50 =	vadd.f32 v50, v56;
	[tilespmem:s16+$0x50] =	vst v32  }
0xce: {  	v51 =	vmul.f32 v14, v51;
	v32 =	vld.idx.msk [tilespmem:v36+s20+$0x0], $0xffff;
	v36 =	vmul.f32 v13, v55;
	v55 =	vadd.s32 s10, v15  }
0xcf: {  	v24 =	vadd.f32 v27, v24;
	v27 =	vadd.s32 s10, v19;
	v56 =	vperm.xlane v50, v2;
	[tilespmem:s0+$0xFFFFFFB0] =	vst v50;
	v34 =	vld.idx.msk [tilespmem:v34+s20+$0x0], $0xffff  }
0xd0: {  	v60 =	vperm.xlane v50, v3;
	v50 =	vperm.xlane v50, v16;
	v57 =	vld [tilespmem:s12+$0xFFFFFFB0];
	[tilespmem:s16+$0x400] =	vst v35;
	v35 =	vadd.f32 v51, v36  }
0xd1: {  	v51 =	vsel vm0, v54, v56;
	v53 =	vmul.f32 v53, v23;
	v36 =	vld [tilespmem:s3+$0xFFFFFFB0];
	v42 =	vmul.f32 v42, v22;
	[tilespmem:s31+$0x400] =	vst v24  }
0xd2: {  	v54 =	vmul.f32 v14, v60;
	v51 =	vmul.f32 v13, v51;
	[tilespmem:s31+$0x70] =	vst v35  }
0xd3: {  	v35 =	vmul.f32 v14, v46;
	v24 =	vadd.f32 v42, v53;
	v42 =	vmul.f32 v13, v33;
	v46 =	vld.idx.msk [tilespmem:v55+s20+$0x0], $0xffff  }
0xd4: {  	v47 =	vmul.f32 v14, v47;
	v33 =	vadd.f32 v54, v51;
	v32 =	vmul.f32 v13, v32;
	v27 =	vld.idx.msk [tilespmem:v27+s20+$0x0], $0xffff  }
0xd5: {  	v34 =	vmul.f32 v14, v34;
	v51 =	vmul.f32 v57, v23;
	[tilespmem:s0+$0x30] =	vst v24  }
0xd6: {  	v48 =	vmul.f32 v13, v48;
	v36 =	vmul.f32 v36, v22;
	v53 =	vld [tilespmem:s12+$0x40]  }
0xd7: {  	v32 =	vadd.f32 v34, v32;
	v34 =	vmul.f32 v14, v44;
	v44 =	vmul.f32 v1, v49;
	v54 =	vld [tilespmem:s3+$0x40]  }
0xd8: {  	v45 =	vmul.f32 v21, v45;
	v49 =	vmul.f32 v14, v52;
	v36 =	vadd.f32 v36, v51  }
0xd9: {  	[tilespmem:s16+$0x70] =	vst v32;
	v32 =	vadd.f32 v34, v42;
	v34 =	vmul.f32 v1, v58;
	v42 =	vmul.f32 v21, v62  }
0xda: {  	v46 =	vmul.f32 v13, v46;
	v27 =	vmul.f32 v14, v27;
	[tilespmem:s0+$0xFFFFFFC0] =	vst v36;
	v30 =	vld.idx.msk [tilespmem:v30+s20+$0x0], $0xffff  }
0xdb: {  	v48 =	vadd.f32 v49, v48;
	v52 =	vperm.xlane v36, v2;
	v55 =	vperm.xlane v36, v3;
	v51 =	vld [tilespmem:s12+$0xFFFFFFC0]  }
0xdc: {  	v53 =	vmul.f32 v53, v23;
	v46 =	vadd.f32 v27, v46;
	v49 =	vld [tilespmem:s3+$0xFFFFFFC0];
	v54 =	vmul.f32 v54, v22  }
0xdd: {  	v27 =	vsel vm0, v50, v52;
	v50 =	vmul.f32 v14, v55;
	v52 =	vperm.xlane v36, v16;
	v29 =	vld.idx.msk [tilespmem:v29+s20+$0x0], $0xffff  }
0xde: {  	v39 =	vmul.f32 v13, v39;
	v36 =	vmul.f32 v13, v27;
	v27 =	vadd.f32 v54, v53;
	[tilespmem:s31+$0x410] =	vst v46  }
0xdf: {  	v28 =	vmul.f32 v13, v28;
	v44 =	vadd.f32 v45, v44;
	v46 =	vmul.f32 v14, v59;
	[tilespmem:s16+$0x440] =	vst v32  }
0xe0: {  	v32 =	vadd.f32 v50, v36;
	v45 =	vmul.f32 v51, v23;
	[tilespmem:s0+$0x40] =	vst v27;
	v50 =	vperm.xlane v27, v16  }
0xe1: {  	v34 =	vadd.f32 v42, v34;
	v30 =	vmul.f32 v13, v30;
	v36 =	vmul.f32 v49, v22;
	v49 =	vld [tilespmem:s12+$0x50];
	[tilespmem:s16+$0x450] =	vst v44  }
0xe2: {  	v37 =	vmul.f32 v13, v37;
	v41 =	vmul.f32 v14, v41;
	v44 =	vadd.f32 v46, v39;
	v42 =	vld [tilespmem:s3+$0x50];
	[tilespmem:s31+$0x440] =	vst v48  }
0xe3: {  	v31 =	vmul.f32 v13, v31;
	v29 =	vmul.f32 v14, v29;
	v39 =	vadd.f32 v36, v45;
	[tilespmem:s31+$0x450] =	vst v34  }
0xe4: {  	v28 =	vadd.f32 v41, v28;
	v34 =	vadd.f32 v35, v37;
	[tilespmem:s16+$0x420] =	vst v44  }
0xe5: {  	v29 =	vadd.f32 v29, v30;
	[tilespmem:s0+$0xFFFFFFD0] =	vst v39;
	v35 =	vperm.xlane v39, v2;
	v37 =	vperm.xlane v39, v3  }
0xe6: {  	s8 =	sadd.s32 $0xE0, s8;
	v41 =	vperm.xlane v38, v3;
	v36 =	vperm.xlane v38, v2;
	v30 =	vld [tilespmem:s12+$0xFFFFFFD0];
	[tilespmem:s16+$0x430] =	vst v34;
	v34 =	vadd.f32 v47, v31  }
0xe7: {  	s10 =	sadd.s32 $0x70, s8;
	v51 =	vor.u32 s8, v10;
	v31 =	vmul.f32 v49, v23;
	v46 =	vld [tilespmem:s3+$0xFFFFFFD0];
	v42 =	vmul.f32 v42, v22;
	[tilespmem:s16+$0x410] =	vst v29  }
0xe8: {  	v55 =	vor.u32 s8, v0;
	v45 =	vor.u32 s8, v4;
	v47 =	vor.u32 s10, v10;
	[tilespmem:s31+$0x420] =	vst v28  }
0xe9: {  	s15 =	sadd.s32 $0x200, s15;
	v29 =	vmul.f32 v12, v41;
	v28 =	vmul.f32 v11, v36;
	v31 =	vadd.f32 v42, v31;
	[tilespmem:s31+$0x430] =	vst v34  }
0xea: {  	s30 =	sadd.s32 $0x100, s30;
	v48 =	vadd.s32 s10, v0;
	v44 =	vadd.s32 s8, v5;
	s16 =	sand.u32 $0x7800, s15;
	v42 =	vadd.s32 s8, v6  }
0xeb: {  	s24 =	sadd.s32 $0xFFFFFF80, s30;
	v41 =	vadd.s32 s8, v7;
	s16 =	sadd.s32 $0xEA00, s16;
	s31 =	sand.u32 $0x380, s30;
	v28 =	vadd.f32 v29, v28;
	v49 =	vmul.f32 v30, v23;
	[tilespmem:s0+$0x50] =	vst v31  }
0xec: {  	s24 =	sand.u32 $0x300, s24;
	v36 =	vadd.s32 s8, v8;
	v34 =	vadd.s32 s8, v9;
	s31 =	sadd.s32 s31, s16;
	v29 =	vmul.f32 v46, v22;
	v53 =	vld [tilespmem:s12+$0x60]  }
0xed: {  	v35 =	vsel vm0, v52, v35;
	s16 =	sadd.s32 s24, s16;
	v30 =	vadd.s32 s8, v15;
	v46 =	vmul.f32 v14, v37;
	v56 =	vld [tilespmem:s3+$0x60];
	[tilespmem:s31+$0x0] =	vst v28  }
0xee: {  	v28 =	vmul.f32 v13, v35;
	v37 =	vadd.f32 v29, v49;
	v29 =	vadd.s32 s8, v19;
	v52 =	vld.idx.msk [tilespmem:v47+s20+$0x0], $0xffff  }
0xef: {  	v57 =	vperm.xlane v31, v2;
	v47 =	vperm.xlane v31, v17;
	v54 =	vld.idx.msk [tilespmem:v48+s20+$0x0], $0xffff  }
.Ltmp2:
0xf0: {  	v35 =	vadd.f32 v46, v28;
	[tilespmem:s0+$0xFFFFFFE0] =	vst v37;
	v48 =	vperm.xlane v37, v2;
	v46 =	vperm.xlane v37, v17;
	(pc) =	sbr.rel @p1 .LBB2_3-.Ltmp2, $4  }
0xf1: {  	v58 =	vperm.xlane v38, v16;
	v59 =	vperm.xlane v26, v2;
	v28 =	vsel vm0, v50, v57;
	v49 =	vld [tilespmem:s12+$0xFFFFFFE0]  }
0xf2: {  	v57 =	vperm.xlane v26, v3;
	v50 =	vmul.f32 v53, v23;
	v38 =	vld [tilespmem:s3+$0xFFFFFFE0];
	[tilespmem:s16+$0x0] =	vst v40  }
0xf3: {  	v40 =	vperm.xlane v37, v16;
	v53 =	vld.idx.msk [tilespmem:v51+s20+$0x0], $0xffff;
	v51 =	vmul.f32 v56, v22;
	v56 =	vsel vm0, v58, v59  }
0xf4: {  	s12 =	sadd.s32 $0x100, s12;
	v55 =	vld.idx.msk [tilespmem:v55+s20+$0x0], $0xffff;
	[tilespmem:s16+$0x20] =	vst v43;
	v43 =	vmul.f32 v13, v56;
	v56 =	vmul.f32 v14, v57  }
0xf5: {  	v52 =	vmul.f32 v13, v52;
	v54 =	vmul.f32 v14, v54;
	v57 =	vadd.s32 s10, v4  }
0xf6: {  	v62 =	vadd.s32 s10, v5;
	v43 =	vadd.f32 v56, v43  }
0xf7: {  	v52 =	vadd.f32 v54, v52  }
0xf8: {  	[tilespmem:s31+$0x20] =	vst v43  }
0xf9: {  	[tilespmem:s31+$0x10] =	vst v52  }
0xfa: {  	v43 =	vld.idx.msk [tilespmem:v57+s20+$0x0], $0xffff  }
0xfb: {  	v26 =	vperm.xlane v26, v16;
	v59 =	vperm.xlane v25, v2;
	v58 =	vld.idx.msk [tilespmem:v62+s20+$0x0], $0xffff  }
0xfc: {  	v63 =	vmul.f32 v13, v53;
	v57 =	vmul.f32 v14, v55  }
0xfd: {  	v60 =	vperm.xlane v25, v3  }
0xfe: {  	v26 =	vsel vm0, v26, v59;
	v52 =	vadd.f32 v57, v63  }
0xff: {  	v61 =	vmul.f32 v14, v60;
	v26 =	vmul.f32 v13, v26  }
0x100: {  	v63 =	vadd.s32 s10, v6;
	[tilespmem:s16+$0x10] =	vst v52;
	v43 =	vmul.f32 v13, v43;
	v62 =	vmul.f32 v14, v58  }
0x101: {  	v56 =	vadd.s32 s10, v7;
	v26 =	vadd.f32 v61, v26;
	v45 =	vld.idx.msk [tilespmem:v45+s20+$0x0], $0xffff  }
0x102: {  	v44 =	vld.idx.msk [tilespmem:v44+s20+$0x0], $0xffff;
	v43 =	vadd.f32 v62, v43  }
0x103: {  	[tilespmem:s31+$0x40] =	vst v26  }
0x104: {  	[tilespmem:s31+$0x30] =	vst v43  }
0x105: {  	v26 =	vld.idx.msk [tilespmem:v63+s20+$0x0], $0xffff  }
0x106: {  	v25 =	vperm.xlane v25, v16;
	v59 =	vperm.xlane v24, v2;
	v58 =	vld.idx.msk [tilespmem:v56+s20+$0x0], $0xffff  }
0x107: {  	v57 =	vmul.f32 v13, v45;
	v44 =	vmul.f32 v14, v44  }
0x108: {  	v60 =	vperm.xlane v24, v3  }
0x109: {  	v25 =	vsel vm0, v25, v59;
	v43 =	vadd.f32 v44, v57  }
0x10a: {  	v25 =	vmul.f32 v13, v25;
	v61 =	vmul.f32 v14, v60;
	[tilespmem:s16+$0x40] =	vst v33  }
0x10b: {  	v63 =	vadd.s32 s10, v8;
	[tilespmem:s16+$0x30] =	vst v43;
	v26 =	vmul.f32 v13, v26;
	v62 =	vmul.f32 v14, v58  }
0x10c: {  	v25 =	vadd.f32 v61, v25;
	v52 =	vadd.s32 s10, v9;
	v42 =	vld.idx.msk [tilespmem:v42+s20+$0x0], $0xffff  }
0x10d: {  	v41 =	vld.idx.msk [tilespmem:v41+s20+$0x0], $0xffff;
	v26 =	vadd.f32 v62, v26  }
0x10e: {  	[tilespmem:s31+$0x60] =	vst v25  }
0x10f: {  	v23 =	vmul.f32 v49, v23;
	[tilespmem:s31+$0x50] =	vst v26  }
0x110: {  	v24 =	vperm.xlane v24, v16;
	v22 =	vmul.f32 v38, v22;
	v25 =	vld.idx.msk [tilespmem:v63+s20+$0x0], $0xffff  }
0x111: {  	v54 =	vadd.f32 v51, v50;
	v53 =	vperm.xlane v27, v2;
	v27 =	vperm.xlane v27, v3;
	v33 =	vld.idx.msk [tilespmem:v52+s20+$0x0], $0xffff  }
0x112: {  	v26 =	vmul.f32 v13, v42;
	v41 =	vmul.f32 v14, v41  }
0x113: {  	v49 =	vperm.xlane v31, v3;
	v22 =	vadd.f32 v22, v23;
	v38 =	vperm.xlane v54, v17  }
0x114: {  	v24 =	vsel vm0, v24, v53;
	v27 =	vmul.f32 v14, v27;
	v26 =	vadd.f32 v41, v26  }
0x115: {  	v24 =	vmul.f32 v13, v24;
	v59 =	vperm.xlane v22, v2;
	[tilespmem:s16+$0x60] =	vst v32  }
0x116: {  	v55 =	vadd.s32 s10, v15;
	[tilespmem:s16+$0x50] =	vst v26;
	v25 =	vmul.f32 v13, v25;
	v26 =	vmul.f32 v14, v33  }
0x117: {  	v60 =	vperm.xlane v22, v18;
	v24 =	vadd.f32 v27, v24;
	v27 =	vadd.s32 s10, v19;
	v36 =	vld.idx.msk [tilespmem:v36+s20+$0x0], $0xffff  }
0x118: {  	v38 =	vmul.f32 v21, v38;
	v61 =	vperm.xlane v54, v3;
	v23 =	vld.idx.msk [tilespmem:v34+s20+$0x0], $0xffff;
	v25 =	vadd.f32 v26, v25  }
0x119: {  	v53 =	vmul.f32 v1, v60;
	v56 =	vperm.xlane v39, v16;
	[tilespmem:s31+$0x400] =	vst v24  }
0x11a: {  	v57 =	vperm.xlane v31, v16;
	v31 =	vperm.xlane v31, v10;
	[tilespmem:s31+$0x70] =	vst v25  }
0x11b: {  	v58 =	vperm.xlane v54, v2;
	v62 =	vperm.xlane v54, v18;
	v32 =	vld.idx.msk [tilespmem:v55+s20+$0x0], $0xffff  }
0x11c: {  	v24 =	vperm.xlane v22, v20;
	v63 =	vperm.xlane v37, v3;
	v27 =	vld.idx.msk [tilespmem:v27+s20+$0x0], $0xffff  }
0x11d: {  	v50 =	vsel vm0, v40, v59;
	v36 =	vmul.f32 v13, v36;
	v23 =	vmul.f32 v14, v23  }
0x11e: {  	v24 =	vsel vm1, v46, v24;
	v25 =	vperm.xlane v22, v3;
	v22 =	vperm.xlane v22, v17  }
0x11f: {  	v52 =	vmul.f32 v13, v50;
	v24 =	vmul.f32 v14, v24;
	v23 =	vadd.f32 v23, v36  }
0x120: {  	v51 =	vsel vm0, v57, v58;
	[tilespmem:s16+$0x400] =	vst v35;
	v25 =	vmul.f32 v14, v25;
	v22 =	vmul.f32 v21, v22  }
0x121: {  	v33 =	vsel vm0, v56, v48;
	[tilespmem:s16+$0x70] =	vst v23;
	v23 =	vmul.f32 v13, v32;
	v27 =	vmul.f32 v14, v27  }
0x122: {  	v48 =	vperm.xlane v37, v10;
	v26 =	vperm.xlane v54, v20;
	v25 =	vadd.f32 v25, v52;
	v30 =	vld.idx.msk [tilespmem:v30+s20+$0x0], $0xffff  }
0x123: {  	v55 =	vmul.f32 v1, v62;
	v22 =	vadd.f32 v22, v53;
	v23 =	vadd.f32 v27, v23;
	v27 =	vld.idx.msk [tilespmem:v29+s20+$0x0], $0xffff  }
0x124: {  	v54 =	vmul.f32 v14, v61;
	v29 =	vmul.f32 v13, v51;
	[tilespmem:s16+$0x440] =	vst v25  }
0x125: {  	v56 =	vmul.f32 v14, v63;
	[tilespmem:s16+$0x450] =	vst v22;
	v22 =	vadd.f32 v38, v55;
	v25 =	vmul.f32 v13, v48  }
0x126: {  	v26 =	vsel vm1, v47, v26;
	[tilespmem:s31+$0x410] =	vst v23;
	v23 =	vadd.f32 v54, v29;
	v29 =	vmul.f32 v13, v33  }
0x127: {  	[tilespmem:s31+$0x450] =	vst v22;
	v22 =	vadd.f32 v24, v25;
	v24 =	vmul.f32 v14, v26;
	v25 =	vmul.f32 v13, v31  }
0x128: {  	v30 =	vmul.f32 v13, v30;
	v29 =	vadd.f32 v56, v29;
	[tilespmem:s31+$0x440] =	vst v23;
	v23 =	vmul.f32 v14, v27  }
0x129: {  	s30 =	smul.u32 $0x6000, s29;
	[tilespmem:s16+$0x430] =	vst v22;
	v22 =	vadd.f32 v24, v25;
	v27 =	vmul.f32 v13, v28;
	v28 =	vmul.f32 v14, v49  }
0x12a: {  	p1 =	seq.s32 s28, $0xD;
	[tilespmem:s16+$0x420] =	vst v29;
	v23 =	vadd.f32 v23, v30  }
0x12b: {  	s3 =	sadd.s32 @!p1 $0x2, s29;
	s0 =	sadd.s32 s9, s30;
	[tilespmem:s31+$0x430] =	vst v22;
	v26 =	vadd.f32 v28, v27  }
0x12c: {  	s3 =	sshrl.u32 @!p1 s3, $0x1;
	s0 =	sshrl.u32 s0, $0x3;
	[tilespmem:s16+$0x410] =	vst v23  }
0x12d: {  	s3 =	smul.u32 @!p1 $0x3000, s3;
	s0 =	sadd.s32 s4, s0;
	[tilespmem:s31+$0x420] =	vst v26  }
0x12e: {  	[hbm4b:s0+s5] =	stream.linear.scatter [tilespmem:s21], [sflag:$0x3], $0x6000, $0x38;
	[tilespmem:$0x1AA00] =	vst v63  }
0x12f: {  	s0 =	sadd.s32 @!p1 s3, s13  }
0x130: {  	s0 =	sshrl.u32 @!p1 s0, $0x3  }
0x131: {  	s8 =	simm.s32 @!p1 $0x0;
	s0 =	sadd.s32 @!p1 s2, s0  }
0x132: {  	[tilespmem:s8], [sflag:$0x1] =	stream.linear.gather @!p1 [hbm4b:s0+s8], $0x3000, $0x38;
	[tilespmem:$0x1AA00] =	vst v63  }
0x133: {  	s0 =	sadd.s32 @!p1 s6, s3  }
0x134: {  	s0 =	sshrl.u32 @!p1 s0, $0x3  }
0x135: {  	s3 =	simm.s32 @!p1 $0x3000;
	s0 =	sadd.s32 @!p1 s2, s0  }
0x136: {  	[tilespmem:s3], [sflag:$0x1] =	stream.linear.gather @!p1 [hbm4b:s0+s8], $0x3000, $0x38;
	[tilespmem:$0x1AA00] =	vst v63  }
0x137: {  	_ =	swait.ge [sflag:s22], $0x3000  }
0x138: {  	[sflag:s22] =	ssyncset.done $0x0  }
0x139: {  	[sflag:s22] =	ssyncadd.s32 $0xFFFFD000  }
0x13a: {  	_ =	swait.ge [sflag:s22], $0x3000  }
0x13b: {  	[sflag:s22] =	ssyncset.done $0x0  }
0x13c: {  	s0 =	simm.s32 @!p0 $0x4;
	[sflag:s22] =	ssyncadd.s32 $0xFFFFD000  }
0x13d: {  	_ =	swait.ge @!p0 [sflag:s0], $0x6000  }
0x13e: {  	[sflag:s0] =	ssyncset.done @!p0 $0x0  }
0x13f: {  	s12 =	simm.s32 $0x6080;
	[sflag:s0] =	ssyncadd.s32 @!p0 $0xFFFFA000  }
0x140: {  	s3 =	simm.s32 $0x9080;
	v24 =	vld [tilespmem:s12+$0x0]  }
0x141: {  	s8 =	simm.f32 $0.0e+00;
	s0 =	simm.f32 $1.000000000e+00;
	v25 =	vld [tilespmem:s3+$0x0]  }
0x142: {  	s8 =	simm.s32 @!p2 $0x3E800000;
	p0 =	seq.s32 s29, $0xDC;
	s0 =	simm.s32 @!p2 $0x3F400000  }
0x143: {  	s8 =	simm.s32 @p0 $0x3EAAAAAB;
	s0 =	simm.s32 @p0 $0x3F2AAAAB  }
0x144: {  	v26 =	vld [tilespmem:s12+$0xFFFFFF80];
	s8 =	simm.s32 @p3 $0x3EAAAAAB;
	s0 =	simm.s32 @p3 $0x0  }
0x145: {  	v27 =	vld [tilespmem:s3+$0xFFFFFF80];
	v22 =	vmov s8;
	v23 =	vmov s0  }
0x146: {  	v24 =	vmul.f32 v24, v23;
	v25 =	vmul.f32 v25, v22;
	_ =	sdelay $0x1  }
0x147: {  	v28 =	vadd.f32 v25, v24  }
0x148: {  	s0 =	simm.s32 $0xC070  }
0x149: {  	v24 =	vmul.f32 v26, v23;
	v25 =	vmul.f32 v27, v22;
	[tilespmem:s0+$0x0] =	vst v28  }
0x14a: {  	v26 =	vld [tilespmem:s12+$0x10]  }
0x14b: {  	v27 =	vadd.f32 v25, v24;
	v24 =	vld [tilespmem:s3+$0x10];
	_ =	sdelay $0x1  }
0x14c: {  	[tilespmem:s0+$0xFFFFFF90] =	vst v27  }
0x14d: {  	v25 =	vld [tilespmem:s12+$0xFFFFFF90]  }
0x14e: {  	v29 =	vld [tilespmem:s3+$0xFFFFFF90]  }
0x14f: {  	v26 =	vmul.f32 v26, v23;
	v24 =	vmul.f32 v24, v22;
	_ =	sdelay $0x1  }
0x150: {  	v26 =	vadd.f32 v24, v26;
	_ =	sdelay $0x1  }
0x151: {  	v24 =	vmul.f32 v25, v23;
	v25 =	vmul.f32 v29, v22;
	[tilespmem:s0+$0x10] =	vst v26  }
0x152: {  	v29 =	vld [tilespmem:s12+$0x20]  }
0x153: {  	v30 =	vadd.f32 v25, v24;
	v24 =	vld [tilespmem:s3+$0x20];
	_ =	sdelay $0x1  }
0x154: {  	[tilespmem:s0+$0xFFFFFFA0] =	vst v30  }
0x155: {  	v31 =	vld [tilespmem:s12+$0xFFFFFFA0]  }
0x156: {  	v57 =	vld [tilespmem:s3+$0xFFFFFFA0]  }
0x157: {  	v25 =	vmul.f32 v29, v23;
	v24 =	vmul.f32 v24, v22;
	_ =	sdelay $0x1  }
0x158: {  	v25 =	vadd.f32 v24, v25;
	_ =	sdelay $0x1  }
0x159: {  	v24 =	vmul.f32 v31, v23;
	v29 =	vmul.f32 v57, v22;
	[tilespmem:s0+$0x20] =	vst v25  }
0x15a: {  	v31 =	vld [tilespmem:s12+$0x30]  }
0x15b: {  	v29 =	vadd.f32 v29, v24;
	v58 =	vld [tilespmem:s3+$0x30];
	_ =	sdelay $0x1  }
0x15c: {  	[tilespmem:s0+$0xFFFFFFB0] =	vst v29  }
0x15d: {  	v59 =	vld [tilespmem:s12+$0xFFFFFFB0]  }
0x15e: {  	v60 =	vld [tilespmem:s3+$0xFFFFFFB0]  }
0x15f: {  	v24 =	vmul.f32 v31, v23;
	v31 =	vmul.f32 v58, v22;
	_ =	sdelay $0x1  }
0x160: {  	v24 =	vadd.f32 v31, v24;
	_ =	sdelay $0x1  }
0x161: {  	v31 =	vmul.f32 v59, v23;
	v61 =	vmul.f32 v60, v22;
	[tilespmem:s0+$0x30] =	vst v24  }
0x162: {  	v62 =	vld [tilespmem:s12+$0x40]  }
0x163: {  	v31 =	vadd.f32 v61, v31;
	v63 =	vld [tilespmem:s3+$0x40]  }
0x164: {  	v40 =	vperm.xlane v27, v2  }
0x165: {  	v41 =	vperm.xlane v27, v3;
	[tilespmem:s0+$0xFFFFFFC0] =	vst v31  }
0x166: {  	v27 =	vperm.xlane v27, v16;
	v32 =	vmul.f32 v11, v40;
	v42 =	vld [tilespmem:s12+$0xFFFFFFC0]  }
0x167: {  	v43 =	vperm.xlane v30, v2;
	v45 =	vperm.xlane v30, v3;
	v44 =	vld [tilespmem:s3+$0xFFFFFFC0]  }
0x168: {  	v33 =	vmul.f32 v62, v23;
	v34 =	vmul.f32 v63, v22  }
0x169: {  	v35 =	vmul.f32 v12, v41;
	v30 =	vperm.xlane v30, v16  }
0x16a: {  	v37 =	vsel vm0, v27, v43;
	v49 =	vmul.f32 v14, v45;
	v27 =	vadd.f32 v34, v33  }
0x16b: {  	v50 =	vperm.xlane v29, v2;
	v52 =	vperm.xlane v29, v3  }
0x16c: {  	s8 =	simm.s32 $0x0;
	v47 =	vmul.f32 v42, v23;
	v48 =	vmul.f32 v44, v22;
	[tilespmem:s0+$0x40] =	vst v27  }
0x16d: {  	v55 =	vor.u32 s8, v0;
	v29 =	vperm.xlane v29, v16;
	v59 =	vperm.xlane v31, v2;
	v51 =	vld [tilespmem:s12+$0x50]  }
0x16e: {  	v30 =	vsel vm0, v30, v50;
	v60 =	vperm.xlane v31, v3;
	v39 =	vadd.f32 v48, v47;
	v53 =	vld [tilespmem:s3+$0x50]  }
0x16f: {  	v46 =	vmul.f32 v13, v37;
	v30 =	vmul.f32 v13, v30;
	v29 =	vsel vm0, v29, v59  }
0x170: {  	v41 =	vadd.s32 s8, v7;
	v29 =	vmul.f32 v13, v29;
	v62 =	vmul.f32 v14, v60;
	[tilespmem:s0+$0xFFFFFFD0] =	vst v39  }
0x171: {  	v35 =	vadd.f32 v35, v32;
	v61 =	vmul.f32 v14, v52;
	v36 =	vperm.xlane v31, v16;
	v63 =	vld [tilespmem:s12+$0xFFFFFFD0]  }
0x172: {  	v59 =	vperm.xlane v28, v3;
	v32 =	vadd.f32 v62, v29;
	v29 =	vperm.xlane v28, v2;
	v58 =	vld [tilespmem:s3+$0xFFFFFFD0]  }
0x173: {  	v33 =	vadd.f32 v61, v30;
	v30 =	vmul.f32 v51, v23;
	v31 =	vmul.f32 v53, v22  }
0x174: {  	s11 =	simm.s32 $0x70;
	v45 =	vor.u32 s8, v4;
	v43 =	vadd.f32 v49, v46;
	v34 =	vmul.f32 v12, v59  }
0x175: {  	v62 =	vadd.s32 s11, v0;
	v29 =	vmul.f32 v11, v29;
	v31 =	vadd.f32 v31, v30  }
0x176: {  	s10 =	simm.s32 $0x80;
	s15 =	sand.u32 $0x7800, s8;
	v44 =	vadd.s32 s8, v5;
	v28 =	vperm.xlane v28, v16;
	v30 =	vor.u32 s11, v10  }
0x177: {  	s25 =	sand.u32 $0x380, s10;
	s15 =	sadd.s32 $0x14A00, s15;
	v29 =	vadd.f32 v34, v29;
	v38 =	vmul.f32 v63, v23;
	v37 =	vmul.f32 v58, v22;
	[tilespmem:s0+$0x50] =	vst v31  }
0x178: {  	s31 =	sadd.s32 s25, s15;
	v42 =	vadd.s32 s8, v6;
	v56 =	vperm.xlane v27, v16;
	v60 =	vperm.xlane v39, v2;
	v50 =	vld [tilespmem:s12+$0x60]  }
0x179: {  	v61 =	vperm.xlane v39, v3;
	v51 =	vor.u32 s8, v10;
	v37 =	vadd.f32 v37, v38;
	v57 =	vld [tilespmem:s3+$0x60];
	[tilespmem:s31+$0x0] =	vst v29  }
0x17a: {  	s26 =	simm.s32 $0x0;
	v34 =	vadd.s32 s8, v9;
	v63 =	vsel vm0, v36, v60;
	v60 =	vperm.xlane v26, v2;
	v54 =	vld.idx.msk [tilespmem:v62+s20+$0x0], $0xffff  }
0x17b: {  	s16 =	sand.u32 $0x300, s26;
	v40 =	vmul.f32 v14, v61;
	v36 =	vadd.s32 s8, v8;
	v58 =	vmul.f32 v13, v63;
	[tilespmem:s0+$0xFFFFFFE0] =	vst v37;
	v52 =	vld.idx.msk [tilespmem:v30+s20+$0x0], $0xffff  }
0x17c: {  	s16 =	sadd.s32 s16, s15;
	v59 =	vperm.xlane v31, v2;
	v47 =	vperm.xlane v31, v17;
	v60 =	vsel vm0, v28, v60;
	v49 =	vld [tilespmem:s12+$0xFFFFFFE0]  }
0x17d: {  	v48 =	vperm.xlane v37, v2;
	v38 =	vld [tilespmem:s3+$0xFFFFFFE0];
	[tilespmem:s16+$0x0] =	vst v35;
	v35 =	vadd.f32 v40, v58;
	v58 =	vperm.xlane v26, v3  }
0x17e: {  	v46 =	vperm.xlane v37, v17;
	v28 =	vsel vm0, v56, v59;
	v40 =	vperm.xlane v37, v16;
	v53 =	vld.idx.msk [tilespmem:v51+s20+$0x0], $0xffff  }
0x17f: {  	v29 =	vadd.s32 s8, v19;
	v55 =	vld.idx.msk [tilespmem:v55+s20+$0x0], $0xffff;
	[tilespmem:s16+$0x20] =	vst v43;
	v43 =	vmul.f32 v13, v60;
	v56 =	vmul.f32 v14, v58  }
0x180: {  	s24 =	simm.s32 $0x0;
	s15 =	simm.s32 $0x6180;
	v30 =	vadd.s32 s8, v15;
	s12 =	simm.s32 $0x0;
	v50 =	vmul.f32 v50, v23;
	v51 =	vmul.f32 v57, v22  }
.LBB2_5:
0x181: {  	v57 =	vld [tilespmem:s15+$0x0];
	v52 =	vmul.f32 v13, v52;
	v54 =	vmul.f32 v14, v54;
	v58 =	vadd.s32 s11, v4;
	s3 =	sadd.s32 $0x100, s3  }
0x182: {  	v60 =	vadd.s32 s11, v5;
	v59 =	vld [tilespmem:s3+$0x0];
	v49 =	vmul.f32 v49, v23;
	v56 =	vadd.f32 v56, v43  }
0x183: {  	v43 =	vadd.f32 v51, v50;
	v61 =	vld [tilespmem:s15+$0xFFFFFF80];
	v38 =	vmul.f32 v38, v22;
	v50 =	vadd.f32 v54, v52  }
0x184: {  	v39 =	vperm.xlane v39, v16;
	v52 =	vperm.xlane v31, v16;
	v51 =	vld [tilespmem:s3+$0xFFFFFF80];
	[tilespmem:s31+$0x20] =	vst v56  }
0x185: {  	v54 =	vadd.f32 v38, v49;
	v38 =	vmul.f32 v13, v53;
	[tilespmem:s31+$0x10] =	vst v50;
	v49 =	vperm.xlane v43, v20  }
0x186: {  	v39 =	vsel vm0, v39, v48;
	v50 =	vmul.f32 v14, v55;
	v53 =	vperm.xlane v43, v2;
	v48 =	vld.idx.msk [tilespmem:v58+s20+$0x0], $0xffff  }
0x187: {  	v55 =	vmul.f32 v57, v23;
	v56 =	vmul.f32 v59, v22;
	v57 =	vld.idx.msk [tilespmem:v60+s20+$0x0], $0xffff;
	v47 =	vsel vm1, v47, v49  }
0x188: {  	v50 =	vadd.f32 v50, v38;
	v58 =	vperm.xlane v54, v20;
	v49 =	vmul.f32 v61, v23  }
0x189: {  	v26 =	vperm.xlane v26, v16;
	v38 =	vadd.f32 v56, v55;
	v55 =	vperm.xlane v25, v2  }
0x18a: {  	s0 =	sadd.s32 $0xE0, s0;
	v51 =	vmul.f32 v51, v22;
	v46 =	vsel vm1, v46, v58;
	[tilespmem:s16+$0x10] =	vst v50;
	v50 =	vperm.xlane v25, v3  }
0x18b: {  	v56 =	vperm.xlane v54, v2;
	[tilespmem:s0+$0x0] =	vst v38;
	v45 =	vld.idx.msk [tilespmem:v45+s20+$0x0], $0xffff;
	v26 =	vsel vm0, v26, v55  }
0x18c: {  	v49 =	vadd.f32 v51, v49;
	v51 =	vld [tilespmem:s15+$0x10];
	v26 =	vmul.f32 v13, v26;
	v50 =	vmul.f32 v14, v50  }
0x18d: {  	s12 =	sadd.s32 $0x2, s12;
	v58 =	vadd.s32 s11, v6;
	v48 =	vmul.f32 v13, v48;
	v57 =	vmul.f32 v14, v57;
	v55 =	vld [tilespmem:s3+$0x10]  }
0x18e: {  	p0 =	slt.u32 s12, $0x5E;
	v59 =	vperm.xlane v49, v2;
	[tilespmem:s0+$0xFFFFFF90] =	vst v49;
	v60 =	vld.idx.msk [tilespmem:v44+s20+$0x0], $0xffff;
	v26 =	vadd.f32 v50, v26;
	v50 =	vadd.s32 s11, v7  }
0x18f: {  	v62 =	vperm.xlane v49, v3;
	v63 =	vperm.xlane v49, v16;
	v48 =	vadd.f32 v57, v48;
	v61 =	vld [tilespmem:s15+$0xFFFFFF90];
	[tilespmem:s16+$0x40] =	vst v33  }
0x190: {  	v44 =	vperm.xlane v54, v3;
	v49 =	vmul.f32 v11, v59;
	v33 =	vsel vm0, v40, v56;
	v57 =	vld [tilespmem:s3+$0xFFFFFF90];
	[tilespmem:s31+$0x40] =	vst v26  }
0x191: {  	v26 =	vmul.f32 v12, v62;
	v56 =	vmul.f32 v13, v45;
	[tilespmem:s31+$0x30] =	vst v48;
	v48 =	vsel vm0, v52, v53  }
0x192: {  	v51 =	vmul.f32 v51, v23;
	v52 =	vmul.f32 v55, v22;
	v53 =	vld.idx.msk [tilespmem:v58+s20+$0x0], $0xffff  }
0x193: {  	v45 =	vperm.xlane v54, v17;
	v40 =	vadd.f32 v26, v49;
	v49 =	vperm.xlane v54, v18;
	v50 =	vld.idx.msk [tilespmem:v50+s20+$0x0], $0xffff  }
0x194: {  	v54 =	vmul.f32 v61, v23;
	v26 =	vadd.f32 v52, v51;
	v51 =	vmul.f32 v14, v60  }
0x195: {  	v25 =	vperm.xlane v25, v16;
	v52 =	vperm.xlane v24, v2  }
0x196: {  	v55 =	vmul.f32 v57, v22;
	[tilespmem:s0+$0x10] =	vst v26;
	v51 =	vadd.f32 v51, v56;
	v56 =	vperm.xlane v24, v3  }
0x197: {  	v58 =	vperm.xlane v43, v18;
	v25 =	vsel vm0, v25, v52;
	v52 =	vperm.xlane v43, v3;
	v57 =	vld [tilespmem:s15+$0x20]  }
0x198: {  	v54 =	vadd.f32 v55, v54;
	v25 =	vmul.f32 v13, v25;
	v55 =	vld [tilespmem:s3+$0x20];
	[tilespmem:s16+$0x30] =	vst v51;
	v51 =	vmul.f32 v14, v56  }
0x199: {  	v53 =	vmul.f32 v13, v53;
	v50 =	vmul.f32 v14, v50;
	v56 =	vadd.s32 s11, v8;
	v42 =	vld.idx.msk [tilespmem:v42+s20+$0x0], $0xffff  }
0x19a: {  	v59 =	vperm.xlane v54, v2;
	[tilespmem:s0+$0xFFFFFFA0] =	vst v54;
	v41 =	vld.idx.msk [tilespmem:v41+s20+$0x0], $0xffff;
	v25 =	vadd.f32 v51, v25;
	v51 =	vadd.s32 s11, v9  }
0x19b: {  	v61 =	vperm.xlane v54, v3;
	v54 =	vperm.xlane v54, v16;
	v60 =	vld [tilespmem:s15+$0xFFFFFFA0];
	[tilespmem:s16+$0x60] =	vst v32;
	v32 =	vadd.f32 v50, v53  }
0x19c: {  	v62 =	vperm.xlane v43, v17;
	v53 =	vsel vm0, v63, v59;
	v59 =	vperm.xlane v37, v3;
	v50 =	vld [tilespmem:s3+$0xFFFFFFA0];
	[tilespmem:s31+$0x60] =	vst v25  }
0x19d: {  	v25 =	vmul.f32 v57, v23;
	v43 =	vmul.f32 v55, v22;
	[tilespmem:s31+$0x50] =	vst v32  }
0x19e: {  	v32 =	vmul.f32 v13, v53;
	v53 =	vmul.f32 v14, v61;
	v55 =	vld.idx.msk [tilespmem:v56+s20+$0x0], $0xffff  }
0x19f: {  	v37 =	vperm.xlane v37, v10;
	v42 =	vmul.f32 v13, v42;
	v25 =	vadd.f32 v43, v25;
	v51 =	vld.idx.msk [tilespmem:v51+s20+$0x0], $0xffff  }
0x1a0: {  	v43 =	vadd.f32 v53, v32;
	v32 =	vmul.f32 v14, v41;
	v56 =	vmul.f32 v60, v23  }
0x1a1: {  	v24 =	vperm.xlane v24, v16;
	v41 =	vperm.xlane v27, v2;
	[tilespmem:s0+$0x20] =	vst v25  }
0x1a2: {  	v27 =	vperm.xlane v27, v3;
	v50 =	vmul.f32 v50, v22;
	v32 =	vadd.f32 v32, v42;
	v53 =	vld [tilespmem:s15+$0x30]  }
0x1a3: {  	v24 =	vsel vm0, v24, v41;
	v41 =	vperm.xlane v31, v3;
	v31 =	vperm.xlane v31, v10;
	v42 =	vld [tilespmem:s3+$0x30]  }
0x1a4: {  	v27 =	vmul.f32 v14, v27;
	v24 =	vmul.f32 v13, v24;
	v50 =	vadd.f32 v50, v56;
	[tilespmem:s16+$0x50] =	vst v32  }
0x1a5: {  	v51 =	vmul.f32 v14, v51;
	v32 =	vld.idx.msk [tilespmem:v36+s20+$0x0], $0xffff;
	v36 =	vmul.f32 v13, v55;
	v55 =	vadd.s32 s11, v15  }
0x1a6: {  	v24 =	vadd.f32 v27, v24;
	v27 =	vadd.s32 s11, v19;
	v56 =	vperm.xlane v50, v2;
	[tilespmem:s0+$0xFFFFFFB0] =	vst v50;
	v34 =	vld.idx.msk [tilespmem:v34+s20+$0x0], $0xffff  }
0x1a7: {  	v60 =	vperm.xlane v50, v3;
	v50 =	vperm.xlane v50, v16;
	v57 =	vld [tilespmem:s15+$0xFFFFFFB0];
	[tilespmem:s16+$0x400] =	vst v35;
	v35 =	vadd.f32 v51, v36  }
0x1a8: {  	v51 =	vsel vm0, v54, v56;
	v53 =	vmul.f32 v53, v23;
	v36 =	vld [tilespmem:s3+$0xFFFFFFB0];
	v42 =	vmul.f32 v42, v22;
	[tilespmem:s31+$0x400] =	vst v24  }
0x1a9: {  	v54 =	vmul.f32 v14, v60;
	v51 =	vmul.f32 v13, v51;
	[tilespmem:s31+$0x70] =	vst v35  }
0x1aa: {  	v35 =	vmul.f32 v14, v46;
	v24 =	vadd.f32 v42, v53;
	v42 =	vmul.f32 v13, v33;
	v46 =	vld.idx.msk [tilespmem:v55+s20+$0x0], $0xffff  }
0x1ab: {  	v47 =	vmul.f32 v14, v47;
	v33 =	vadd.f32 v54, v51;
	v32 =	vmul.f32 v13, v32;
	v27 =	vld.idx.msk [tilespmem:v27+s20+$0x0], $0xffff  }
0x1ac: {  	v34 =	vmul.f32 v14, v34;
	v51 =	vmul.f32 v57, v23;
	[tilespmem:s0+$0x30] =	vst v24  }
0x1ad: {  	v48 =	vmul.f32 v13, v48;
	v36 =	vmul.f32 v36, v22;
	v53 =	vld [tilespmem:s15+$0x40]  }
0x1ae: {  	v32 =	vadd.f32 v34, v32;
	v34 =	vmul.f32 v14, v44;
	v44 =	vmul.f32 v1, v49;
	v54 =	vld [tilespmem:s3+$0x40]  }
0x1af: {  	v45 =	vmul.f32 v21, v45;
	v49 =	vmul.f32 v14, v52;
	v36 =	vadd.f32 v36, v51  }
0x1b0: {  	[tilespmem:s16+$0x70] =	vst v32;
	v32 =	vadd.f32 v34, v42;
	v34 =	vmul.f32 v1, v58;
	v42 =	vmul.f32 v21, v62  }
0x1b1: {  	v46 =	vmul.f32 v13, v46;
	v27 =	vmul.f32 v14, v27;
	[tilespmem:s0+$0xFFFFFFC0] =	vst v36;
	v30 =	vld.idx.msk [tilespmem:v30+s20+$0x0], $0xffff  }
0x1b2: {  	v48 =	vadd.f32 v49, v48;
	v52 =	vperm.xlane v36, v2;
	v55 =	vperm.xlane v36, v3;
	v51 =	vld [tilespmem:s15+$0xFFFFFFC0]  }
0x1b3: {  	v53 =	vmul.f32 v53, v23;
	v46 =	vadd.f32 v27, v46;
	v49 =	vld [tilespmem:s3+$0xFFFFFFC0];
	v54 =	vmul.f32 v54, v22  }
0x1b4: {  	v27 =	vsel vm0, v50, v52;
	v50 =	vmul.f32 v14, v55;
	v52 =	vperm.xlane v36, v16;
	v29 =	vld.idx.msk [tilespmem:v29+s20+$0x0], $0xffff  }
0x1b5: {  	v39 =	vmul.f32 v13, v39;
	v36 =	vmul.f32 v13, v27;
	v27 =	vadd.f32 v54, v53;
	[tilespmem:s31+$0x410] =	vst v46  }
0x1b6: {  	v28 =	vmul.f32 v13, v28;
	v44 =	vadd.f32 v45, v44;
	v46 =	vmul.f32 v14, v59;
	[tilespmem:s16+$0x440] =	vst v32  }
0x1b7: {  	v32 =	vadd.f32 v50, v36;
	v45 =	vmul.f32 v51, v23;
	[tilespmem:s0+$0x40] =	vst v27;
	v50 =	vperm.xlane v27, v16  }
0x1b8: {  	v34 =	vadd.f32 v42, v34;
	v30 =	vmul.f32 v13, v30;
	v36 =	vmul.f32 v49, v22;
	v49 =	vld [tilespmem:s15+$0x50];
	[tilespmem:s16+$0x450] =	vst v44  }
0x1b9: {  	v37 =	vmul.f32 v13, v37;
	v41 =	vmul.f32 v14, v41;
	v44 =	vadd.f32 v46, v39;
	v42 =	vld [tilespmem:s3+$0x50];
	[tilespmem:s31+$0x440] =	vst v48  }
0x1ba: {  	v31 =	vmul.f32 v13, v31;
	v29 =	vmul.f32 v14, v29;
	v39 =	vadd.f32 v36, v45;
	[tilespmem:s31+$0x450] =	vst v34  }
0x1bb: {  	v28 =	vadd.f32 v41, v28;
	v34 =	vadd.f32 v35, v37;
	[tilespmem:s16+$0x420] =	vst v44  }
0x1bc: {  	v29 =	vadd.f32 v29, v30;
	[tilespmem:s0+$0xFFFFFFD0] =	vst v39;
	v35 =	vperm.xlane v39, v2;
	v37 =	vperm.xlane v39, v3  }
0x1bd: {  	s8 =	sadd.s32 $0xE0, s8;
	v41 =	vperm.xlane v38, v3;
	v36 =	vperm.xlane v38, v2;
	v30 =	vld [tilespmem:s15+$0xFFFFFFD0];
	[tilespmem:s16+$0x430] =	vst v34;
	v34 =	vadd.f32 v47, v31  }
0x1be: {  	s11 =	sadd.s32 $0x70, s8;
	v51 =	vor.u32 s8, v10;
	v31 =	vmul.f32 v49, v23;
	v46 =	vld [tilespmem:s3+$0xFFFFFFD0];
	v42 =	vmul.f32 v42, v22;
	[tilespmem:s16+$0x410] =	vst v29  }
0x1bf: {  	v55 =	vor.u32 s8, v0;
	v45 =	vor.u32 s8, v4;
	v47 =	vor.u32 s11, v10;
	[tilespmem:s31+$0x420] =	vst v28  }
0x1c0: {  	s24 =	sadd.s32 $0x200, s24;
	v29 =	vmul.f32 v12, v41;
	v28 =	vmul.f32 v11, v36;
	v31 =	vadd.f32 v42, v31;
	[tilespmem:s31+$0x430] =	vst v34  }
0x1c1: {  	s10 =	sadd.s32 $0x100, s10;
	v48 =	vadd.s32 s11, v0;
	v44 =	vadd.s32 s8, v5;
	s16 =	sand.u32 $0x7800, s24;
	v42 =	vadd.s32 s8, v6  }
0x1c2: {  	s25 =	sand.u32 $0x380, s10;
	v41 =	vadd.s32 s8, v7;
	s16 =	sadd.s32 $0x14A00, s16;
	s31 =	sadd.s32 $0xFFFFFF80, s10;
	v28 =	vadd.f32 v29, v28;
	v49 =	vmul.f32 v30, v23;
	[tilespmem:s0+$0x50] =	vst v31  }
0x1c3: {  	v36 =	vadd.s32 s8, v8;
	v34 =	vadd.s32 s8, v9;
	s26 =	sand.u32 $0x300, s31;
	s31 =	sadd.s32 s25, s16;
	v29 =	vmul.f32 v46, v22;
	v53 =	vld [tilespmem:s15+$0x60]  }
0x1c4: {  	v35 =	vsel vm0, v52, v35;
	s16 =	sadd.s32 s26, s16;
	v30 =	vadd.s32 s8, v15;
	v46 =	vmul.f32 v14, v37;
	v56 =	vld [tilespmem:s3+$0x60];
	[tilespmem:s31+$0x0] =	vst v28  }
0x1c5: {  	v28 =	vmul.f32 v13, v35;
	v37 =	vadd.f32 v29, v49;
	v29 =	vadd.s32 s8, v19;
	v52 =	vld.idx.msk [tilespmem:v47+s20+$0x0], $0xffff  }
0x1c6: {  	v57 =	vperm.xlane v31, v2;
	v47 =	vperm.xlane v31, v17;
	v54 =	vld.idx.msk [tilespmem:v48+s20+$0x0], $0xffff  }
.Ltmp3:
0x1c7: {  	v35 =	vadd.f32 v46, v28;
	[tilespmem:s0+$0xFFFFFFE0] =	vst v37;
	v48 =	vperm.xlane v37, v2;
	v46 =	vperm.xlane v37, v17;
	(pc) =	sbr.rel @p0 .LBB2_5-.Ltmp3, $4  }
0x1c8: {  	v58 =	vperm.xlane v38, v16;
	v59 =	vperm.xlane v26, v2;
	v28 =	vsel vm0, v50, v57;
	v49 =	vld [tilespmem:s15+$0xFFFFFFE0]  }
0x1c9: {  	v57 =	vperm.xlane v26, v3;
	v50 =	vmul.f32 v53, v23;
	v38 =	vld [tilespmem:s3+$0xFFFFFFE0];
	[tilespmem:s16+$0x0] =	vst v40  }
0x1ca: {  	v40 =	vperm.xlane v37, v16;
	v53 =	vld.idx.msk [tilespmem:v51+s20+$0x0], $0xffff;
	v51 =	vmul.f32 v56, v22;
	v56 =	vsel vm0, v58, v59  }
0x1cb: {  	s15 =	sadd.s32 $0x100, s15;
	v55 =	vld.idx.msk [tilespmem:v55+s20+$0x0], $0xffff;
	[tilespmem:s16+$0x20] =	vst v43;
	v43 =	vmul.f32 v13, v56;
	v56 =	vmul.f32 v14, v57  }
0x1cc: {  	v52 =	vmul.f32 v13, v52;
	v54 =	vmul.f32 v14, v54;
	v57 =	vadd.s32 s11, v4  }
0x1cd: {  	v63 =	vadd.s32 s11, v5;
	v43 =	vadd.f32 v56, v43  }
0x1ce: {  	v52 =	vadd.f32 v54, v52  }
0x1cf: {  	[tilespmem:s31+$0x20] =	vst v43  }
0x1d0: {  	[tilespmem:s31+$0x10] =	vst v52  }
0x1d1: {  	v43 =	vld.idx.msk [tilespmem:v57+s20+$0x0], $0xffff  }
0x1d2: {  	v58 =	vmul.f32 v13, v53;
	v59 =	vmul.f32 v14, v55;
	v60 =	vld.idx.msk [tilespmem:v63+s20+$0x0], $0xffff  }
0x1d3: {  	v26 =	vperm.xlane v26, v16;
	v61 =	vperm.xlane v25, v2  }
0x1d4: {  	v62 =	vperm.xlane v25, v3;
	v52 =	vadd.f32 v59, v58  }
0x1d5: {  	v26 =	vsel vm0, v26, v61  }
0x1d6: {  	v26 =	vmul.f32 v13, v26;
	v63 =	vmul.f32 v14, v62;
	[tilespmem:s16+$0x10] =	vst v52  }
0x1d7: {  	v58 =	vadd.s32 s11, v6;
	v45 =	vld.idx.msk [tilespmem:v45+s20+$0x0], $0xffff;
	v43 =	vmul.f32 v13, v43;
	v57 =	vmul.f32 v14, v60  }
0x1d8: {  	v59 =	vadd.s32 s11, v7;
	v26 =	vadd.f32 v63, v26;
	v44 =	vld.idx.msk [tilespmem:v44+s20+$0x0], $0xffff  }
0x1d9: {  	v43 =	vadd.f32 v57, v43  }
0x1da: {  	[tilespmem:s31+$0x40] =	vst v26  }
0x1db: {  	[tilespmem:s31+$0x30] =	vst v43  }
0x1dc: {  	v26 =	vld.idx.msk [tilespmem:v58+s20+$0x0], $0xffff  }
0x1dd: {  	v60 =	vmul.f32 v13, v45;
	v44 =	vmul.f32 v14, v44;
	v61 =	vld.idx.msk [tilespmem:v59+s20+$0x0], $0xffff  }
0x1de: {  	v62 =	vperm.xlane v25, v16;
	v63 =	vperm.xlane v24, v2  }
0x1df: {  	v54 =	vperm.xlane v24, v3;
	v43 =	vadd.f32 v44, v60  }
0x1e0: {  	[tilespmem:s16+$0x40] =	vst v33;
	v25 =	vsel vm0, v62, v63  }
0x1e1: {  	v55 =	vmul.f32 v14, v54;
	v25 =	vmul.f32 v13, v25;
	[tilespmem:s16+$0x30] =	vst v43  }
0x1e2: {  	v57 =	vadd.s32 s11, v8;
	v42 =	vld.idx.msk [tilespmem:v42+s20+$0x0], $0xffff;
	v26 =	vmul.f32 v13, v26;
	v56 =	vmul.f32 v14, v61  }
0x1e3: {  	v25 =	vadd.f32 v55, v25;
	v58 =	vadd.s32 s11, v9;
	v41 =	vld.idx.msk [tilespmem:v41+s20+$0x0], $0xffff  }
0x1e4: {  	v26 =	vadd.f32 v56, v26  }
0x1e5: {  	v23 =	vmul.f32 v49, v23;
	v22 =	vmul.f32 v38, v22;
	v63 =	vadd.f32 v51, v50;
	[tilespmem:s31+$0x60] =	vst v25  }
0x1e6: {  	v53 =	vperm.xlane v31, v16;
	v62 =	vperm.xlane v27, v3;
	[tilespmem:s31+$0x50] =	vst v26  }
0x1e7: {  	v51 =	vperm.xlane v39, v16;
	v38 =	vperm.xlane v63, v17;
	v25 =	vld.idx.msk [tilespmem:v57+s20+$0x0], $0xffff  }
0x1e8: {  	v59 =	vmul.f32 v13, v42;
	v41 =	vmul.f32 v14, v41;
	v33 =	vld.idx.msk [tilespmem:v58+s20+$0x0], $0xffff  }
0x1e9: {  	v22 =	vadd.f32 v22, v23;
	v60 =	vperm.xlane v24, v16;
	v61 =	vperm.xlane v27, v2  }
0x1ea: {  	v54 =	vperm.xlane v63, v20;
	v55 =	vperm.xlane v63, v2;
	v26 =	vadd.f32 v41, v59  }
0x1eb: {  	v38 =	vmul.f32 v21, v38;
	[tilespmem:s16+$0x60] =	vst v32;
	v27 =	vmul.f32 v14, v62;
	v24 =	vsel vm0, v60, v61  }
0x1ec: {  	v52 =	vadd.s32 s11, v19;
	v56 =	vperm.xlane v22, v20;
	v24 =	vmul.f32 v13, v24;
	[tilespmem:s16+$0x50] =	vst v26  }
0x1ed: {  	v50 =	vadd.s32 s11, v15;
	v36 =	vld.idx.msk [tilespmem:v36+s20+$0x0], $0xffff;
	v25 =	vmul.f32 v13, v25;
	v49 =	vmul.f32 v14, v33  }
0x1ee: {  	v60 =	vperm.xlane v63, v3;
	v61 =	vperm.xlane v63, v18;
	v24 =	vadd.f32 v27, v24;
	v23 =	vld.idx.msk [tilespmem:v34+s20+$0x0], $0xffff  }
0x1ef: {  	v57 =	vperm.xlane v22, v2;
	v58 =	vperm.xlane v22, v3;
	v25 =	vadd.f32 v49, v25  }
0x1f0: {  	v59 =	vperm.xlane v22, v18;
	v22 =	vperm.xlane v22, v17;
	[tilespmem:s31+$0x400] =	vst v24  }
0x1f1: {  	v63 =	vperm.xlane v37, v10;
	v24 =	vsel vm1, v46, v56;
	v46 =	vperm.xlane v31, v3;
	[tilespmem:s31+$0x70] =	vst v25  }
0x1f2: {  	v26 =	vsel vm1, v47, v54;
	v22 =	vmul.f32 v21, v22;
	v54 =	vmul.f32 v14, v60;
	v32 =	vld.idx.msk [tilespmem:v50+s20+$0x0], $0xffff  }
0x1f3: {  	v36 =	vmul.f32 v13, v36;
	v23 =	vmul.f32 v14, v23;
	v27 =	vld.idx.msk [tilespmem:v52+s20+$0x0], $0xffff  }
0x1f4: {  	v60 =	vmul.f32 v14, v46;
	v33 =	vsel vm0, v51, v48;
	v48 =	vsel vm0, v40, v57  }
0x1f5: {  	v51 =	vmul.f32 v1, v59;
	v59 =	vmul.f32 v13, v28;
	v23 =	vadd.f32 v23, v36  }
0x1f6: {  	[tilespmem:s16+$0x400] =	vst v35;
	v25 =	vmul.f32 v14, v58;
	v50 =	vmul.f32 v13, v48  }
0x1f7: {  	v49 =	vsel vm0, v53, v55;
	v58 =	vmul.f32 v13, v63;
	v63 =	vadd.f32 v60, v59;
	[tilespmem:s16+$0x70] =	vst v23  }
0x1f8: {  	v25 =	vadd.f32 v25, v50;
	v30 =	vld.idx.msk [tilespmem:v30+s20+$0x0], $0xffff;
	v23 =	vmul.f32 v13, v32;
	v27 =	vmul.f32 v14, v27  }
0x1f9: {  	v55 =	vmul.f32 v1, v61;
	v22 =	vadd.f32 v22, v51;
	[tilespmem:s31+$0x420] =	vst v63;
	v52 =	vld.idx.msk [tilespmem:v29+s20+$0x0], $0xffff  }
0x1fa: {  	v62 =	vperm.xlane v37, v3;
	v53 =	vmul.f32 v13, v49;
	[tilespmem:s16+$0x440] =	vst v25;
	v23 =	vadd.f32 v27, v23  }
0x1fb: {  	v47 =	vperm.xlane v31, v10;
	v24 =	vmul.f32 v14, v24;
	[tilespmem:s16+$0x450] =	vst v22;
	v22 =	vadd.f32 v38, v55  }
0x1fc: {  	v57 =	vmul.f32 v14, v62;
	v56 =	vmul.f32 v13, v33;
	[tilespmem:s31+$0x410] =	vst v23;
	v23 =	vadd.f32 v54, v53  }
0x1fd: {  	v62 =	vmul.f32 v13, v47;
	v61 =	vmul.f32 v14, v26;
	[tilespmem:s31+$0x450] =	vst v22;
	v22 =	vadd.f32 v24, v58  }
0x1fe: {  	v29 =	vadd.f32 v57, v56;
	v30 =	vmul.f32 v13, v30;
	[tilespmem:s31+$0x440] =	vst v23;
	v23 =	vmul.f32 v14, v52  }
.Ltmp4:
0x1ff: {  	[tilespmem:s16+$0x430] =	vst v22;
	v22 =	vadd.f32 v61, v62;
	(pc) =	sbr.rel @p1 .LBB2_8-.Ltmp4, $4  }
0x200: {  	s0 =	sadd.s32 s14, s30;
	[tilespmem:s16+$0x420] =	vst v29;
	v23 =	vadd.f32 v23, v30  }
0x201: {  	s0 =	sshrl.u32 s0, $0x3;
	[tilespmem:s31+$0x430] =	vst v22  }
0x202: {  	s0 =	sadd.s32 s4, s0;
	[tilespmem:s16+$0x410] =	vst v23  }
0x203: {  	[hbm4b:s0+s5] =	stream.linear.scatter [tilespmem:s23], [sflag:$0x4], $0x6000, $0x38;
	[tilespmem:$0x1AA00] =	vst v63  }
0x204: {  	s0 =	sadd.s32 $0x3, s29  }
0x205: {  	s3 =	sshrl.u32 s0, $0x1  }
0x206: {  	s3 =	smul.u32 $0x3000, s3  }
0x207: {  	p0 =	seq.s32 s0, $0xDF  }
0x208: {  	s3 =	simm.s32 @p0 $0x14A000  }
0x209: {  	s30 =	sadd.s32 s6, s3  }
0x20a: {  	s0 =	sshrl.u32 s30, $0x3  }
.Ltmp5:
0x20b: {  	s31 =	sadd.s32 s3, s7;
	s0 =	sadd.s32 s2, s0;
	(pc) =	sbr.rel .LBB2_2-.Ltmp5, $4  }
0x20c: {  	[tilespmem:s17], [sflag:$0x2] =	stream.linear.gather [hbm4b:s0+s5], $0x3000, $0x38;
	[tilespmem:$0x1AA00] =	vst v63  }
0x20d: {  	s0 =	sshrl.u32 s31, $0x3  }
0x20e: {  	s28 =	sadd.s32 $0x1, s28;
	s0 =	sadd.s32 s2, s0  }
0x20f: {  	[tilespmem:s18], [sflag:$0x2] =	stream.linear.gather [hbm4b:s0+s5], $0x3000, $0x38;
	[tilespmem:$0x1AA00] =	vst v63  }
.LBB2_9:
0x210: {  	_ =	sfence.sel $0x180000  }
0x211: {  	[bflag:$0x0] =	sbarrier.arrive $0xFFFF  }
0x212: {  	_ =	strace $0x90000047  }
0x213: {  	s0 =	stileid.u32;
	[bflag:$0x2] =	sbarrier.arrive $0xFFFF  }
0x214: {  	p0 =	sne.s32 s0, $0x0;
	s0 =	rddreg [dreg:$0x2]  }
0x215: {  	s0 =	sadd.s32 @!p0 $0x100000, s0  }
0x216: {  	[sflag:s0] =	ssyncadd.tile.s32 @!p0 $0x1;
	_ =	shalt  }
.Lfunc_end2:
_tile_overlayer_lowered:
.L_overlay_start_2:
0x217: {  	(tag) =	ssettag $0x2  }
0x218: {  	s0 =	rddreg [dreg:$0x0];
	s2 =	stileid.u32  }
0x219: {  	s1 =	rddreg [dreg:$0x1];
	p0 =	sne.s32 s2, $0x0  }
0x21a: {  	s3 =	rddreg [dreg:$0x2];
	[bflag:$0x3] =	sbarrier.arrive $0xFFFF;
	s2 =	simm.s32 @!p0 $0x1C05  }
0x21b: {  	[timem:s3], [sflag:s2] =	dma.local @!p0 [hbm:s0], s1  }
0x21c: {  	s0 =	simm.s32 @!p0 $0x5  }
0x21d: {  	_ =	swait.ge @!p0 [sflag:s0], s1  }
0x21e: {  	s1 =	ssub.s32 @!p0 $0x0, s1;
	[sflag:s0] =	ssyncset.done @!p0 $0x0  }
0x21f: {  	[sflag:s0] =	ssyncadd.s32 @!p0 s1  }
0x220: {  	[bflag:$0x3] =	sbarrier.arrive $0xFFFF  }
0x221: {  	_ =	shalt  }

</sc_bundles>
